<compile_context>
chip_gen: v7x
topology: tpu7x:2x2x1
jax: 0.10.2.dev20260603
libtpu: 0.0.44.dev20260713+nightly
codegen_flags: <defaults>
</compile_context>

<pallas_src>
import functools

import jax
import jax.numpy as jnp
from jax import lax
from jax.experimental import pallas as pl
from jax.experimental.pallas import tpu as pltpu
from jax.experimental.pallas import tpu_sc as plsc

N = 10000
E = 320000
D_IN = 128
D_H = 64

NC = 2
NS = 16
NW = NC * NS

EPW = E // NW
CHUNK = 80
NCH = 125
NBUF = 6
RPT = 632
N_PAD = NS * RPT

BLK = 2000



def _agg_body(with_counts, *refs):
    if with_counts:
        (z_hbm, edge_hbm, zrow_hbm, zcnt_hbm,
         out_hbm, cnt_hbm,
         src_v, dst_v, *rest) = refs
        (*bufs, ones_v, acc_sh, cnt_sh) = rest[:NBUF + 3]
        sems = rest[NBUF + 3:2 * NBUF + 3]
        semcs = rest[2 * NBUF + 3:]
    else:
        (z_hbm, edge_hbm, zrow_hbm,
         out_hbm,
         src_v, dst_v, *rest) = refs
        bufs = rest[:NBUF]
        acc_sh = rest[NBUF]
        sems = rest[NBUF + 1:]
        semcs = None

    c = lax.axis_index("c")
    s = lax.axis_index("s")
    wid = c * NS + s

    pltpu.sync_copy(edge_hbm.at[0, wid], src_v)
    pltpu.sync_copy(edge_hbm.at[1, wid], dst_v)

    pltpu.sync_copy(zrow_hbm, acc_sh.at[pl.ds(s * RPT, RPT)])
    if with_counts:
        pltpu.sync_copy(zcnt_hbm, cnt_sh.at[pl.ds(s * RPT, RPT)])

        def _fill_ones(i, carry):
            ones_v[i, :] = jnp.ones((16,), jnp.float32)
            return carry
        lax.fori_loop(0, CHUNK, _fill_ones, 0)

    plsc.subcore_barrier()

    for b in range(NBUF):
        pltpu.async_copy(z_hbm.at[src_v.at[b]], bufs[b], sems[b])

    def _step(cidx, b, last=False):
        rows, sem = bufs[b], sems[b]
        pltpu.make_async_copy(z_hbm.at[src_v.at[0]], rows, sem).wait()
        pltpu.sync_copy(rows, acc_sh.at[dst_v.at[cidx]], add=True)
        if with_counts:
            semc = semcs[b]

            @pl.when(cidx >= NBUF)
            def _():
                pltpu.make_async_copy(ones_v, cnt_sh.at[dst_v.at[0]],
                                      semc).wait()
            pltpu.async_copy(ones_v, cnt_sh.at[dst_v.at[cidx]], semc,
                             add=True)
        if last:
            return

        @pl.when(cidx + NBUF < NCH)
        def _():
            pltpu.async_copy(z_hbm.at[src_v.at[cidx + NBUF]], rows, sem)

    def _loop(g, carry):
        for b in range(NBUF):
            _step(NBUF * g + b, b)
        return carry
    lax.fori_loop(0, NCH // NBUF, _loop, 0)
    for r in range(NCH - (NCH // NBUF) * NBUF):
        _step((NCH // NBUF) * NBUF + r, r, last=True)
    if with_counts:
        for b in range(NBUF):
            pltpu.make_async_copy(ones_v, cnt_sh.at[dst_v.at[0]],
                                  semcs[b]).wait()

    plsc.subcore_barrier()

    pltpu.sync_copy(acc_sh.at[pl.ds(s * RPT, RPT)],
                    out_hbm.at[c, pl.ds(s * RPT, RPT)])
    if with_counts:
        pltpu.sync_copy(cnt_sh.at[pl.ds(s * RPT, RPT)],
                        cnt_hbm.at[c, pl.ds(s * RPT, RPT)])


def _make_agg(with_counts):
    mesh = plsc.VectorSubcoreMesh(core_axis_name="c", subcore_axis_name="s")
    out_type = [jax.ShapeDtypeStruct((NC, N_PAD, D_H), jnp.float32)]
    scratch = [
        pltpu.VMEM((NCH, CHUNK), jnp.int32),
        pltpu.VMEM((NCH, CHUNK), jnp.int32),
    ]
    scratch += [pltpu.VMEM((CHUNK, D_H), jnp.float32)] * NBUF
    if with_counts:
        out_type.append(jax.ShapeDtypeStruct((NC, N_PAD, 16), jnp.float32))
        scratch.append(pltpu.VMEM((CHUNK, 16), jnp.float32))
    scratch.append(pltpu.VMEM_SHARED((N_PAD, D_H), jnp.float32))
    if with_counts:
        scratch.append(pltpu.VMEM_SHARED((N_PAD, 16), jnp.float32))
    scratch += [pltpu.SemaphoreType.DMA] * NBUF
    if with_counts:
        scratch += [pltpu.SemaphoreType.DMA] * NBUF
    return pl.kernel(
        functools.partial(_agg_body, with_counts),
        out_type=out_type,
        mesh=mesh,
        scratch_types=scratch,
        compiler_params=pltpu.CompilerParams(use_tc_tiling_on_sc=False),
    )


_agg_with_counts = _make_agg(True)
_agg_no_counts = _make_agg(False)



def _mm_body(x_ref, w_ref, o_ref):
    o_ref[...] = jnp.dot(x_ref[...], w_ref[...],
                         preferred_element_type=jnp.float32)


_mm = pl.pallas_call(
    _mm_body,
    grid=(N // BLK,),
    in_specs=[
        pl.BlockSpec((BLK, D_IN), lambda i: (i, 0)),
        pl.BlockSpec((D_IN, D_H), lambda i: (0, 0)),
    ],
    out_specs=pl.BlockSpec((BLK, D_H), lambda i: (i, 0)),
    out_shape=jax.ShapeDtypeStruct((N, D_H), jnp.float32),
)


def _mid_body(p_ref, c_ref, x_ref, w1r_ref, b1l_ref, w2l_ref,
              h1_ref, z2_ref):
    cnt = jnp.maximum(c_ref[0, :, :1] + c_ref[1, :, :1], 1.0)
    agg = (p_ref[0] + p_ref[1]) / cnt
    h1 = jnp.maximum(
        agg + b1l_ref[...]
        + jnp.dot(x_ref[...], w1r_ref[...], preferred_element_type=jnp.float32),
        0.0)
    h1_ref[...] = h1
    z2_ref[...] = jnp.dot(h1, w2l_ref[...], preferred_element_type=jnp.float32)


_mid = pl.pallas_call(
    _mid_body,
    grid=(N // BLK,),
    in_specs=[
        pl.BlockSpec((2, BLK, D_H), lambda i: (0, i, 0)),
        pl.BlockSpec((2, BLK, 16), lambda i: (0, i, 0)),
        pl.BlockSpec((BLK, D_IN), lambda i: (i, 0)),
        pl.BlockSpec((D_IN, D_H), lambda i: (0, 0)),
        pl.BlockSpec((1, D_H), lambda i: (0, 0)),
        pl.BlockSpec((D_H, D_H), lambda i: (0, 0)),
    ],
    out_specs=[
        pl.BlockSpec((BLK, D_H), lambda i: (i, 0)),
        pl.BlockSpec((BLK, D_H), lambda i: (i, 0)),
    ],
    out_shape=[
        jax.ShapeDtypeStruct((N, D_H), jnp.float32),
        jax.ShapeDtypeStruct((N, D_H), jnp.float32),
    ],
)


def _fin_body(p_ref, c_ref, h1_ref, w2r_ref, b2l_ref,
              wp1_ref, bp1_ref, wp2_ref, bp2_ref, o_ref):
    cnt = jnp.maximum(c_ref[0, :, :1] + c_ref[1, :, :1], 1.0)
    agg = (p_ref[0] + p_ref[1]) / cnt
    h2 = jnp.maximum(
        agg + b2l_ref[...]
        + jnp.dot(h1_ref[...], w2r_ref[...],
                  preferred_element_type=jnp.float32),
        0.0)
    p = jnp.maximum(
        jnp.dot(h2, wp1_ref[...], preferred_element_type=jnp.float32)
        + bp1_ref[...],
        0.0)
    o_ref[...] = (jnp.dot(p, wp2_ref[...], preferred_element_type=jnp.float32)
                  + bp2_ref[...])


_fin = pl.pallas_call(
    _fin_body,
    grid=(N // BLK,),
    in_specs=[
        pl.BlockSpec((2, BLK, D_H), lambda i: (0, i, 0)),
        pl.BlockSpec((2, BLK, 16), lambda i: (0, i, 0)),
        pl.BlockSpec((BLK, D_H), lambda i: (i, 0)),
        pl.BlockSpec((D_H, D_H), lambda i: (0, 0)),
        pl.BlockSpec((1, D_H), lambda i: (0, 0)),
        pl.BlockSpec((D_H, D_H // 2), lambda i: (0, 0)),
        pl.BlockSpec((1, D_H // 2), lambda i: (0, 0)),
        pl.BlockSpec((D_H // 2, 1), lambda i: (0, 0)),
        pl.BlockSpec((1, 1), lambda i: (0, 0)),
    ],
    out_specs=pl.BlockSpec((BLK, 1), lambda i: (i, 0)),
    out_shape=jax.ShapeDtypeStruct((N, 1), jnp.float32),
)



def kernel(x, edge_index, W1l, b1l, W1r, W2l, b2l, W2r, Wp1, bp1, Wp2, bp2):
    edges = edge_index.reshape(2, NW, NCH, CHUNK)
    zrow = jnp.zeros((RPT, D_H), jnp.float32)
    zcnt = jnp.zeros((RPT, 16), jnp.float32)

    b1l2 = b1l.reshape(1, D_H)
    b2l2 = b2l.reshape(1, D_H)
    bp12 = bp1.reshape(1, D_H // 2)
    bp22 = bp2.reshape(1, 1)

    z1 = _mm(x, W1l)
    p1, cnt = _agg_with_counts(z1, edges, zrow, zcnt)
    h1, z2 = _mid(p1, cnt, x, W1r, b1l2, W2l)
    (p2,) = _agg_no_counts(z2, edges, zrow)
    return _fin(p2, cnt, h1, W2r, b2l2, Wp1, bp12, Wp2, bp22)

# --- scband reference (transcript-rebuilt; emitter-appended) ---
"""Pipeline reference for scband-gnnscalable-predictor-69887707840666 (READ-ONLY COPY).

The authoritative reference and input builder live on the scoring server;
editing this copy changes nothing except your own understanding.
"""

import jax, jax.numpy as jnp
import numpy as np

N = 10000
E = 320000
D_IN = 128
D_H = 64


def setup_inputs(seed: int = 0) -> dict:
    key = jax.random.key(seed)
    ks = jax.random.split(key, 12)
    x = jax.random.normal(ks[0], (N, D_IN), dtype=jnp.float32)
    edge_index = jax.random.randint(ks[1], (2, E), 0, N, dtype=jnp.int32)
    # SAGEConv 1: lin_l (neighbor aggregation, with bias), lin_r (root, no bias)
    W1l = jax.random.normal(ks[2], (D_IN, D_H), dtype=jnp.float32) / np.sqrt(D_IN)
    b1l = jnp.zeros((D_H,), dtype=jnp.float32)
    W1r = jax.random.normal(ks[3], (D_IN, D_H), dtype=jnp.float32) / np.sqrt(D_IN)
    # SAGEConv 2
    W2l = jax.random.normal(ks[4], (D_H, D_H), dtype=jnp.float32) / np.sqrt(D_H)
    b2l = jnp.zeros((D_H,), dtype=jnp.float32)
    W2r = jax.random.normal(ks[5], (D_H, D_H), dtype=jnp.float32) / np.sqrt(D_H)
    # Predictor: Linear(64, 32) -> ReLU -> Dropout(eval: identity) -> Linear(32, 1)
    Wp1 = jax.random.normal(ks[6], (D_H, D_H // 2), dtype=jnp.float32) / np.sqrt(D_H)
    bp1 = jnp.zeros((D_H // 2,), dtype=jnp.float32)
    Wp2 = jax.random.normal(ks[7], (D_H // 2, 1), dtype=jnp.float32) / np.sqrt(D_H // 2)
    bp2 = jnp.zeros((1,), dtype=jnp.float32)
    return {
        "x": x, "edge_index": edge_index,
        "W1l": W1l, "b1l": b1l, "W1r": W1r,
        "W2l": W2l, "b2l": b2l, "W2r": W2r,
        "Wp1": Wp1, "bp1": bp1, "Wp2": Wp2, "bp2": bp2,
    }


def _sage_conv(x, edge_index, Wl, bl, Wr):
    # PyG SAGEConv with mean aggregation:
    # out = lin_l(mean_{j in N(i)} x_j) + lin_r(x_i)
    src = edge_index[0]
    dst = edge_index[1]
    msgs = jnp.take(x, src, axis=0)                      # gather  [E, d]
    summed = jax.ops.segment_sum(msgs, dst, num_segments=N)  # scatter-add [N, d]
    cnt = jax.ops.segment_sum(jnp.ones(dst.shape, dtype=jnp.float32), dst, num_segments=N)
    mean = summed / jnp.clip(cnt, 1.0)[:, None]
    return mean @ Wl + bl + x @ Wr


def reference(x, edge_index, W1l, b1l, W1r, W2l, b2l, W2r, Wp1, bp1, Wp2, bp2):
    h = _sage_conv(x, edge_index, W1l, b1l, W1r)
    h = jax.nn.relu(h)
    # dropout p=0.3: identity in eval mode
    h = _sage_conv(h, edge_index, W2l, b2l, W2r)
    h = jax.nn.relu(h)
    # predictor
    h = jax.nn.relu(h @ Wp1 + bp1)
    # dropout p=0.2: identity in eval mode
    return h @ Wp2 + bp2

if __name__ == "__main__":
    import jax
    _d = setup_inputs()
    print(jax.jit(kernel)(*tuple(_d.values())))

</pallas_src>

<mosaic_0001>
#map = affine_map<(d0, d1) -> (0, 0)>
#map1 = affine_map<(d0, d1) -> (0, 0, 0, 0)>
#map2 = affine_map<(d0, d1) -> (0, 0, 0)>
module attributes {stable_mosaic.version = 14 : i64} {
  func.func @_agg_body(%arg0: i32, %arg1: i32, %arg2: memref<10000x64xf32, #tpu.memory_space<hbm>>, %arg3: memref<2x32x125x80xi32, #tpu.memory_space<hbm>>, %arg4: memref<632x64xf32, #tpu.memory_space<hbm>>, %arg5: memref<2x10112x64xf32, #tpu.memory_space<hbm>>, %arg6: memref<125x80xi32, #tpu.memory_space<vmem>>, %arg7: memref<125x80xi32, #tpu.memory_space<vmem>>, %arg8: memref<80x64xf32, #tpu.memory_space<vmem>>, %arg9: memref<80x64xf32, #tpu.memory_space<vmem>>, %arg10: memref<80x64xf32, #tpu.memory_space<vmem>>, %arg11: memref<80x64xf32, #tpu.memory_space<vmem>>, %arg12: memref<80x64xf32, #tpu.memory_space<vmem>>, %arg13: memref<80x64xf32, #tpu.memory_space<vmem>>, %arg14: memref<10112x64xf32, #tpu.memory_space<vmem_shared>>, %arg15: memref<!tpu.dma_semaphore, #tpu.memory_space<semaphore_mem>>, %arg16: memref<!tpu.dma_semaphore, #tpu.memory_space<semaphore_mem>>, %arg17: memref<!tpu.dma_semaphore, #tpu.memory_space<semaphore_mem>>, %arg18: memref<!tpu.dma_semaphore, #tpu.memory_space<semaphore_mem>>, %arg19: memref<!tpu.dma_semaphore, #tpu.memory_space<semaphore_mem>>, %arg20: memref<!tpu.dma_semaphore, #tpu.memory_space<semaphore_mem>>) attributes {dimension_semantics = [#tpu.dimension_semantics<core_parallel>, #tpu.dimension_semantics<subcore_parallel>], iteration_bounds = array<i64: 2, 16>, scalar_prefetch = 0 : i64, scratch_operands = 15 : i64, tpu.core_type = #tpu.core_type<sc_vector_subcore>, window_params = [{transform_indices = #map}, {transform_indices = #map1}, {transform_indices = #map}, {transform_indices = #map2}]} {
    %mul3A = arith.constant 16 : i32
    %mul3A_0 = arith.muli %arg0, %mul3A : i32
    %add3A = arith.addi %mul3A_0, %arg1 : i32
    %run_scoped3A = arith.constant 0 : i32
    "tpu.region"() ({
      %run_scoped3A_94 = tpu.sem_alloc : memref<!tpu.dma_semaphore, #tpu.memory_space<semaphore_mem>>
      %dma_start3A_95 = arith.constant 0 : i32
      %dma_start3A_96 = arith.constant 0 : i32
      %dma_start3A_97 = tpu.memref_slice %arg3[%run_scoped3A, %add3A, %dma_start3A_95, %dma_start3A_96] : memref<2x32x125x80xi32, #tpu.memory_space<hbm>> -> memref<1x1x125x80xi32, #tpu.memory_space<hbm>>
      %dma_start3A_98 = tpu.memref_squeeze %dma_start3A_97 : memref<1x1x125x80xi32, #tpu.memory_space<hbm>> -> memref<125x80xi32, #tpu.memory_space<hbm>>
      %dma_start3A_99 = arith.constant 0 : i32
      %dma_start3A_100 = arith.constant 0 : i32
      %dma_start3A_101 = tpu.memref_slice %arg3[%run_scoped3A, %add3A, %dma_start3A_99, %dma_start3A_100] : memref<2x32x125x80xi32, #tpu.memory_space<hbm>> -> memref<1x1x125x80xi32, #tpu.memory_space<hbm>>
      %dma_start3A_102 = tpu.memref_squeeze %dma_start3A_101 : memref<1x1x125x80xi32, #tpu.memory_space<hbm>> -> memref<125x80xi32, #tpu.memory_space<hbm>>
      tpu.enqueue_dma source(%dma_start3A_102 : memref<125x80xi32, #tpu.memory_space<hbm>>) target(%arg6 : memref<125x80xi32, #tpu.memory_space<vmem>>) target_semaphore(%run_scoped3A_94 : memref<!tpu.dma_semaphore, #tpu.memory_space<semaphore_mem>>)
      %dma_wait3A_103 = arith.constant 0 : i32
      %dma_wait3A_104 = arith.constant 0 : i32
      %dma_wait3A_105 = tpu.memref_slice %arg3[%run_scoped3A, %add3A, %dma_wait3A_103, %dma_wait3A_104] : memref<2x32x125x80xi32, #tpu.memory_space<hbm>> -> memref<1x1x125x80xi32, #tpu.memory_space<hbm>>
      %dma_wait3A_106 = tpu.memref_squeeze %dma_wait3A_105 : memref<1x1x125x80xi32, #tpu.memory_space<hbm>> -> memref<125x80xi32, #tpu.memory_space<hbm>>
      %dma_wait3A_107 = arith.constant 0 : i32
      %dma_wait3A_108 = arith.constant 0 : i32
      %dma_wait3A_109 = tpu.memref_slice %arg3[%run_scoped3A, %add3A, %dma_wait3A_107, %dma_wait3A_108] : memref<2x32x125x80xi32, #tpu.memory_space<hbm>> -> memref<1x1x125x80xi32, #tpu.memory_space<hbm>>
      %dma_wait3A_110 = tpu.memref_squeeze %dma_wait3A_109 : memref<1x1x125x80xi32, #tpu.memory_space<hbm>> -> memref<125x80xi32, #tpu.memory_space<hbm>>
      tpu.wait_dma2 semaphore(%run_scoped3A_94 : memref<!tpu.dma_semaphore, #tpu.memory_space<semaphore_mem>>) src(%dma_wait3A_110 : memref<125x80xi32, #tpu.memory_space<hbm>>) dst(%arg6 : memref<125x80xi32, #tpu.memory_space<vmem>>)
      tpu.yield
    }) : () -> ()
    %run_scoped3A_1 = arith.constant 1 : i32
    "tpu.region"() ({
      %run_scoped3A_94 = tpu.sem_alloc : memref<!tpu.dma_semaphore, #tpu.memory_space<semaphore_mem>>
      %dma_start3A_95 = arith.constant 0 : i32
      %dma_start3A_96 = arith.constant 0 : i32
      %dma_start3A_97 = tpu.memref_slice %arg3[%run_scoped3A_1, %add3A, %dma_start3A_95, %dma_start3A_96] : memref<2x32x125x80xi32, #tpu.memory_space<hbm>> -> memref<1x1x125x80xi32, #tpu.memory_space<hbm>>
      %dma_start3A_98 = tpu.memref_squeeze %dma_start3A_97 : memref<1x1x125x80xi32, #tpu.memory_space<hbm>> -> memref<125x80xi32, #tpu.memory_space<hbm>>
      %dma_start3A_99 = arith.constant 0 : i32
      %dma_start3A_100 = arith.constant 0 : i32
      %dma_start3A_101 = tpu.memref_slice %arg3[%run_scoped3A_1, %add3A, %dma_start3A_99, %dma_start3A_100] : memref<2x32x125x80xi32, #tpu.memory_space<hbm>> -> memref<1x1x125x80xi32, #tpu.memory_space<hbm>>
      %dma_start3A_102 = tpu.memref_squeeze %dma_start3A_101 : memref<1x1x125x80xi32, #tpu.memory_space<hbm>> -> memref<125x80xi32, #tpu.memory_space<hbm>>
      tpu.enqueue_dma source(%dma_start3A_102 : memref<125x80xi32, #tpu.memory_space<hbm>>) target(%arg7 : memref<125x80xi32, #tpu.memory_space<vmem>>) target_semaphore(%run_scoped3A_94 : memref<!tpu.dma_semaphore, #tpu.memory_space<semaphore_mem>>)
      %dma_wait3A_103 = arith.constant 0 : i32
      %dma_wait3A_104 = arith.constant 0 : i32
      %dma_wait3A_105 = tpu.memref_slice %arg3[%run_scoped3A_1, %add3A, %dma_wait3A_103, %dma_wait3A_104] : memref<2x32x125x80xi32, #tpu.memory_space<hbm>> -> memref<1x1x125x80xi32, #tpu.memory_space<hbm>>
      %dma_wait3A_106 = tpu.memref_squeeze %dma_wait3A_105 : memref<1x1x125x80xi32, #tpu.memory_space<hbm>> -> memref<125x80xi32, #tpu.memory_space<hbm>>
      %dma_wait3A_107 = arith.constant 0 : i32
      %dma_wait3A_108 = arith.constant 0 : i32
      %dma_wait3A_109 = tpu.memref_slice %arg3[%run_scoped3A_1, %add3A, %dma_wait3A_107, %dma_wait3A_108] : memref<2x32x125x80xi32, #tpu.memory_space<hbm>> -> memref<1x1x125x80xi32, #tpu.memory_space<hbm>>
      %dma_wait3A_110 = tpu.memref_squeeze %dma_wait3A_109 : memref<1x1x125x80xi32, #tpu.memory_space<hbm>> -> memref<125x80xi32, #tpu.memory_space<hbm>>
      tpu.wait_dma2 semaphore(%run_scoped3A_94 : memref<!tpu.dma_semaphore, #tpu.memory_space<semaphore_mem>>) src(%dma_wait3A_110 : memref<125x80xi32, #tpu.memory_space<hbm>>) dst(%arg7 : memref<125x80xi32, #tpu.memory_space<vmem>>)
      tpu.yield
    }) : () -> ()
    %mul3A_2 = arith.constant 632 : i32
    %mul3A_3 = arith.muli %arg1, %mul3A_2 : i32
    "tpu.region"() ({
      %run_scoped3A_94 = tpu.sem_alloc : memref<!tpu.dma_semaphore, #tpu.memory_space<semaphore_mem>>
      %dma_start3A_95 = arith.constant 0 : i32
      %dma_start3A_96 = tpu.memref_slice %arg14[%mul3A_3, %dma_start3A_95] : memref<10112x64xf32, #tpu.memory_space<vmem_shared>> -> memref<632x64xf32, #tpu.memory_space<vmem_shared>>
      tpu.enqueue_dma source(%arg4 : memref<632x64xf32, #tpu.memory_space<hbm>>) target(%dma_start3A_96 : memref<632x64xf32, #tpu.memory_space<vmem_shared>>) target_semaphore(%run_scoped3A_94 : memref<!tpu.dma_semaphore, #tpu.memory_space<semaphore_mem>>)
      %dma_wait3A_97 = arith.constant 0 : i32
      %dma_wait3A_98 = tpu.memref_slice %arg14[%mul3A_3, %dma_wait3A_97] : memref<10112x64xf32, #tpu.memory_space<vmem_shared>> -> memref<632x64xf32, #tpu.memory_space<vmem_shared>>
      tpu.wait_dma2 semaphore(%run_scoped3A_94 : memref<!tpu.dma_semaphore, #tpu.memory_space<semaphore_mem>>) src(%arg4 : memref<632x64xf32, #tpu.memory_space<hbm>>) dst(%dma_wait3A_98 : memref<632x64xf32, #tpu.memory_space<vmem_shared>>)
      tpu.yield
    }) : () -> ()
    %barrier3A = arith.constant 0 : index
    tpu.barrier barrier_id(%barrier3A)
    %dma_start3A = arith.constant 0 : i32
    %dma_start3A_4 = arith.constant 0 : i32
    %dma_start3A_5 = tpu.memref_slice %arg6[%dma_start3A, %dma_start3A_4] : memref<125x80xi32, #tpu.memory_space<vmem>> -> memref<1x80xi32, #tpu.memory_space<vmem>>
    %dma_start3A_6 = tpu.memref_squeeze %dma_start3A_5 : memref<1x80xi32, #tpu.memory_space<vmem>> -> memref<80xi32, #tpu.memory_space<vmem>>
    %dma_start3A_7 = arith.constant 0 : i32
    %dma_start3A_8 = arith.constant 0 : i32
    %dma_start3A_9 = tpu.memref_slice %arg2[%dma_start3A_7, %dma_start3A_8] : memref<10000x64xf32, #tpu.memory_space<hbm>> -> memref<10000x64xf32, #tpu.memory_space<hbm>>
    tpu.enqueue_indirect_dma source(%dma_start3A_9 : memref<10000x64xf32, #tpu.memory_space<hbm>>) target(%arg8 : memref<80x64xf32, #tpu.memory_space<vmem>>) offsets(%dma_start3A_6 : memref<80xi32, #tpu.memory_space<vmem>>) semaphore(%arg15 : memref<!tpu.dma_semaphore, #tpu.memory_space<semaphore_mem>>)
    %dma_start3A_10 = arith.constant 1 : i32
    %dma_start3A_11 = arith.constant 0 : i32
    %dma_start3A_12 = tpu.memref_slice %arg6[%dma_start3A_10, %dma_start3A_11] : memref<125x80xi32, #tpu.memory_space<vmem>> -> memref<1x80xi32, #tpu.memory_space<vmem>>
    %dma_start3A_13 = tpu.memref_squeeze %dma_start3A_12 : memref<1x80xi32, #tpu.memory_space<vmem>> -> memref<80xi32, #tpu.memory_space<vmem>>
    %dma_start3A_14 = arith.constant 0 : i32
    %dma_start3A_15 = arith.constant 0 : i32
    %dma_start3A_16 = tpu.memref_slice %arg2[%dma_start3A_14, %dma_start3A_15] : memref<10000x64xf32, #tpu.memory_space<hbm>> -> memref<10000x64xf32, #tpu.memory_space<hbm>>
    tpu.enqueue_indirect_dma source(%dma_start3A_16 : memref<10000x64xf32, #tpu.memory_space<hbm>>) target(%arg9 : memref<80x64xf32, #tpu.memory_space<vmem>>) offsets(%dma_start3A_13 : memref<80xi32, #tpu.memory_space<vmem>>) semaphore(%arg16 : memref<!tpu.dma_semaphore, #tpu.memory_space<semaphore_mem>>)
    %dma_start3A_17 = arith.constant 2 : i32
    %dma_start3A_18 = arith.constant 0 : i32
    %dma_start3A_19 = tpu.memref_slice %arg6[%dma_start3A_17, %dma_start3A_18] : memref<125x80xi32, #tpu.memory_space<vmem>> -> memref<1x80xi32, #tpu.memory_space<vmem>>
    %dma_start3A_20 = tpu.memref_squeeze %dma_start3A_19 : memref<1x80xi32, #tpu.memory_space<vmem>> -> memref<80xi32, #tpu.memory_space<vmem>>
    %dma_start3A_21 = arith.constant 0 : i32
    %dma_start3A_22 = arith.constant 0 : i32
    %dma_start3A_23 = tpu.memref_slice %arg2[%dma_start3A_21, %dma_start3A_22] : memref<10000x64xf32, #tpu.memory_space<hbm>> -> memref<10000x64xf32, #tpu.memory_space<hbm>>
    tpu.enqueue_indirect_dma source(%dma_start3A_23 : memref<10000x64xf32, #tpu.memory_space<hbm>>) target(%arg10 : memref<80x64xf32, #tpu.memory_space<vmem>>) offsets(%dma_start3A_20 : memref<80xi32, #tpu.memory_space<vmem>>) semaphore(%arg17 : memref<!tpu.dma_semaphore, #tpu.memory_space<semaphore_mem>>)
    %dma_start3A_24 = arith.constant 3 : i32
    %dma_start3A_25 = arith.constant 0 : i32
    %dma_start3A_26 = tpu.memref_slice %arg6[%dma_start3A_24, %dma_start3A_25] : memref<125x80xi32, #tpu.memory_space<vmem>> -> memref<1x80xi32, #tpu.memory_space<vmem>>
    %dma_start3A_27 = tpu.memref_squeeze %dma_start3A_26 : memref<1x80xi32, #tpu.memory_space<vmem>> -> memref<80xi32, #tpu.memory_space<vmem>>
    %dma_start3A_28 = arith.constant 0 : i32
    %dma_start3A_29 = arith.constant 0 : i32
    %dma_start3A_30 = tpu.memref_slice %arg2[%dma_start3A_28, %dma_start3A_29] : memref<10000x64xf32, #tpu.memory_space<hbm>> -> memref<10000x64xf32, #tpu.memory_space<hbm>>
    tpu.enqueue_indirect_dma source(%dma_start3A_30 : memref<10000x64xf32, #tpu.memory_space<hbm>>) target(%arg11 : memref<80x64xf32, #tpu.memory_space<vmem>>) offsets(%dma_start3A_27 : memref<80xi32, #tpu.memory_space<vmem>>) semaphore(%arg18 : memref<!tpu.dma_semaphore, #tpu.memory_space<semaphore_mem>>)
    %dma_start3A_31 = arith.constant 4 : i32
    %dma_start3A_32 = arith.constant 0 : i32
    %dma_start3A_33 = tpu.memref_slice %arg6[%dma_start3A_31, %dma_start3A_32] : memref<125x80xi32, #tpu.memory_space<vmem>> -> memref<1x80xi32, #tpu.memory_space<vmem>>
    %dma_start3A_34 = tpu.memref_squeeze %dma_start3A_33 : memref<1x80xi32, #tpu.memory_space<vmem>> -> memref<80xi32, #tpu.memory_space<vmem>>
    %dma_start3A_35 = arith.constant 0 : i32
    %dma_start3A_36 = arith.constant 0 : i32
    %dma_start3A_37 = tpu.memref_slice %arg2[%dma_start3A_35, %dma_start3A_36] : memref<10000x64xf32, #tpu.memory_space<hbm>> -> memref<10000x64xf32, #tpu.memory_space<hbm>>
    tpu.enqueue_indirect_dma source(%dma_start3A_37 : memref<10000x64xf32, #tpu.memory_space<hbm>>) target(%arg12 : memref<80x64xf32, #tpu.memory_space<vmem>>) offsets(%dma_start3A_34 : memref<80xi32, #tpu.memory_space<vmem>>) semaphore(%arg19 : memref<!tpu.dma_semaphore, #tpu.memory_space<semaphore_mem>>)
    %dma_start3A_38 = arith.constant 5 : i32
    %dma_start3A_39 = arith.constant 0 : i32
    %dma_start3A_40 = tpu.memref_slice %arg6[%dma_start3A_38, %dma_start3A_39] : memref<125x80xi32, #tpu.memory_space<vmem>> -> memref<1x80xi32, #tpu.memory_space<vmem>>
    %dma_start3A_41 = tpu.memref_squeeze %dma_start3A_40 : memref<1x80xi32, #tpu.memory_space<vmem>> -> memref<80xi32, #tpu.memory_space<vmem>>
    %dma_start3A_42 = arith.constant 0 : i32
    %dma_start3A_43 = arith.constant 0 : i32
    %dma_start3A_44 = tpu.memref_slice %arg2[%dma_start3A_42, %dma_start3A_43] : memref<10000x64xf32, #tpu.memory_space<hbm>> -> memref<10000x64xf32, #tpu.memory_space<hbm>>
    tpu.enqueue_indirect_dma source(%dma_start3A_44 : memref<10000x64xf32, #tpu.memory_space<hbm>>) target(%arg13 : memref<80x64xf32, #tpu.memory_space<vmem>>) offsets(%dma_start3A_41 : memref<80xi32, #tpu.memory_space<vmem>>) semaphore(%arg20 : memref<!tpu.dma_semaphore, #tpu.memory_space<semaphore_mem>>)
    %scan3A = arith.constant 0 : i32
    %scan3A_45 = arith.constant 0 : i32
    %scan3A_46 = arith.constant 20 : i32
    %scan3A_47 = arith.addi %scan3A_45, %scan3A_46 : i32
    %scan3A_48 = arith.constant 1 : i32
    scf.for %scan3A_94 = %scan3A_45 to %scan3A_47 step %scan3A_48  : i32 {
      %mul3A_95 = arith.constant 6 : i32
      %mul3A_96 = arith.muli %mul3A_95, %scan3A_94 : i32
      %add3A_97 = arith.constant 0 : i32
      %add3A_98 = arith.addi %mul3A_96, %add3A_97 : i32
      %dma_wait3A_99 = arith.constant 0 : i32
      %dma_wait3A_100 = arith.constant 0 : i32
      %dma_wait3A_101 = tpu.memref_slice %arg6[%dma_wait3A_99, %dma_wait3A_100] : memref<125x80xi32, #tpu.memory_space<vmem>> -> memref<1x80xi32, #tpu.memory_space<vmem>>
      %dma_wait3A_102 = tpu.memref_squeeze %dma_wait3A_101 : memref<1x80xi32, #tpu.memory_space<vmem>> -> memref<80xi32, #tpu.memory_space<vmem>>
      %dma_wait3A_103 = arith.constant 0 : i32
      %dma_wait3A_104 = arith.constant 0 : i32
      %dma_wait3A_105 = tpu.memref_slice %arg2[%dma_wait3A_103, %dma_wait3A_104] : memref<10000x64xf32, #tpu.memory_space<hbm>> -> memref<10000x64xf32, #tpu.memory_space<hbm>>
      tpu.wait_indirect_dma semaphore(%arg15 : memref<!tpu.dma_semaphore, #tpu.memory_space<semaphore_mem>>) src(%dma_wait3A_105 : memref<10000x64xf32, #tpu.memory_space<hbm>>) dst(%arg8 : memref<80x64xf32, #tpu.memory_space<vmem>>)
      "tpu.region"() ({
        %run_scoped3A_200 = tpu.sem_alloc : memref<!tpu.dma_semaphore, #tpu.memory_space<semaphore_mem>>
        %dma_start3A_201 = arith.constant 0 : i32
        %dma_start3A_202 = tpu.memref_slice %arg7[%add3A_98, %dma_start3A_201] : memref<125x80xi32, #tpu.memory_space<vmem>> -> memref<1x80xi32, #tpu.memory_space<vmem>>
        %dma_start3A_203 = tpu.memref_squeeze %dma_start3A_202 : memref<1x80xi32, #tpu.memory_space<vmem>> -> memref<80xi32, #tpu.memory_space<vmem>>
        %dma_start3A_204 = arith.constant 0 : i32
        %dma_start3A_205 = arith.constant 0 : i32
        %dma_start3A_206 = tpu.memref_slice %arg14[%dma_start3A_204, %dma_start3A_205] : memref<10112x64xf32, #tpu.memory_space<vmem_shared>> -> memref<10112x64xf32, #tpu.memory_space<vmem_shared>>
        tpu.enqueue_indirect_dma source(%arg8 : memref<80x64xf32, #tpu.memory_space<vmem>>) target(%dma_start3A_206 : memref<10112x64xf32, #tpu.memory_space<vmem_shared>>) offsets(%dma_start3A_203 : memref<80xi32, #tpu.memory_space<vmem>>) semaphore(%run_scoped3A_200 : memref<!tpu.dma_semaphore, #tpu.memory_space<semaphore_mem>>) {add = true}
        %dma_wait3A_207 = arith.constant 0 : i32
        %dma_wait3A_208 = tpu.memref_slice %arg7[%add3A_98, %dma_wait3A_207] : memref<125x80xi32, #tpu.memory_space<vmem>> -> memref<1x80xi32, #tpu.memory_space<vmem>>
        %dma_wait3A_209 = tpu.memref_squeeze %dma_wait3A_208 : memref<1x80xi32, #tpu.memory_space<vmem>> -> memref<80xi32, #tpu.memory_space<vmem>>
        %dma_wait3A_210 = arith.constant 0 : i32
        %dma_wait3A_211 = arith.constant 0 : i32
        %dma_wait3A_212 = tpu.memref_slice %arg14[%dma_wait3A_210, %dma_wait3A_211] : memref<10112x64xf32, #tpu.memory_space<vmem_shared>> -> memref<10112x64xf32, #tpu.memory_space<vmem_shared>>
        tpu.wait_indirect_dma semaphore(%run_scoped3A_200 : memref<!tpu.dma_semaphore, #tpu.memory_space<semaphore_mem>>) src(%arg8 : memref<80x64xf32, #tpu.memory_space<vmem>>) dst(%dma_wait3A_212 : memref<10112x64xf32, #tpu.memory_space<vmem_shared>>)
        tpu.yield
      }) : () -> ()
      %add3A_106 = arith.constant 6 : i32
      %add3A_107 = arith.addi %add3A_98, %add3A_106 : i32
      %lt3A = arith.constant 125 : i32
      %lt3A_108 = arith.cmpi slt, %add3A_107, %lt3A : i32
      %convert_element_type3A = arith.extui %lt3A_108 : i1 to i32
      %cond3A = arith.constant 0 : i32
      %cond3A_109 = arith.cmpi ne, %convert_element_type3A, %cond3A : i32
      scf.if %cond3A_109 {
        %add3A_200 = arith.constant 6 : i32
        %add3A_201 = arith.addi %add3A_98, %add3A_200 : i32
        %dma_start3A_202 = arith.constant 0 : i32
        %dma_start3A_203 = tpu.memref_slice %arg6[%add3A_201, %dma_start3A_202] : memref<125x80xi32, #tpu.memory_space<vmem>> -> memref<1x80xi32, #tpu.memory_space<vmem>>
        %dma_start3A_204 = tpu.memref_squeeze %dma_start3A_203 : memref<1x80xi32, #tpu.memory_space<vmem>> -> memref<80xi32, #tpu.memory_space<vmem>>
        %dma_start3A_205 = arith.constant 0 : i32
        %dma_start3A_206 = arith.constant 0 : i32
        %dma_start3A_207 = tpu.memref_slice %arg2[%dma_start3A_205, %dma_start3A_206] : memref<10000x64xf32, #tpu.memory_space<hbm>> -> memref<10000x64xf32, #tpu.memory_space<hbm>>
        tpu.enqueue_indirect_dma source(%dma_start3A_207 : memref<10000x64xf32, #tpu.memory_space<hbm>>) target(%arg8 : memref<80x64xf32, #tpu.memory_space<vmem>>) offsets(%dma_start3A_204 : memref<80xi32, #tpu.memory_space<vmem>>) semaphore(%arg15 : memref<!tpu.dma_semaphore, #tpu.memory_space<semaphore_mem>>)
      } else {
      }
      %mul3A_110 = arith.constant 6 : i32
      %mul3A_111 = arith.muli %mul3A_110, %scan3A_94 : i32
      %add3A_112 = arith.constant 1 : i32
      %add3A_113 = arith.addi %mul3A_111, %add3A_112 : i32
      %dma_wait3A_114 = arith.constant 0 : i32
      %dma_wait3A_115 = arith.constant 0 : i32
      %dma_wait3A_116 = tpu.memref_slice %arg6[%dma_wait3A_114, %dma_wait3A_115] : memref<125x80xi32, #tpu.memory_space<vmem>> -> memref<1x80xi32, #tpu.memory_space<vmem>>
      %dma_wait3A_117 = tpu.memref_squeeze %dma_wait3A_116 : memref<1x80xi32, #tpu.memory_space<vmem>> -> memref<80xi32, #tpu.memory_space<vmem>>
      %dma_wait3A_118 = arith.constant 0 : i32
      %dma_wait3A_119 = arith.constant 0 : i32
      %dma_wait3A_120 = tpu.memref_slice %arg2[%dma_wait3A_118, %dma_wait3A_119] : memref<10000x64xf32, #tpu.memory_space<hbm>> -> memref<10000x64xf32, #tpu.memory_space<hbm>>
      tpu.wait_indirect_dma semaphore(%arg16 : memref<!tpu.dma_semaphore, #tpu.memory_space<semaphore_mem>>) src(%dma_wait3A_120 : memref<10000x64xf32, #tpu.memory_space<hbm>>) dst(%arg9 : memref<80x64xf32, #tpu.memory_space<vmem>>)
      "tpu.region"() ({
        %run_scoped3A_200 = tpu.sem_alloc : memref<!tpu.dma_semaphore, #tpu.memory_space<semaphore_mem>>
        %dma_start3A_201 = arith.constant 0 : i32
        %dma_start3A_202 = tpu.memref_slice %arg7[%add3A_113, %dma_start3A_201] : memref<125x80xi32, #tpu.memory_space<vmem>> -> memref<1x80xi32, #tpu.memory_space<vmem>>
        %dma_start3A_203 = tpu.memref_squeeze %dma_start3A_202 : memref<1x80xi32, #tpu.memory_space<vmem>> -> memref<80xi32, #tpu.memory_space<vmem>>
        %dma_start3A_204 = arith.constant 0 : i32
        %dma_start3A_205 = arith.constant 0 : i32
        %dma_start3A_206 = tpu.memref_slice %arg14[%dma_start3A_204, %dma_start3A_205] : memref<10112x64xf32, #tpu.memory_space<vmem_shared>> -> memref<10112x64xf32, #tpu.memory_space<vmem_shared>>
        tpu.enqueue_indirect_dma source(%arg9 : memref<80x64xf32, #tpu.memory_space<vmem>>) target(%dma_start3A_206 : memref<10112x64xf32, #tpu.memory_space<vmem_shared>>) offsets(%dma_start3A_203 : memref<80xi32, #tpu.memory_space<vmem>>) semaphore(%run_scoped3A_200 : memref<!tpu.dma_semaphore, #tpu.memory_space<semaphore_mem>>) {add = true}
        %dma_wait3A_207 = arith.constant 0 : i32
        %dma_wait3A_208 = tpu.memref_slice %arg7[%add3A_113, %dma_wait3A_207] : memref<125x80xi32, #tpu.memory_space<vmem>> -> memref<1x80xi32, #tpu.memory_space<vmem>>
        %dma_wait3A_209 = tpu.memref_squeeze %dma_wait3A_208 : memref<1x80xi32, #tpu.memory_space<vmem>> -> memref<80xi32, #tpu.memory_space<vmem>>
        %dma_wait3A_210 = arith.constant 0 : i32
        %dma_wait3A_211 = arith.constant 0 : i32
        %dma_wait3A_212 = tpu.memref_slice %arg14[%dma_wait3A_210, %dma_wait3A_211] : memref<10112x64xf32, #tpu.memory_space<vmem_shared>> -> memref<10112x64xf32, #tpu.memory_space<vmem_shared>>
        tpu.wait_indirect_dma semaphore(%run_scoped3A_200 : memref<!tpu.dma_semaphore, #tpu.memory_space<semaphore_mem>>) src(%arg9 : memref<80x64xf32, #tpu.memory_space<vmem>>) dst(%dma_wait3A_212 : memref<10112x64xf32, #tpu.memory_space<vmem_shared>>)
        tpu.yield
      }) : () -> ()
      %add3A_121 = arith.constant 6 : i32
      %add3A_122 = arith.addi %add3A_113, %add3A_121 : i32
      %lt3A_123 = arith.constant 125 : i32
      %lt3A_124 = arith.cmpi slt, %add3A_122, %lt3A_123 : i32
      %convert_element_type3A_125 = arith.extui %lt3A_124 : i1 to i32
      %cond3A_126 = arith.constant 0 : i32
      %cond3A_127 = arith.cmpi ne, %convert_element_type3A_125, %cond3A_126 : i32
      scf.if %cond3A_127 {
        %add3A_200 = arith.constant 6 : i32
        %add3A_201 = arith.addi %add3A_113, %add3A_200 : i32
        %dma_start3A_202 = arith.constant 0 : i32
        %dma_start3A_203 = tpu.memref_slice %arg6[%add3A_201, %dma_start3A_202] : memref<125x80xi32, #tpu.memory_space<vmem>> -> memref<1x80xi32, #tpu.memory_space<vmem>>
        %dma_start3A_204 = tpu.memref_squeeze %dma_start3A_203 : memref<1x80xi32, #tpu.memory_space<vmem>> -> memref<80xi32, #tpu.memory_space<vmem>>
        %dma_start3A_205 = arith.constant 0 : i32
        %dma_start3A_206 = arith.constant 0 : i32
        %dma_start3A_207 = tpu.memref_slice %arg2[%dma_start3A_205, %dma_start3A_206] : memref<10000x64xf32, #tpu.memory_space<hbm>> -> memref<10000x64xf32, #tpu.memory_space<hbm>>
        tpu.enqueue_indirect_dma source(%dma_start3A_207 : memref<10000x64xf32, #tpu.memory_space<hbm>>) target(%arg9 : memref<80x64xf32, #tpu.memory_space<vmem>>) offsets(%dma_start3A_204 : memref<80xi32, #tpu.memory_space<vmem>>) semaphore(%arg16 : memref<!tpu.dma_semaphore, #tpu.memory_space<semaphore_mem>>)
      } else {
      }
      %mul3A_128 = arith.constant 6 : i32
      %mul3A_129 = arith.muli %mul3A_128, %scan3A_94 : i32
      %add3A_130 = arith.constant 2 : i32
      %add3A_131 = arith.addi %mul3A_129, %add3A_130 : i32
      %dma_wait3A_132 = arith.constant 0 : i32
      %dma_wait3A_133 = arith.constant 0 : i32
      %dma_wait3A_134 = tpu.memref_slice %arg6[%dma_wait3A_132, %dma_wait3A_133] : memref<125x80xi32, #tpu.memory_space<vmem>> -> memref<1x80xi32, #tpu.memory_space<vmem>>
      %dma_wait3A_135 = tpu.memref_squeeze %dma_wait3A_134 : memref<1x80xi32, #tpu.memory_space<vmem>> -> memref<80xi32, #tpu.memory_space<vmem>>
      %dma_wait3A_136 = arith.constant 0 : i32
      %dma_wait3A_137 = arith.constant 0 : i32
      %dma_wait3A_138 = tpu.memref_slice %arg2[%dma_wait3A_136, %dma_wait3A_137] : memref<10000x64xf32, #tpu.memory_space<hbm>> -> memref<10000x64xf32, #tpu.memory_space<hbm>>
      tpu.wait_indirect_dma semaphore(%arg17 : memref<!tpu.dma_semaphore, #tpu.memory_space<semaphore_mem>>) src(%dma_wait3A_138 : memref<10000x64xf32, #tpu.memory_space<hbm>>) dst(%arg10 : memref<80x64xf32, #tpu.memory_space<vmem>>)
      "tpu.region"() ({
        %run_scoped3A_200 = tpu.sem_alloc : memref<!tpu.dma_semaphore, #tpu.memory_space<semaphore_mem>>
        %dma_start3A_201 = arith.constant 0 : i32
        %dma_start3A_202 = tpu.memref_slice %arg7[%add3A_131, %dma_start3A_201] : memref<125x80xi32, #tpu.memory_space<vmem>> -> memref<1x80xi32, #tpu.memory_space<vmem>>
        %dma_start3A_203 = tpu.memref_squeeze %dma_start3A_202 : memref<1x80xi32, #tpu.memory_space<vmem>> -> memref<80xi32, #tpu.memory_space<vmem>>
        %dma_start3A_204 = arith.constant 0 : i32
        %dma_start3A_205 = arith.constant 0 : i32
        %dma_start3A_206 = tpu.memref_slice %arg14[%dma_start3A_204, %dma_start3A_205] : memref<10112x64xf32, #tpu.memory_space<vmem_shared>> -> memref<10112x64xf32, #tpu.memory_space<vmem_shared>>
        tpu.enqueue_indirect_dma source(%arg10 : memref<80x64xf32, #tpu.memory_space<vmem>>) target(%dma_start3A_206 : memref<10112x64xf32, #tpu.memory_space<vmem_shared>>) offsets(%dma_start3A_203 : memref<80xi32, #tpu.memory_space<vmem>>) semaphore(%run_scoped3A_200 : memref<!tpu.dma_semaphore, #tpu.memory_space<semaphore_mem>>) {add = true}
        %dma_wait3A_207 = arith.constant 0 : i32
        %dma_wait3A_208 = tpu.memref_slice %arg7[%add3A_131, %dma_wait3A_207] : memref<125x80xi32, #tpu.memory_space<vmem>> -> memref<1x80xi32, #tpu.memory_space<vmem>>
        %dma_wait3A_209 = tpu.memref_squeeze %dma_wait3A_208 : memref<1x80xi32, #tpu.memory_space<vmem>> -> memref<80xi32, #tpu.memory_space<vmem>>
        %dma_wait3A_210 = arith.constant 0 : i32
        %dma_wait3A_211 = arith.constant 0 : i32
        %dma_wait3A_212 = tpu.memref_slice %arg14[%dma_wait3A_210, %dma_wait3A_211] : memref<10112x64xf32, #tpu.memory_space<vmem_shared>> -> memref<10112x64xf32, #tpu.memory_space<vmem_shared>>
        tpu.wait_indirect_dma semaphore(%run_scoped3A_200 : memref<!tpu.dma_semaphore, #tpu.memory_space<semaphore_mem>>) src(%arg10 : memref<80x64xf32, #tpu.memory_space<vmem>>) dst(%dma_wait3A_212 : memref<10112x64xf32, #tpu.memory_space<vmem_shared>>)
        tpu.yield
      }) : () -> ()
      %add3A_139 = arith.constant 6 : i32
      %add3A_140 = arith.addi %add3A_131, %add3A_139 : i32
      %lt3A_141 = arith.constant 125 : i32
      %lt3A_142 = arith.cmpi slt, %add3A_140, %lt3A_141 : i32
      %convert_element_type3A_143 = arith.extui %lt3A_142 : i1 to i32
      %cond3A_144 = arith.constant 0 : i32
      %cond3A_145 = arith.cmpi ne, %convert_element_type3A_143, %cond3A_144 : i32
      scf.if %cond3A_145 {
        %add3A_200 = arith.constant 6 : i32
        %add3A_201 = arith.addi %add3A_131, %add3A_200 : i32
        %dma_start3A_202 = arith.constant 0 : i32
        %dma_start3A_203 = tpu.memref_slice %arg6[%add3A_201, %dma_start3A_202] : memref<125x80xi32, #tpu.memory_space<vmem>> -> memref<1x80xi32, #tpu.memory_space<vmem>>
        %dma_start3A_204 = tpu.memref_squeeze %dma_start3A_203 : memref<1x80xi32, #tpu.memory_space<vmem>> -> memref<80xi32, #tpu.memory_space<vmem>>
        %dma_start3A_205 = arith.constant 0 : i32
        %dma_start3A_206 = arith.constant 0 : i32
        %dma_start3A_207 = tpu.memref_slice %arg2[%dma_start3A_205, %dma_start3A_206] : memref<10000x64xf32, #tpu.memory_space<hbm>> -> memref<10000x64xf32, #tpu.memory_space<hbm>>
        tpu.enqueue_indirect_dma source(%dma_start3A_207 : memref<10000x64xf32, #tpu.memory_space<hbm>>) target(%arg10 : memref<80x64xf32, #tpu.memory_space<vmem>>) offsets(%dma_start3A_204 : memref<80xi32, #tpu.memory_space<vmem>>) semaphore(%arg17 : memref<!tpu.dma_semaphore, #tpu.memory_space<semaphore_mem>>)
      } else {
      }
      %mul3A_146 = arith.constant 6 : i32
      %mul3A_147 = arith.muli %mul3A_146, %scan3A_94 : i32
      %add3A_148 = arith.constant 3 : i32
      %add3A_149 = arith.addi %mul3A_147, %add3A_148 : i32
      %dma_wait3A_150 = arith.constant 0 : i32
      %dma_wait3A_151 = arith.constant 0 : i32
      %dma_wait3A_152 = tpu.memref_slice %arg6[%dma_wait3A_150, %dma_wait3A_151] : memref<125x80xi32, #tpu.memory_space<vmem>> -> memref<1x80xi32, #tpu.memory_space<vmem>>
      %dma_wait3A_153 = tpu.memref_squeeze %dma_wait3A_152 : memref<1x80xi32, #tpu.memory_space<vmem>> -> memref<80xi32, #tpu.memory_space<vmem>>
      %dma_wait3A_154 = arith.constant 0 : i32
      %dma_wait3A_155 = arith.constant 0 : i32
      %dma_wait3A_156 = tpu.memref_slice %arg2[%dma_wait3A_154, %dma_wait3A_155] : memref<10000x64xf32, #tpu.memory_space<hbm>> -> memref<10000x64xf32, #tpu.memory_space<hbm>>
      tpu.wait_indirect_dma semaphore(%arg18 : memref<!tpu.dma_semaphore, #tpu.memory_space<semaphore_mem>>) src(%dma_wait3A_156 : memref<10000x64xf32, #tpu.memory_space<hbm>>) dst(%arg11 : memref<80x64xf32, #tpu.memory_space<vmem>>)
      "tpu.region"() ({
        %run_scoped3A_200 = tpu.sem_alloc : memref<!tpu.dma_semaphore, #tpu.memory_space<semaphore_mem>>
        %dma_start3A_201 = arith.constant 0 : i32
        %dma_start3A_202 = tpu.memref_slice %arg7[%add3A_149, %dma_start3A_201] : memref<125x80xi32, #tpu.memory_space<vmem>> -> memref<1x80xi32, #tpu.memory_space<vmem>>
        %dma_start3A_203 = tpu.memref_squeeze %dma_start3A_202 : memref<1x80xi32, #tpu.memory_space<vmem>> -> memref<80xi32, #tpu.memory_space<vmem>>
        %dma_start3A_204 = arith.constant 0 : i32
        %dma_start3A_205 = arith.constant 0 : i32
        %dma_start3A_206 = tpu.memref_slice %arg14[%dma_start3A_204, %dma_start3A_205] : memref<10112x64xf32, #tpu.memory_space<vmem_shared>> -> memref<10112x64xf32, #tpu.memory_space<vmem_shared>>
        tpu.enqueue_indirect_dma source(%arg11 : memref<80x64xf32, #tpu.memory_space<vmem>>) target(%dma_start3A_206 : memref<10112x64xf32, #tpu.memory_space<vmem_shared>>) offsets(%dma_start3A_203 : memref<80xi32, #tpu.memory_space<vmem>>) semaphore(%run_scoped3A_200 : memref<!tpu.dma_semaphore, #tpu.memory_space<semaphore_mem>>) {add = true}
        %dma_wait3A_207 = arith.constant 0 : i32
        %dma_wait3A_208 = tpu.memref_slice %arg7[%add3A_149, %dma_wait3A_207] : memref<125x80xi32, #tpu.memory_space<vmem>> -> memref<1x80xi32, #tpu.memory_space<vmem>>
        %dma_wait3A_209 = tpu.memref_squeeze %dma_wait3A_208 : memref<1x80xi32, #tpu.memory_space<vmem>> -> memref<80xi32, #tpu.memory_space<vmem>>
        %dma_wait3A_210 = arith.constant 0 : i32
        %dma_wait3A_211 = arith.constant 0 : i32
        %dma_wait3A_212 = tpu.memref_slice %arg14[%dma_wait3A_210, %dma_wait3A_211] : memref<10112x64xf32, #tpu.memory_space<vmem_shared>> -> memref<10112x64xf32, #tpu.memory_space<vmem_shared>>
        tpu.wait_indirect_dma semaphore(%run_scoped3A_200 : memref<!tpu.dma_semaphore, #tpu.memory_space<semaphore_mem>>) src(%arg11 : memref<80x64xf32, #tpu.memory_space<vmem>>) dst(%dma_wait3A_212 : memref<10112x64xf32, #tpu.memory_space<vmem_shared>>)
        tpu.yield
      }) : () -> ()
      %add3A_157 = arith.constant 6 : i32
      %add3A_158 = arith.addi %add3A_149, %add3A_157 : i32
      %lt3A_159 = arith.constant 125 : i32
      %lt3A_160 = arith.cmpi slt, %add3A_158, %lt3A_159 : i32
      %convert_element_type3A_161 = arith.extui %lt3A_160 : i1 to i32
      %cond3A_162 = arith.constant 0 : i32
      %cond3A_163 = arith.cmpi ne, %convert_element_type3A_161, %cond3A_162 : i32
      scf.if %cond3A_163 {
        %add3A_200 = arith.constant 6 : i32
        %add3A_201 = arith.addi %add3A_149, %add3A_200 : i32
        %dma_start3A_202 = arith.constant 0 : i32
        %dma_start3A_203 = tpu.memref_slice %arg6[%add3A_201, %dma_start3A_202] : memref<125x80xi32, #tpu.memory_space<vmem>> -> memref<1x80xi32, #tpu.memory_space<vmem>>
        %dma_start3A_204 = tpu.memref_squeeze %dma_start3A_203 : memref<1x80xi32, #tpu.memory_space<vmem>> -> memref<80xi32, #tpu.memory_space<vmem>>
        %dma_start3A_205 = arith.constant 0 : i32
        %dma_start3A_206 = arith.constant 0 : i32
        %dma_start3A_207 = tpu.memref_slice %arg2[%dma_start3A_205, %dma_start3A_206] : memref<10000x64xf32, #tpu.memory_space<hbm>> -> memref<10000x64xf32, #tpu.memory_space<hbm>>
        tpu.enqueue_indirect_dma source(%dma_start3A_207 : memref<10000x64xf32, #tpu.memory_space<hbm>>) target(%arg11 : memref<80x64xf32, #tpu.memory_space<vmem>>) offsets(%dma_start3A_204 : memref<80xi32, #tpu.memory_space<vmem>>) semaphore(%arg18 : memref<!tpu.dma_semaphore, #tpu.memory_space<semaphore_mem>>)
      } else {
      }
      %mul3A_164 = arith.constant 6 : i32
      %mul3A_165 = arith.muli %mul3A_164, %scan3A_94 : i32
      %add3A_166 = arith.constant 4 : i32
      %add3A_167 = arith.addi %mul3A_165, %add3A_166 : i32
      %dma_wait3A_168 = arith.constant 0 : i32
      %dma_wait3A_169 = arith.constant 0 : i32
      %dma_wait3A_170 = tpu.memref_slice %arg6[%dma_wait3A_168, %dma_wait3A_169] : memref<125x80xi32, #tpu.memory_space<vmem>> -> memref<1x80xi32, #tpu.memory_space<vmem>>
      %dma_wait3A_171 = tpu.memref_squeeze %dma_wait3A_170 : memref<1x80xi32, #tpu.memory_space<vmem>> -> memref<80xi32, #tpu.memory_space<vmem>>
      %dma_wait3A_172 = arith.constant 0 : i32
      %dma_wait3A_173 = arith.constant 0 : i32
      %dma_wait3A_174 = tpu.memref_slice %arg2[%dma_wait3A_172, %dma_wait3A_173] : memref<10000x64xf32, #tpu.memory_space<hbm>> -> memref<10000x64xf32, #tpu.memory_space<hbm>>
      tpu.wait_indirect_dma semaphore(%arg19 : memref<!tpu.dma_semaphore, #tpu.memory_space<semaphore_mem>>) src(%dma_wait3A_174 : memref<10000x64xf32, #tpu.memory_space<hbm>>) dst(%arg12 : memref<80x64xf32, #tpu.memory_space<vmem>>)
      "tpu.region"() ({
        %run_scoped3A_200 = tpu.sem_alloc : memref<!tpu.dma_semaphore, #tpu.memory_space<semaphore_mem>>
        %dma_start3A_201 = arith.constant 0 : i32
        %dma_start3A_202 = tpu.memref_slice %arg7[%add3A_167, %dma_start3A_201] : memref<125x80xi32, #tpu.memory_space<vmem>> -> memref<1x80xi32, #tpu.memory_space<vmem>>
        %dma_start3A_203 = tpu.memref_squeeze %dma_start3A_202 : memref<1x80xi32, #tpu.memory_space<vmem>> -> memref<80xi32, #tpu.memory_space<vmem>>
        %dma_start3A_204 = arith.constant 0 : i32
        %dma_start3A_205 = arith.constant 0 : i32
        %dma_start3A_206 = tpu.memref_slice %arg14[%dma_start3A_204, %dma_start3A_205] : memref<10112x64xf32, #tpu.memory_space<vmem_shared>> -> memref<10112x64xf32, #tpu.memory_space<vmem_shared>>
        tpu.enqueue_indirect_dma source(%arg12 : memref<80x64xf32, #tpu.memory_space<vmem>>) target(%dma_start3A_206 : memref<10112x64xf32, #tpu.memory_space<vmem_shared>>) offsets(%dma_start3A_203 : memref<80xi32, #tpu.memory_space<vmem>>) semaphore(%run_scoped3A_200 : memref<!tpu.dma_semaphore, #tpu.memory_space<semaphore_mem>>) {add = true}
        %dma_wait3A_207 = arith.constant 0 : i32
        %dma_wait3A_208 = tpu.memref_slice %arg7[%add3A_167, %dma_wait3A_207] : memref<125x80xi32, #tpu.memory_space<vmem>> -> memref<1x80xi32, #tpu.memory_space<vmem>>
        %dma_wait3A_209 = tpu.memref_squeeze %dma_wait3A_208 : memref<1x80xi32, #tpu.memory_space<vmem>> -> memref<80xi32, #tpu.memory_space<vmem>>
        %dma_wait3A_210 = arith.constant 0 : i32
        %dma_wait3A_211 = arith.constant 0 : i32
        %dma_wait3A_212 = tpu.memref_slice %arg14[%dma_wait3A_210, %dma_wait3A_211] : memref<10112x64xf32, #tpu.memory_space<vmem_shared>> -> memref<10112x64xf32, #tpu.memory_space<vmem_shared>>
        tpu.wait_indirect_dma semaphore(%run_scoped3A_200 : memref<!tpu.dma_semaphore, #tpu.memory_space<semaphore_mem>>) src(%arg12 : memref<80x64xf32, #tpu.memory_space<vmem>>) dst(%dma_wait3A_212 : memref<10112x64xf32, #tpu.memory_space<vmem_shared>>)
        tpu.yield
      }) : () -> ()
      %add3A_175 = arith.constant 6 : i32
      %add3A_176 = arith.addi %add3A_167, %add3A_175 : i32
      %lt3A_177 = arith.constant 125 : i32
      %lt3A_178 = arith.cmpi slt, %add3A_176, %lt3A_177 : i32
      %convert_element_type3A_179 = arith.extui %lt3A_178 : i1 to i32
      %cond3A_180 = arith.constant 0 : i32
      %cond3A_181 = arith.cmpi ne, %convert_element_type3A_179, %cond3A_180 : i32
      scf.if %cond3A_181 {
        %add3A_200 = arith.constant 6 : i32
        %add3A_201 = arith.addi %add3A_167, %add3A_200 : i32
        %dma_start3A_202 = arith.constant 0 : i32
        %dma_start3A_203 = tpu.memref_slice %arg6[%add3A_201, %dma_start3A_202] : memref<125x80xi32, #tpu.memory_space<vmem>> -> memref<1x80xi32, #tpu.memory_space<vmem>>
        %dma_start3A_204 = tpu.memref_squeeze %dma_start3A_203 : memref<1x80xi32, #tpu.memory_space<vmem>> -> memref<80xi32, #tpu.memory_space<vmem>>
        %dma_start3A_205 = arith.constant 0 : i32
        %dma_start3A_206 = arith.constant 0 : i32
        %dma_start3A_207 = tpu.memref_slice %arg2[%dma_start3A_205, %dma_start3A_206] : memref<10000x64xf32, #tpu.memory_space<hbm>> -> memref<10000x64xf32, #tpu.memory_space<hbm>>
        tpu.enqueue_indirect_dma source(%dma_start3A_207 : memref<10000x64xf32, #tpu.memory_space<hbm>>) target(%arg12 : memref<80x64xf32, #tpu.memory_space<vmem>>) offsets(%dma_start3A_204 : memref<80xi32, #tpu.memory_space<vmem>>) semaphore(%arg19 : memref<!tpu.dma_semaphore, #tpu.memory_space<semaphore_mem>>)
      } else {
      }
      %mul3A_182 = arith.constant 6 : i32
      %mul3A_183 = arith.muli %mul3A_182, %scan3A_94 : i32
      %add3A_184 = arith.constant 5 : i32
      %add3A_185 = arith.addi %mul3A_183, %add3A_184 : i32
      %dma_wait3A_186 = arith.constant 0 : i32
      %dma_wait3A_187 = arith.constant 0 : i32
      %dma_wait3A_188 = tpu.memref_slice %arg6[%dma_wait3A_186, %dma_wait3A_187] : memref<125x80xi32, #tpu.memory_space<vmem>> -> memref<1x80xi32, #tpu.memory_space<vmem>>
      %dma_wait3A_189 = tpu.memref_squeeze %dma_wait3A_188 : memref<1x80xi32, #tpu.memory_space<vmem>> -> memref<80xi32, #tpu.memory_space<vmem>>
      %dma_wait3A_190 = arith.constant 0 : i32
      %dma_wait3A_191 = arith.constant 0 : i32
      %dma_wait3A_192 = tpu.memref_slice %arg2[%dma_wait3A_190, %dma_wait3A_191] : memref<10000x64xf32, #tpu.memory_space<hbm>> -> memref<10000x64xf32, #tpu.memory_space<hbm>>
      tpu.wait_indirect_dma semaphore(%arg20 : memref<!tpu.dma_semaphore, #tpu.memory_space<semaphore_mem>>) src(%dma_wait3A_192 : memref<10000x64xf32, #tpu.memory_space<hbm>>) dst(%arg13 : memref<80x64xf32, #tpu.memory_space<vmem>>)
      "tpu.region"() ({
        %run_scoped3A_200 = tpu.sem_alloc : memref<!tpu.dma_semaphore, #tpu.memory_space<semaphore_mem>>
        %dma_start3A_201 = arith.constant 0 : i32
        %dma_start3A_202 = tpu.memref_slice %arg7[%add3A_185, %dma_start3A_201] : memref<125x80xi32, #tpu.memory_space<vmem>> -> memref<1x80xi32, #tpu.memory_space<vmem>>
        %dma_start3A_203 = tpu.memref_squeeze %dma_start3A_202 : memref<1x80xi32, #tpu.memory_space<vmem>> -> memref<80xi32, #tpu.memory_space<vmem>>
        %dma_start3A_204 = arith.constant 0 : i32
        %dma_start3A_205 = arith.constant 0 : i32
        %dma_start3A_206 = tpu.memref_slice %arg14[%dma_start3A_204, %dma_start3A_205] : memref<10112x64xf32, #tpu.memory_space<vmem_shared>> -> memref<10112x64xf32, #tpu.memory_space<vmem_shared>>
        tpu.enqueue_indirect_dma source(%arg13 : memref<80x64xf32, #tpu.memory_space<vmem>>) target(%dma_start3A_206 : memref<10112x64xf32, #tpu.memory_space<vmem_shared>>) offsets(%dma_start3A_203 : memref<80xi32, #tpu.memory_space<vmem>>) semaphore(%run_scoped3A_200 : memref<!tpu.dma_semaphore, #tpu.memory_space<semaphore_mem>>) {add = true}
        %dma_wait3A_207 = arith.constant 0 : i32
        %dma_wait3A_208 = tpu.memref_slice %arg7[%add3A_185, %dma_wait3A_207] : memref<125x80xi32, #tpu.memory_space<vmem>> -> memref<1x80xi32, #tpu.memory_space<vmem>>
        %dma_wait3A_209 = tpu.memref_squeeze %dma_wait3A_208 : memref<1x80xi32, #tpu.memory_space<vmem>> -> memref<80xi32, #tpu.memory_space<vmem>>
        %dma_wait3A_210 = arith.constant 0 : i32
        %dma_wait3A_211 = arith.constant 0 : i32
        %dma_wait3A_212 = tpu.memref_slice %arg14[%dma_wait3A_210, %dma_wait3A_211] : memref<10112x64xf32, #tpu.memory_space<vmem_shared>> -> memref<10112x64xf32, #tpu.memory_space<vmem_shared>>
        tpu.wait_indirect_dma semaphore(%run_scoped3A_200 : memref<!tpu.dma_semaphore, #tpu.memory_space<semaphore_mem>>) src(%arg13 : memref<80x64xf32, #tpu.memory_space<vmem>>) dst(%dma_wait3A_212 : memref<10112x64xf32, #tpu.memory_space<vmem_shared>>)
        tpu.yield
      }) : () -> ()
      %add3A_193 = arith.constant 6 : i32
      %add3A_194 = arith.addi %add3A_185, %add3A_193 : i32
      %lt3A_195 = arith.constant 125 : i32
      %lt3A_196 = arith.cmpi slt, %add3A_194, %lt3A_195 : i32
      %convert_element_type3A_197 = arith.extui %lt3A_196 : i1 to i32
      %cond3A_198 = arith.constant 0 : i32
      %cond3A_199 = arith.cmpi ne, %convert_element_type3A_197, %cond3A_198 : i32
      scf.if %cond3A_199 {
        %add3A_200 = arith.constant 6 : i32
        %add3A_201 = arith.addi %add3A_185, %add3A_200 : i32
        %dma_start3A_202 = arith.constant 0 : i32
        %dma_start3A_203 = tpu.memref_slice %arg6[%add3A_201, %dma_start3A_202] : memref<125x80xi32, #tpu.memory_space<vmem>> -> memref<1x80xi32, #tpu.memory_space<vmem>>
        %dma_start3A_204 = tpu.memref_squeeze %dma_start3A_203 : memref<1x80xi32, #tpu.memory_space<vmem>> -> memref<80xi32, #tpu.memory_space<vmem>>
        %dma_start3A_205 = arith.constant 0 : i32
        %dma_start3A_206 = arith.constant 0 : i32
        %dma_start3A_207 = tpu.memref_slice %arg2[%dma_start3A_205, %dma_start3A_206] : memref<10000x64xf32, #tpu.memory_space<hbm>> -> memref<10000x64xf32, #tpu.memory_space<hbm>>
        tpu.enqueue_indirect_dma source(%dma_start3A_207 : memref<10000x64xf32, #tpu.memory_space<hbm>>) target(%arg13 : memref<80x64xf32, #tpu.memory_space<vmem>>) offsets(%dma_start3A_204 : memref<80xi32, #tpu.memory_space<vmem>>) semaphore(%arg20 : memref<!tpu.dma_semaphore, #tpu.memory_space<semaphore_mem>>)
      } else {
      }
    }
    %scan3A_49 = arith.constant 20 : i32
    %dma_wait3A = arith.constant 0 : i32
    %dma_wait3A_50 = arith.constant 0 : i32
    %dma_wait3A_51 = tpu.memref_slice %arg6[%dma_wait3A, %dma_wait3A_50] : memref<125x80xi32, #tpu.memory_space<vmem>> -> memref<1x80xi32, #tpu.memory_space<vmem>>
    %dma_wait3A_52 = tpu.memref_squeeze %dma_wait3A_51 : memref<1x80xi32, #tpu.memory_space<vmem>> -> memref<80xi32, #tpu.memory_space<vmem>>
    %dma_wait3A_53 = arith.constant 0 : i32
    %dma_wait3A_54 = arith.constant 0 : i32
    %dma_wait3A_55 = tpu.memref_slice %arg2[%dma_wait3A_53, %dma_wait3A_54] : memref<10000x64xf32, #tpu.memory_space<hbm>> -> memref<10000x64xf32, #tpu.memory_space<hbm>>
    tpu.wait_indirect_dma semaphore(%arg15 : memref<!tpu.dma_semaphore, #tpu.memory_space<semaphore_mem>>) src(%dma_wait3A_55 : memref<10000x64xf32, #tpu.memory_space<hbm>>) dst(%arg8 : memref<80x64xf32, #tpu.memory_space<vmem>>)
    %run_scoped3A_56 = arith.constant 120 : i32
    "tpu.region"() ({
      %run_scoped3A_94 = tpu.sem_alloc : memref<!tpu.dma_semaphore, #tpu.memory_space<semaphore_mem>>
      %dma_start3A_95 = arith.constant 0 : i32
      %dma_start3A_96 = tpu.memref_slice %arg7[%run_scoped3A_56, %dma_start3A_95] : memref<125x80xi32, #tpu.memory_space<vmem>> -> memref<1x80xi32, #tpu.memory_space<vmem>>
      %dma_start3A_97 = tpu.memref_squeeze %dma_start3A_96 : memref<1x80xi32, #tpu.memory_space<vmem>> -> memref<80xi32, #tpu.memory_space<vmem>>
      %dma_start3A_98 = arith.constant 0 : i32
      %dma_start3A_99 = arith.constant 0 : i32
      %dma_start3A_100 = tpu.memref_slice %arg14[%dma_start3A_98, %dma_start3A_99] : memref<10112x64xf32, #tpu.memory_space<vmem_shared>> -> memref<10112x64xf32, #tpu.memory_space<vmem_shared>>
      tpu.enqueue_indirect_dma source(%arg8 : memref<80x64xf32, #tpu.memory_space<vmem>>) target(%dma_start3A_100 : memref<10112x64xf32, #tpu.memory_space<vmem_shared>>) offsets(%dma_start3A_97 : memref<80xi32, #tpu.memory_space<vmem>>) semaphore(%run_scoped3A_94 : memref<!tpu.dma_semaphore, #tpu.memory_space<semaphore_mem>>) {add = true}
      %dma_wait3A_101 = arith.constant 0 : i32
      %dma_wait3A_102 = tpu.memref_slice %arg7[%run_scoped3A_56, %dma_wait3A_101] : memref<125x80xi32, #tpu.memory_space<vmem>> -> memref<1x80xi32, #tpu.memory_space<vmem>>
      %dma_wait3A_103 = tpu.memref_squeeze %dma_wait3A_102 : memref<1x80xi32, #tpu.memory_space<vmem>> -> memref<80xi32, #tpu.memory_space<vmem>>
      %dma_wait3A_104 = arith.constant 0 : i32
      %dma_wait3A_105 = arith.constant 0 : i32
      %dma_wait3A_106 = tpu.memref_slice %arg14[%dma_wait3A_104, %dma_wait3A_105] : memref<10112x64xf32, #tpu.memory_space<vmem_shared>> -> memref<10112x64xf32, #tpu.memory_space<vmem_shared>>
      tpu.wait_indirect_dma semaphore(%run_scoped3A_94 : memref<!tpu.dma_semaphore, #tpu.memory_space<semaphore_mem>>) src(%arg8 : memref<80x64xf32, #tpu.memory_space<vmem>>) dst(%dma_wait3A_106 : memref<10112x64xf32, #tpu.memory_space<vmem_shared>>)
      tpu.yield
    }) : () -> ()
    %dma_wait3A_57 = arith.constant 0 : i32
    %dma_wait3A_58 = arith.constant 0 : i32
    %dma_wait3A_59 = tpu.memref_slice %arg6[%dma_wait3A_57, %dma_wait3A_58] : memref<125x80xi32, #tpu.memory_space<vmem>> -> memref<1x80xi32, #tpu.memory_space<vmem>>
    %dma_wait3A_60 = tpu.memref_squeeze %dma_wait3A_59 : memref<1x80xi32, #tpu.memory_space<vmem>> -> memref<80xi32, #tpu.memory_space<vmem>>
    %dma_wait3A_61 = arith.constant 0 : i32
    %dma_wait3A_62 = arith.constant 0 : i32
    %dma_wait3A_63 = tpu.memref_slice %arg2[%dma_wait3A_61, %dma_wait3A_62] : memref<10000x64xf32, #tpu.memory_space<hbm>> -> memref<10000x64xf32, #tpu.memory_space<hbm>>
    tpu.wait_indirect_dma semaphore(%arg16 : memref<!tpu.dma_semaphore, #tpu.memory_space<semaphore_mem>>) src(%dma_wait3A_63 : memref<10000x64xf32, #tpu.memory_space<hbm>>) dst(%arg9 : memref<80x64xf32, #tpu.memory_space<vmem>>)
    %run_scoped3A_64 = arith.constant 121 : i32
    "tpu.region"() ({
      %run_scoped3A_94 = tpu.sem_alloc : memref<!tpu.dma_semaphore, #tpu.memory_space<semaphore_mem>>
      %dma_start3A_95 = arith.constant 0 : i32
      %dma_start3A_96 = tpu.memref_slice %arg7[%run_scoped3A_64, %dma_start3A_95] : memref<125x80xi32, #tpu.memory_space<vmem>> -> memref<1x80xi32, #tpu.memory_space<vmem>>
      %dma_start3A_97 = tpu.memref_squeeze %dma_start3A_96 : memref<1x80xi32, #tpu.memory_space<vmem>> -> memref<80xi32, #tpu.memory_space<vmem>>
      %dma_start3A_98 = arith.constant 0 : i32
      %dma_start3A_99 = arith.constant 0 : i32
      %dma_start3A_100 = tpu.memref_slice %arg14[%dma_start3A_98, %dma_start3A_99] : memref<10112x64xf32, #tpu.memory_space<vmem_shared>> -> memref<10112x64xf32, #tpu.memory_space<vmem_shared>>
      tpu.enqueue_indirect_dma source(%arg9 : memref<80x64xf32, #tpu.memory_space<vmem>>) target(%dma_start3A_100 : memref<10112x64xf32, #tpu.memory_space<vmem_shared>>) offsets(%dma_start3A_97 : memref<80xi32, #tpu.memory_space<vmem>>) semaphore(%run_scoped3A_94 : memref<!tpu.dma_semaphore, #tpu.memory_space<semaphore_mem>>) {add = true}
      %dma_wait3A_101 = arith.constant 0 : i32
      %dma_wait3A_102 = tpu.memref_slice %arg7[%run_scoped3A_64, %dma_wait3A_101] : memref<125x80xi32, #tpu.memory_space<vmem>> -> memref<1x80xi32, #tpu.memory_space<vmem>>
      %dma_wait3A_103 = tpu.memref_squeeze %dma_wait3A_102 : memref<1x80xi32, #tpu.memory_space<vmem>> -> memref<80xi32, #tpu.memory_space<vmem>>
      %dma_wait3A_104 = arith.constant 0 : i32
      %dma_wait3A_105 = arith.constant 0 : i32
      %dma_wait3A_106 = tpu.memref_slice %arg14[%dma_wait3A_104, %dma_wait3A_105] : memref<10112x64xf32, #tpu.memory_space<vmem_shared>> -> memref<10112x64xf32, #tpu.memory_space<vmem_shared>>
      tpu.wait_indirect_dma semaphore(%run_scoped3A_94 : memref<!tpu.dma_semaphore, #tpu.memory_space<semaphore_mem>>) src(%arg9 : memref<80x64xf32, #tpu.memory_space<vmem>>) dst(%dma_wait3A_106 : memref<10112x64xf32, #tpu.memory_space<vmem_shared>>)
      tpu.yield
    }) : () -> ()
    %dma_wait3A_65 = arith.constant 0 : i32
    %dma_wait3A_66 = arith.constant 0 : i32
    %dma_wait3A_67 = tpu.memref_slice %arg6[%dma_wait3A_65, %dma_wait3A_66] : memref<125x80xi32, #tpu.memory_space<vmem>> -> memref<1x80xi32, #tpu.memory_space<vmem>>
    %dma_wait3A_68 = tpu.memref_squeeze %dma_wait3A_67 : memref<1x80xi32, #tpu.memory_space<vmem>> -> memref<80xi32, #tpu.memory_space<vmem>>
    %dma_wait3A_69 = arith.constant 0 : i32
    %dma_wait3A_70 = arith.constant 0 : i32
    %dma_wait3A_71 = tpu.memref_slice %arg2[%dma_wait3A_69, %dma_wait3A_70] : memref<10000x64xf32, #tpu.memory_space<hbm>> -> memref<10000x64xf32, #tpu.memory_space<hbm>>
    tpu.wait_indirect_dma semaphore(%arg17 : memref<!tpu.dma_semaphore, #tpu.memory_space<semaphore_mem>>) src(%dma_wait3A_71 : memref<10000x64xf32, #tpu.memory_space<hbm>>) dst(%arg10 : memref<80x64xf32, #tpu.memory_space<vmem>>)
    %run_scoped3A_72 = arith.constant 122 : i32
    "tpu.region"() ({
      %run_scoped3A_94 = tpu.sem_alloc : memref<!tpu.dma_semaphore, #tpu.memory_space<semaphore_mem>>
      %dma_start3A_95 = arith.constant 0 : i32
      %dma_start3A_96 = tpu.memref_slice %arg7[%run_scoped3A_72, %dma_start3A_95] : memref<125x80xi32, #tpu.memory_space<vmem>> -> memref<1x80xi32, #tpu.memory_space<vmem>>
      %dma_start3A_97 = tpu.memref_squeeze %dma_start3A_96 : memref<1x80xi32, #tpu.memory_space<vmem>> -> memref<80xi32, #tpu.memory_space<vmem>>
      %dma_start3A_98 = arith.constant 0 : i32
      %dma_start3A_99 = arith.constant 0 : i32
      %dma_start3A_100 = tpu.memref_slice %arg14[%dma_start3A_98, %dma_start3A_99] : memref<10112x64xf32, #tpu.memory_space<vmem_shared>> -> memref<10112x64xf32, #tpu.memory_space<vmem_shared>>
      tpu.enqueue_indirect_dma source(%arg10 : memref<80x64xf32, #tpu.memory_space<vmem>>) target(%dma_start3A_100 : memref<10112x64xf32, #tpu.memory_space<vmem_shared>>) offsets(%dma_start3A_97 : memref<80xi32, #tpu.memory_space<vmem>>) semaphore(%run_scoped3A_94 : memref<!tpu.dma_semaphore, #tpu.memory_space<semaphore_mem>>) {add = true}
      %dma_wait3A_101 = arith.constant 0 : i32
      %dma_wait3A_102 = tpu.memref_slice %arg7[%run_scoped3A_72, %dma_wait3A_101] : memref<125x80xi32, #tpu.memory_space<vmem>> -> memref<1x80xi32, #tpu.memory_space<vmem>>
      %dma_wait3A_103 = tpu.memref_squeeze %dma_wait3A_102 : memref<1x80xi32, #tpu.memory_space<vmem>> -> memref<80xi32, #tpu.memory_space<vmem>>
      %dma_wait3A_104 = arith.constant 0 : i32
      %dma_wait3A_105 = arith.constant 0 : i32
      %dma_wait3A_106 = tpu.memref_slice %arg14[%dma_wait3A_104, %dma_wait3A_105] : memref<10112x64xf32, #tpu.memory_space<vmem_shared>> -> memref<10112x64xf32, #tpu.memory_space<vmem_shared>>
      tpu.wait_indirect_dma semaphore(%run_scoped3A_94 : memref<!tpu.dma_semaphore, #tpu.memory_space<semaphore_mem>>) src(%arg10 : memref<80x64xf32, #tpu.memory_space<vmem>>) dst(%dma_wait3A_106 : memref<10112x64xf32, #tpu.memory_space<vmem_shared>>)
      tpu.yield
    }) : () -> ()
    %dma_wait3A_73 = arith.constant 0 : i32
    %dma_wait3A_74 = arith.constant 0 : i32
    %dma_wait3A_75 = tpu.memref_slice %arg6[%dma_wait3A_73, %dma_wait3A_74] : memref<125x80xi32, #tpu.memory_space<vmem>> -> memref<1x80xi32, #tpu.memory_space<vmem>>
    %dma_wait3A_76 = tpu.memref_squeeze %dma_wait3A_75 : memref<1x80xi32, #tpu.memory_space<vmem>> -> memref<80xi32, #tpu.memory_space<vmem>>
    %dma_wait3A_77 = arith.constant 0 : i32
    %dma_wait3A_78 = arith.constant 0 : i32
    %dma_wait3A_79 = tpu.memref_slice %arg2[%dma_wait3A_77, %dma_wait3A_78] : memref<10000x64xf32, #tpu.memory_space<hbm>> -> memref<10000x64xf32, #tpu.memory_space<hbm>>
    tpu.wait_indirect_dma semaphore(%arg18 : memref<!tpu.dma_semaphore, #tpu.memory_space<semaphore_mem>>) src(%dma_wait3A_79 : memref<10000x64xf32, #tpu.memory_space<hbm>>) dst(%arg11 : memref<80x64xf32, #tpu.memory_space<vmem>>)
    %run_scoped3A_80 = arith.constant 123 : i32
    "tpu.region"() ({
      %run_scoped3A_94 = tpu.sem_alloc : memref<!tpu.dma_semaphore, #tpu.memory_space<semaphore_mem>>
      %dma_start3A_95 = arith.constant 0 : i32
      %dma_start3A_96 = tpu.memref_slice %arg7[%run_scoped3A_80, %dma_start3A_95] : memref<125x80xi32, #tpu.memory_space<vmem>> -> memref<1x80xi32, #tpu.memory_space<vmem>>
      %dma_start3A_97 = tpu.memref_squeeze %dma_start3A_96 : memref<1x80xi32, #tpu.memory_space<vmem>> -> memref<80xi32, #tpu.memory_space<vmem>>
      %dma_start3A_98 = arith.constant 0 : i32
      %dma_start3A_99 = arith.constant 0 : i32
      %dma_start3A_100 = tpu.memref_slice %arg14[%dma_start3A_98, %dma_start3A_99] : memref<10112x64xf32, #tpu.memory_space<vmem_shared>> -> memref<10112x64xf32, #tpu.memory_space<vmem_shared>>
      tpu.enqueue_indirect_dma source(%arg11 : memref<80x64xf32, #tpu.memory_space<vmem>>) target(%dma_start3A_100 : memref<10112x64xf32, #tpu.memory_space<vmem_shared>>) offsets(%dma_start3A_97 : memref<80xi32, #tpu.memory_space<vmem>>) semaphore(%run_scoped3A_94 : memref<!tpu.dma_semaphore, #tpu.memory_space<semaphore_mem>>) {add = true}
      %dma_wait3A_101 = arith.constant 0 : i32
      %dma_wait3A_102 = tpu.memref_slice %arg7[%run_scoped3A_80, %dma_wait3A_101] : memref<125x80xi32, #tpu.memory_space<vmem>> -> memref<1x80xi32, #tpu.memory_space<vmem>>
      %dma_wait3A_103 = tpu.memref_squeeze %dma_wait3A_102 : memref<1x80xi32, #tpu.memory_space<vmem>> -> memref<80xi32, #tpu.memory_space<vmem>>
      %dma_wait3A_104 = arith.constant 0 : i32
      %dma_wait3A_105 = arith.constant 0 : i32
      %dma_wait3A_106 = tpu.memref_slice %arg14[%dma_wait3A_104, %dma_wait3A_105] : memref<10112x64xf32, #tpu.memory_space<vmem_shared>> -> memref<10112x64xf32, #tpu.memory_space<vmem_shared>>
      tpu.wait_indirect_dma semaphore(%run_scoped3A_94 : memref<!tpu.dma_semaphore, #tpu.memory_space<semaphore_mem>>) src(%arg11 : memref<80x64xf32, #tpu.memory_space<vmem>>) dst(%dma_wait3A_106 : memref<10112x64xf32, #tpu.memory_space<vmem_shared>>)
      tpu.yield
    }) : () -> ()
    %dma_wait3A_81 = arith.constant 0 : i32
    %dma_wait3A_82 = arith.constant 0 : i32
    %dma_wait3A_83 = tpu.memref_slice %arg6[%dma_wait3A_81, %dma_wait3A_82] : memref<125x80xi32, #tpu.memory_space<vmem>> -> memref<1x80xi32, #tpu.memory_space<vmem>>
    %dma_wait3A_84 = tpu.memref_squeeze %dma_wait3A_83 : memref<1x80xi32, #tpu.memory_space<vmem>> -> memref<80xi32, #tpu.memory_space<vmem>>
    %dma_wait3A_85 = arith.constant 0 : i32
    %dma_wait3A_86 = arith.constant 0 : i32
    %dma_wait3A_87 = tpu.memref_slice %arg2[%dma_wait3A_85, %dma_wait3A_86] : memref<10000x64xf32, #tpu.memory_space<hbm>> -> memref<10000x64xf32, #tpu.memory_space<hbm>>
    tpu.wait_indirect_dma semaphore(%arg19 : memref<!tpu.dma_semaphore, #tpu.memory_space<semaphore_mem>>) src(%dma_wait3A_87 : memref<10000x64xf32, #tpu.memory_space<hbm>>) dst(%arg12 : memref<80x64xf32, #tpu.memory_space<vmem>>)
    %run_scoped3A_88 = arith.constant 124 : i32
    "tpu.region"() ({
      %run_scoped3A_94 = tpu.sem_alloc : memref<!tpu.dma_semaphore, #tpu.memory_space<semaphore_mem>>
      %dma_start3A_95 = arith.constant 0 : i32
      %dma_start3A_96 = tpu.memref_slice %arg7[%run_scoped3A_88, %dma_start3A_95] : memref<125x80xi32, #tpu.memory_space<vmem>> -> memref<1x80xi32, #tpu.memory_space<vmem>>
      %dma_start3A_97 = tpu.memref_squeeze %dma_start3A_96 : memref<1x80xi32, #tpu.memory_space<vmem>> -> memref<80xi32, #tpu.memory_space<vmem>>
      %dma_start3A_98 = arith.constant 0 : i32
      %dma_start3A_99 = arith.constant 0 : i32
      %dma_start3A_100 = tpu.memref_slice %arg14[%dma_start3A_98, %dma_start3A_99] : memref<10112x64xf32, #tpu.memory_space<vmem_shared>> -> memref<10112x64xf32, #tpu.memory_space<vmem_shared>>
      tpu.enqueue_indirect_dma source(%arg12 : memref<80x64xf32, #tpu.memory_space<vmem>>) target(%dma_start3A_100 : memref<10112x64xf32, #tpu.memory_space<vmem_shared>>) offsets(%dma_start3A_97 : memref<80xi32, #tpu.memory_space<vmem>>) semaphore(%run_scoped3A_94 : memref<!tpu.dma_semaphore, #tpu.memory_space<semaphore_mem>>) {add = true}
      %dma_wait3A_101 = arith.constant 0 : i32
      %dma_wait3A_102 = tpu.memref_slice %arg7[%run_scoped3A_88, %dma_wait3A_101] : memref<125x80xi32, #tpu.memory_space<vmem>> -> memref<1x80xi32, #tpu.memory_space<vmem>>
      %dma_wait3A_103 = tpu.memref_squeeze %dma_wait3A_102 : memref<1x80xi32, #tpu.memory_space<vmem>> -> memref<80xi32, #tpu.memory_space<vmem>>
      %dma_wait3A_104 = arith.constant 0 : i32
      %dma_wait3A_105 = arith.constant 0 : i32
      %dma_wait3A_106 = tpu.memref_slice %arg14[%dma_wait3A_104, %dma_wait3A_105] : memref<10112x64xf32, #tpu.memory_space<vmem_shared>> -> memref<10112x64xf32, #tpu.memory_space<vmem_shared>>
      tpu.wait_indirect_dma semaphore(%run_scoped3A_94 : memref<!tpu.dma_semaphore, #tpu.memory_space<semaphore_mem>>) src(%arg12 : memref<80x64xf32, #tpu.memory_space<vmem>>) dst(%dma_wait3A_106 : memref<10112x64xf32, #tpu.memory_space<vmem_shared>>)
      tpu.yield
    }) : () -> ()
    %barrier3A_89 = arith.constant 0 : index
    tpu.barrier barrier_id(%barrier3A_89)
    %mul3A_90 = arith.constant 632 : i32
    %mul3A_91 = arith.muli %arg1, %mul3A_90 : i32
    %mul3A_92 = arith.constant 632 : i32
    %mul3A_93 = arith.muli %arg1, %mul3A_92 : i32
    "tpu.region"() ({
      %run_scoped3A_94 = tpu.sem_alloc : memref<!tpu.dma_semaphore, #tpu.memory_space<semaphore_mem>>
      %dma_start3A_95 = arith.constant 0 : i32
      %dma_start3A_96 = tpu.memref_slice %arg5[%arg0, %mul3A_93, %dma_start3A_95] : memref<2x10112x64xf32, #tpu.memory_space<hbm>> -> memref<1x632x64xf32, #tpu.memory_space<hbm>>
      %dma_start3A_97 = tpu.memref_squeeze %dma_start3A_96 : memref<1x632x64xf32, #tpu.memory_space<hbm>> -> memref<632x64xf32, #tpu.memory_space<hbm>>
      %dma_start3A_98 = arith.constant 0 : i32
      %dma_start3A_99 = tpu.memref_slice %arg14[%mul3A_91, %dma_start3A_98] : memref<10112x64xf32, #tpu.memory_space<vmem_shared>> -> memref<632x64xf32, #tpu.memory_space<vmem_shared>>
      tpu.enqueue_dma source(%dma_start3A_99 : memref<632x64xf32, #tpu.memory_space<vmem_shared>>) target(%dma_start3A_97 : memref<632x64xf32, #tpu.memory_space<hbm>>) target_semaphore(%run_scoped3A_94 : memref<!tpu.dma_semaphore, #tpu.memory_space<semaphore_mem>>)
      %dma_wait3A_100 = arith.constant 0 : i32
      %dma_wait3A_101 = tpu.memref_slice %arg5[%arg0, %mul3A_93, %dma_wait3A_100] : memref<2x10112x64xf32, #tpu.memory_space<hbm>> -> memref<1x632x64xf32, #tpu.memory_space<hbm>>
      %dma_wait3A_102 = tpu.memref_squeeze %dma_wait3A_101 : memref<1x632x64xf32, #tpu.memory_space<hbm>> -> memref<632x64xf32, #tpu.memory_space<hbm>>
      %dma_wait3A_103 = arith.constant 0 : i32
      %dma_wait3A_104 = tpu.memref_slice %arg14[%mul3A_91, %dma_wait3A_103] : memref<10112x64xf32, #tpu.memory_space<vmem_shared>> -> memref<632x64xf32, #tpu.memory_space<vmem_shared>>
      tpu.wait_dma2 semaphore(%run_scoped3A_94 : memref<!tpu.dma_semaphore, #tpu.memory_space<semaphore_mem>>) src(%dma_wait3A_104 : memref<632x64xf32, #tpu.memory_space<vmem_shared>>) dst(%dma_wait3A_102 : memref<632x64xf32, #tpu.memory_space<hbm>>)
      tpu.yield
    }) : () -> ()
    return
  }
}

#map = affine_map<(d0, d1) -> (0, 0)>
#map1 = affine_map<(d0, d1) -> (0, 0, 0, 0)>
#map2 = affine_map<(d0, d1) -> (0, 0, 0)>
module attributes {stable_mosaic.version = 14 : i64} {
  func.func @_agg_body(%arg0: i32, %arg1: i32, %arg2: memref<10000x64xf32, #tpu.memory_space<hbm>>, %arg3: memref<2x32x125x80xi32, #tpu.memory_space<hbm>>, %arg4: memref<632x64xf32, #tpu.memory_space<hbm>>, %arg5: memref<632x16xf32, #tpu.memory_space<hbm>>, %arg6: memref<2x10112x64xf32, #tpu.memory_space<hbm>>, %arg7: memref<2x10112x16xf32, #tpu.memory_space<hbm>>, %arg8: memref<125x80xi32, #tpu.memory_space<vmem>>, %arg9: memref<125x80xi32, #tpu.memory_space<vmem>>, %arg10: memref<80x64xf32, #tpu.memory_space<vmem>>, %arg11: memref<80x64xf32, #tpu.memory_space<vmem>>, %arg12: memref<80x64xf32, #tpu.memory_space<vmem>>, %arg13: memref<80x64xf32, #tpu.memory_space<vmem>>, %arg14: memref<80x64xf32, #tpu.memory_space<vmem>>, %arg15: memref<80x64xf32, #tpu.memory_space<vmem>>, %arg16: memref<80x16xf32, #tpu.memory_space<vmem>>, %arg17: memref<10112x64xf32, #tpu.memory_space<vmem_shared>>, %arg18: memref<10112x16xf32, #tpu.memory_space<vmem_shared>>, %arg19: memref<!tpu.dma_semaphore, #tpu.memory_space<semaphore_mem>>, %arg20: memref<!tpu.dma_semaphore, #tpu.memory_space<semaphore_mem>>, %arg21: memref<!tpu.dma_semaphore, #tpu.memory_space<semaphore_mem>>, %arg22: memref<!tpu.dma_semaphore, #tpu.memory_space<semaphore_mem>>, %arg23: memref<!tpu.dma_semaphore, #tpu.memory_space<semaphore_mem>>, %arg24: memref<!tpu.dma_semaphore, #tpu.memory_space<semaphore_mem>>, %arg25: memref<!tpu.dma_semaphore, #tpu.memory_space<semaphore_mem>>, %arg26: memref<!tpu.dma_semaphore, #tpu.memory_space<semaphore_mem>>, %arg27: memref<!tpu.dma_semaphore, #tpu.memory_space<semaphore_mem>>, %arg28: memref<!tpu.dma_semaphore, #tpu.memory_space<semaphore_mem>>, %arg29: memref<!tpu.dma_semaphore, #tpu.memory_space<semaphore_mem>>, %arg30: memref<!tpu.dma_semaphore, #tpu.memory_space<semaphore_mem>>) attributes {dimension_semantics = [#tpu.dimension_semantics<core_parallel>, #tpu.dimension_semantics<subcore_parallel>], iteration_bounds = array<i64: 2, 16>, scalar_prefetch = 0 : i64, scratch_operands = 23 : i64, tpu.core_type = #tpu.core_type<sc_vector_subcore>, window_params = [{transform_indices = #map}, {transform_indices = #map1}, {transform_indices = #map}, {transform_indices = #map}, {transform_indices = #map2}, {transform_indices = #map2}]} {
    %mul3A = arith.constant 16 : i32
    %mul3A_0 = arith.muli %arg0, %mul3A : i32
    %add3A = arith.addi %mul3A_0, %arg1 : i32
    %run_scoped3A = arith.constant 0 : i32
    "tpu.region"() ({
      %run_scoped3A_218 = tpu.sem_alloc : memref<!tpu.dma_semaphore, #tpu.memory_space<semaphore_mem>>
      %dma_start3A_219 = arith.constant 0 : i32
      %dma_start3A_220 = arith.constant 0 : i32
      %dma_start3A_221 = tpu.memref_slice %arg3[%run_scoped3A, %add3A, %dma_start3A_219, %dma_start3A_220] : memref<2x32x125x80xi32, #tpu.memory_space<hbm>> -> memref<1x1x125x80xi32, #tpu.memory_space<hbm>>
      %dma_start3A_222 = tpu.memref_squeeze %dma_start3A_221 : memref<1x1x125x80xi32, #tpu.memory_space<hbm>> -> memref<125x80xi32, #tpu.memory_space<hbm>>
      %dma_start3A_223 = arith.constant 0 : i32
      %dma_start3A_224 = arith.constant 0 : i32
      %dma_start3A_225 = tpu.memref_slice %arg3[%run_scoped3A, %add3A, %dma_start3A_223, %dma_start3A_224] : memref<2x32x125x80xi32, #tpu.memory_space<hbm>> -> memref<1x1x125x80xi32, #tpu.memory_space<hbm>>
      %dma_start3A_226 = tpu.memref_squeeze %dma_start3A_225 : memref<1x1x125x80xi32, #tpu.memory_space<hbm>> -> memref<125x80xi32, #tpu.memory_space<hbm>>
      tpu.enqueue_dma source(%dma_start3A_226 : memref<125x80xi32, #tpu.memory_space<hbm>>) target(%arg8 : memref<125x80xi32, #tpu.memory_space<vmem>>) target_semaphore(%run_scoped3A_218 : memref<!tpu.dma_semaphore, #tpu.memory_space<semaphore_mem>>)
      %dma_wait3A_227 = arith.constant 0 : i32
      %dma_wait3A_228 = arith.constant 0 : i32
      %dma_wait3A_229 = tpu.memref_slice %arg3[%run_scoped3A, %add3A, %dma_wait3A_227, %dma_wait3A_228] : memref<2x32x125x80xi32, #tpu.memory_space<hbm>> -> memref<1x1x125x80xi32, #tpu.memory_space<hbm>>
      %dma_wait3A_230 = tpu.memref_squeeze %dma_wait3A_229 : memref<1x1x125x80xi32, #tpu.memory_space<hbm>> -> memref<125x80xi32, #tpu.memory_space<hbm>>
      %dma_wait3A_231 = arith.constant 0 : i32
      %dma_wait3A_232 = arith.constant 0 : i32
      %dma_wait3A_233 = tpu.memref_slice %arg3[%run_scoped3A, %add3A, %dma_wait3A_231, %dma_wait3A_232] : memref<2x32x125x80xi32, #tpu.memory_space<hbm>> -> memref<1x1x125x80xi32, #tpu.memory_space<hbm>>
      %dma_wait3A_234 = tpu.memref_squeeze %dma_wait3A_233 : memref<1x1x125x80xi32, #tpu.memory_space<hbm>> -> memref<125x80xi32, #tpu.memory_space<hbm>>
      tpu.wait_dma2 semaphore(%run_scoped3A_218 : memref<!tpu.dma_semaphore, #tpu.memory_space<semaphore_mem>>) src(%dma_wait3A_234 : memref<125x80xi32, #tpu.memory_space<hbm>>) dst(%arg8 : memref<125x80xi32, #tpu.memory_space<vmem>>)
      tpu.yield
    }) : () -> ()
    %run_scoped3A_1 = arith.constant 1 : i32
    "tpu.region"() ({
      %run_scoped3A_218 = tpu.sem_alloc : memref<!tpu.dma_semaphore, #tpu.memory_space<semaphore_mem>>
      %dma_start3A_219 = arith.constant 0 : i32
      %dma_start3A_220 = arith.constant 0 : i32
      %dma_start3A_221 = tpu.memref_slice %arg3[%run_scoped3A_1, %add3A, %dma_start3A_219, %dma_start3A_220] : memref<2x32x125x80xi32, #tpu.memory_space<hbm>> -> memref<1x1x125x80xi32, #tpu.memory_space<hbm>>
      %dma_start3A_222 = tpu.memref_squeeze %dma_start3A_221 : memref<1x1x125x80xi32, #tpu.memory_space<hbm>> -> memref<125x80xi32, #tpu.memory_space<hbm>>
      %dma_start3A_223 = arith.constant 0 : i32
      %dma_start3A_224 = arith.constant 0 : i32
      %dma_start3A_225 = tpu.memref_slice %arg3[%run_scoped3A_1, %add3A, %dma_start3A_223, %dma_start3A_224] : memref<2x32x125x80xi32, #tpu.memory_space<hbm>> -> memref<1x1x125x80xi32, #tpu.memory_space<hbm>>
      %dma_start3A_226 = tpu.memref_squeeze %dma_start3A_225 : memref<1x1x125x80xi32, #tpu.memory_space<hbm>> -> memref<125x80xi32, #tpu.memory_space<hbm>>
      tpu.enqueue_dma source(%dma_start3A_226 : memref<125x80xi32, #tpu.memory_space<hbm>>) target(%arg9 : memref<125x80xi32, #tpu.memory_space<vmem>>) target_semaphore(%run_scoped3A_218 : memref<!tpu.dma_semaphore, #tpu.memory_space<semaphore_mem>>)
      %dma_wait3A_227 = arith.constant 0 : i32
      %dma_wait3A_228 = arith.constant 0 : i32
      %dma_wait3A_229 = tpu.memref_slice %arg3[%run_scoped3A_1, %add3A, %dma_wait3A_227, %dma_wait3A_228] : memref<2x32x125x80xi32, #tpu.memory_space<hbm>> -> memref<1x1x125x80xi32, #tpu.memory_space<hbm>>
      %dma_wait3A_230 = tpu.memref_squeeze %dma_wait3A_229 : memref<1x1x125x80xi32, #tpu.memory_space<hbm>> -> memref<125x80xi32, #tpu.memory_space<hbm>>
      %dma_wait3A_231 = arith.constant 0 : i32
      %dma_wait3A_232 = arith.constant 0 : i32
      %dma_wait3A_233 = tpu.memref_slice %arg3[%run_scoped3A_1, %add3A, %dma_wait3A_231, %dma_wait3A_232] : memref<2x32x125x80xi32, #tpu.memory_space<hbm>> -> memref<1x1x125x80xi32, #tpu.memory_space<hbm>>
      %dma_wait3A_234 = tpu.memref_squeeze %dma_wait3A_233 : memref<1x1x125x80xi32, #tpu.memory_space<hbm>> -> memref<125x80xi32, #tpu.memory_space<hbm>>
      tpu.wait_dma2 semaphore(%run_scoped3A_218 : memref<!tpu.dma_semaphore, #tpu.memory_space<semaphore_mem>>) src(%dma_wait3A_234 : memref<125x80xi32, #tpu.memory_space<hbm>>) dst(%arg9 : memref<125x80xi32, #tpu.memory_space<vmem>>)
      tpu.yield
    }) : () -> ()
    %mul3A_2 = arith.constant 632 : i32
    %mul3A_3 = arith.muli %arg1, %mul3A_2 : i32
    "tpu.region"() ({
      %run_scoped3A_218 = tpu.sem_alloc : memref<!tpu.dma_semaphore, #tpu.memory_space<semaphore_mem>>
      %dma_start3A_219 = arith.constant 0 : i32
      %dma_start3A_220 = tpu.memref_slice %arg17[%mul3A_3, %dma_start3A_219] : memref<10112x64xf32, #tpu.memory_space<vmem_shared>> -> memref<632x64xf32, #tpu.memory_space<vmem_shared>>
      tpu.enqueue_dma source(%arg4 : memref<632x64xf32, #tpu.memory_space<hbm>>) target(%dma_start3A_220 : memref<632x64xf32, #tpu.memory_space<vmem_shared>>) target_semaphore(%run_scoped3A_218 : memref<!tpu.dma_semaphore, #tpu.memory_space<semaphore_mem>>)
      %dma_wait3A_221 = arith.constant 0 : i32
      %dma_wait3A_222 = tpu.memref_slice %arg17[%mul3A_3, %dma_wait3A_221] : memref<10112x64xf32, #tpu.memory_space<vmem_shared>> -> memref<632x64xf32, #tpu.memory_space<vmem_shared>>
      tpu.wait_dma2 semaphore(%run_scoped3A_218 : memref<!tpu.dma_semaphore, #tpu.memory_space<semaphore_mem>>) src(%arg4 : memref<632x64xf32, #tpu.memory_space<hbm>>) dst(%dma_wait3A_222 : memref<632x64xf32, #tpu.memory_space<vmem_shared>>)
      tpu.yield
    }) : () -> ()
    %mul3A_4 = arith.constant 632 : i32
    %mul3A_5 = arith.muli %arg1, %mul3A_4 : i32
    "tpu.region"() ({
      %run_scoped3A_218 = tpu.sem_alloc : memref<!tpu.dma_semaphore, #tpu.memory_space<semaphore_mem>>
      %dma_start3A_219 = arith.constant 0 : i32
      %dma_start3A_220 = tpu.memref_slice %arg18[%mul3A_5, %dma_start3A_219] : memref<10112x16xf32, #tpu.memory_space<vmem_shared>> -> memref<632x16xf32, #tpu.memory_space<vmem_shared>>
      tpu.enqueue_dma source(%arg5 : memref<632x16xf32, #tpu.memory_space<hbm>>) target(%dma_start3A_220 : memref<632x16xf32, #tpu.memory_space<vmem_shared>>) target_semaphore(%run_scoped3A_218 : memref<!tpu.dma_semaphore, #tpu.memory_space<semaphore_mem>>)
      %dma_wait3A_221 = arith.constant 0 : i32
      %dma_wait3A_222 = tpu.memref_slice %arg18[%mul3A_5, %dma_wait3A_221] : memref<10112x16xf32, #tpu.memory_space<vmem_shared>> -> memref<632x16xf32, #tpu.memory_space<vmem_shared>>
      tpu.wait_dma2 semaphore(%run_scoped3A_218 : memref<!tpu.dma_semaphore, #tpu.memory_space<semaphore_mem>>) src(%arg5 : memref<632x16xf32, #tpu.memory_space<hbm>>) dst(%dma_wait3A_222 : memref<632x16xf32, #tpu.memory_space<vmem_shared>>)
      tpu.yield
    }) : () -> ()
    %scan3A = arith.constant 0 : i32
    %scan3A_6 = arith.constant 0 : i32
    %scan3A_7 = arith.constant 80 : i32
    %scan3A_8 = arith.addi %scan3A_6, %scan3A_7 : i32
    %scan3A_9 = arith.constant 1 : i32
    scf.for %scan3A_218 = %scan3A_6 to %scan3A_8 step %scan3A_9  : i32 {
      %broadcast_in_dim3A = arith.constant 1.000000e+00 : f32
      %broadcast_in_dim3A_219 = vector.broadcast %broadcast_in_dim3A : f32 to vector<16xf32>
      %swap3A = arith.index_cast %scan3A_218 : i32 to index
      %swap3A_220 = arith.constant 0 : index
      %swap3A_221 = tpu.vector_load %arg16[%swap3A, %swap3A_220] {strides = array<i32>} : memref<80x16xf32, #tpu.memory_space<vmem>>, vector<1x16xf32>,
      %swap3A_222 = vector.shape_cast %swap3A_221 : vector<1x16xf32> to vector<16xf32>
      %swap3A_223 = vector.shape_cast %broadcast_in_dim3A_219 : vector<16xf32> to vector<1x16xf32>
      tpu.vector_store %arg16[%swap3A, %swap3A_220], %swap3A_223 {strides = array<i32>} : memref<80x16xf32, #tpu.memory_space<vmem>>, vector<1x16xf32>,
    }
    %scan3A_10 = arith.constant 80 : i32
    %barrier3A = arith.constant 0 : index
    tpu.barrier barrier_id(%barrier3A)
    %dma_start3A = arith.constant 0 : i32
    %dma_start3A_11 = arith.constant 0 : i32
    %dma_start3A_12 = tpu.memref_slice %arg8[%dma_start3A, %dma_start3A_11] : memref<125x80xi32, #tpu.memory_space<vmem>> -> memref<1x80xi32, #tpu.memory_space<vmem>>
    %dma_start3A_13 = tpu.memref_squeeze %dma_start3A_12 : memref<1x80xi32, #tpu.memory_space<vmem>> -> memref<80xi32, #tpu.memory_space<vmem>>
    %dma_start3A_14 = arith.constant 0 : i32
    %dma_start3A_15 = arith.constant 0 : i32
    %dma_start3A_16 = tpu.memref_slice %arg2[%dma_start3A_14, %dma_start3A_15] : memref<10000x64xf32, #tpu.memory_space<hbm>> -> memref<10000x64xf32, #tpu.memory_space<hbm>>
    tpu.enqueue_indirect_dma source(%dma_start3A_16 : memref<10000x64xf32, #tpu.memory_space<hbm>>) target(%arg10 : memref<80x64xf32, #tpu.memory_space<vmem>>) offsets(%dma_start3A_13 : memref<80xi32, #tpu.memory_space<vmem>>) semaphore(%arg19 : memref<!tpu.dma_semaphore, #tpu.memory_space<semaphore_mem>>)
    %dma_start3A_17 = arith.constant 1 : i32
    %dma_start3A_18 = arith.constant 0 : i32
    %dma_start3A_19 = tpu.memref_slice %arg8[%dma_start3A_17, %dma_start3A_18] : memref<125x80xi32, #tpu.memory_space<vmem>> -> memref<1x80xi32, #tpu.memory_space<vmem>>
    %dma_start3A_20 = tpu.memref_squeeze %dma_start3A_19 : memref<1x80xi32, #tpu.memory_space<vmem>> -> memref<80xi32, #tpu.memory_space<vmem>>
    %dma_start3A_21 = arith.constant 0 : i32
    %dma_start3A_22 = arith.constant 0 : i32
    %dma_start3A_23 = tpu.memref_slice %arg2[%dma_start3A_21, %dma_start3A_22] : memref<10000x64xf32, #tpu.memory_space<hbm>> -> memref<10000x64xf32, #tpu.memory_space<hbm>>
    tpu.enqueue_indirect_dma source(%dma_start3A_23 : memref<10000x64xf32, #tpu.memory_space<hbm>>) target(%arg11 : memref<80x64xf32, #tpu.memory_space<vmem>>) offsets(%dma_start3A_20 : memref<80xi32, #tpu.memory_space<vmem>>) semaphore(%arg20 : memref<!tpu.dma_semaphore, #tpu.memory_space<semaphore_mem>>)
    %dma_start3A_24 = arith.constant 2 : i32
    %dma_start3A_25 = arith.constant 0 : i32
    %dma_start3A_26 = tpu.memref_slice %arg8[%dma_start3A_24, %dma_start3A_25] : memref<125x80xi32, #tpu.memory_space<vmem>> -> memref<1x80xi32, #tpu.memory_space<vmem>>
    %dma_start3A_27 = tpu.memref_squeeze %dma_start3A_26 : memref<1x80xi32, #tpu.memory_space<vmem>> -> memref<80xi32, #tpu.memory_space<vmem>>
    %dma_start3A_28 = arith.constant 0 : i32
    %dma_start3A_29 = arith.constant 0 : i32
    %dma_start3A_30 = tpu.memref_slice %arg2[%dma_start3A_28, %dma_start3A_29] : memref<10000x64xf32, #tpu.memory_space<hbm>> -> memref<10000x64xf32, #tpu.memory_space<hbm>>
    tpu.enqueue_indirect_dma source(%dma_start3A_30 : memref<10000x64xf32, #tpu.memory_space<hbm>>) target(%arg12 : memref<80x64xf32, #tpu.memory_space<vmem>>) offsets(%dma_start3A_27 : memref<80xi32, #tpu.memory_space<vmem>>) semaphore(%arg21 : memref<!tpu.dma_semaphore, #tpu.memory_space<semaphore_mem>>)
    %dma_start3A_31 = arith.constant 3 : i32
    %dma_start3A_32 = arith.constant 0 : i32
    %dma_start3A_33 = tpu.memref_slice %arg8[%dma_start3A_31, %dma_start3A_32] : memref<125x80xi32, #tpu.memory_space<vmem>> -> memref<1x80xi32, #tpu.memory_space<vmem>>
    %dma_start3A_34 = tpu.memref_squeeze %dma_start3A_33 : memref<1x80xi32, #tpu.memory_space<vmem>> -> memref<80xi32, #tpu.memory_space<vmem>>
    %dma_start3A_35 = arith.constant 0 : i32
    %dma_start3A_36 = arith.constant 0 : i32
    %dma_start3A_37 = tpu.memref_slice %arg2[%dma_start3A_35, %dma_start3A_36] : memref<10000x64xf32, #tpu.memory_space<hbm>> -> memref<10000x64xf32, #tpu.memory_space<hbm>>
    tpu.enqueue_indirect_dma source(%dma_start3A_37 : memref<10000x64xf32, #tpu.memory_space<hbm>>) target(%arg13 : memref<80x64xf32, #tpu.memory_space<vmem>>) offsets(%dma_start3A_34 : memref<80xi32, #tpu.memory_space<vmem>>) semaphore(%arg22 : memref<!tpu.dma_semaphore, #tpu.memory_space<semaphore_mem>>)
    %dma_start3A_38 = arith.constant 4 : i32
    %dma_start3A_39 = arith.constant 0 : i32
    %dma_start3A_40 = tpu.memref_slice %arg8[%dma_start3A_38, %dma_start3A_39] : memref<125x80xi32, #tpu.memory_space<vmem>> -> memref<1x80xi32, #tpu.memory_space<vmem>>
    %dma_start3A_41 = tpu.memref_squeeze %dma_start3A_40 : memref<1x80xi32, #tpu.memory_space<vmem>> -> memref<80xi32, #tpu.memory_space<vmem>>
    %dma_start3A_42 = arith.constant 0 : i32
    %dma_start3A_43 = arith.constant 0 : i32
    %dma_start3A_44 = tpu.memref_slice %arg2[%dma_start3A_42, %dma_start3A_43] : memref<10000x64xf32, #tpu.memory_space<hbm>> -> memref<10000x64xf32, #tpu.memory_space<hbm>>
    tpu.enqueue_indirect_dma source(%dma_start3A_44 : memref<10000x64xf32, #tpu.memory_space<hbm>>) target(%arg14 : memref<80x64xf32, #tpu.memory_space<vmem>>) offsets(%dma_start3A_41 : memref<80xi32, #tpu.memory_space<vmem>>) semaphore(%arg23 : memref<!tpu.dma_semaphore, #tpu.memory_space<semaphore_mem>>)
    %dma_start3A_45 = arith.constant 5 : i32
    %dma_start3A_46 = arith.constant 0 : i32
    %dma_start3A_47 = tpu.memref_slice %arg8[%dma_start3A_45, %dma_start3A_46] : memref<125x80xi32, #tpu.memory_space<vmem>> -> memref<1x80xi32, #tpu.memory_space<vmem>>
    %dma_start3A_48 = tpu.memref_squeeze %dma_start3A_47 : memref<1x80xi32, #tpu.memory_space<vmem>> -> memref<80xi32, #tpu.memory_space<vmem>>
    %dma_start3A_49 = arith.constant 0 : i32
    %dma_start3A_50 = arith.constant 0 : i32
    %dma_start3A_51 = tpu.memref_slice %arg2[%dma_start3A_49, %dma_start3A_50] : memref<10000x64xf32, #tpu.memory_space<hbm>> -> memref<10000x64xf32, #tpu.memory_space<hbm>>
    tpu.enqueue_indirect_dma source(%dma_start3A_51 : memref<10000x64xf32, #tpu.memory_space<hbm>>) target(%arg15 : memref<80x64xf32, #tpu.memory_space<vmem>>) offsets(%dma_start3A_48 : memref<80xi32, #tpu.memory_space<vmem>>) semaphore(%arg24 : memref<!tpu.dma_semaphore, #tpu.memory_space<semaphore_mem>>)
    %scan3A_52 = arith.constant 0 : i32
    %scan3A_53 = arith.constant 0 : i32
    %scan3A_54 = arith.constant 20 : i32
    %scan3A_55 = arith.addi %scan3A_53, %scan3A_54 : i32
    %scan3A_56 = arith.constant 1 : i32
    scf.for %scan3A_218 = %scan3A_53 to %scan3A_55 step %scan3A_56  : i32 {
      %mul3A_219 = arith.constant 6 : i32
      %mul3A_220 = arith.muli %mul3A_219, %scan3A_218 : i32
      %add3A_221 = arith.constant 0 : i32
      %add3A_222 = arith.addi %mul3A_220, %add3A_221 : i32
      %dma_wait3A_223 = arith.constant 0 : i32
      %dma_wait3A_224 = arith.constant 0 : i32
      %dma_wait3A_225 = tpu.memref_slice %arg8[%dma_wait3A_223, %dma_wait3A_224] : memref<125x80xi32, #tpu.memory_space<vmem>> -> memref<1x80xi32, #tpu.memory_space<vmem>>
      %dma_wait3A_226 = tpu.memref_squeeze %dma_wait3A_225 : memref<1x80xi32, #tpu.memory_space<vmem>> -> memref<80xi32, #tpu.memory_space<vmem>>
      %dma_wait3A_227 = arith.constant 0 : i32
      %dma_wait3A_228 = arith.constant 0 : i32
      %dma_wait3A_229 = tpu.memref_slice %arg2[%dma_wait3A_227, %dma_wait3A_228] : memref<10000x64xf32, #tpu.memory_space<hbm>> -> memref<10000x64xf32, #tpu.memory_space<hbm>>
      tpu.wait_indirect_dma semaphore(%arg19 : memref<!tpu.dma_semaphore, #tpu.memory_space<semaphore_mem>>) src(%dma_wait3A_229 : memref<10000x64xf32, #tpu.memory_space<hbm>>) dst(%arg10 : memref<80x64xf32, #tpu.memory_space<vmem>>)
      "tpu.region"() ({
        %run_scoped3A_389 = tpu.sem_alloc : memref<!tpu.dma_semaphore, #tpu.memory_space<semaphore_mem>>
        %dma_start3A_390 = arith.constant 0 : i32
        %dma_start3A_391 = tpu.memref_slice %arg9[%add3A_222, %dma_start3A_390] : memref<125x80xi32, #tpu.memory_space<vmem>> -> memref<1x80xi32, #tpu.memory_space<vmem>>
        %dma_start3A_392 = tpu.memref_squeeze %dma_start3A_391 : memref<1x80xi32, #tpu.memory_space<vmem>> -> memref<80xi32, #tpu.memory_space<vmem>>
        %dma_start3A_393 = arith.constant 0 : i32
        %dma_start3A_394 = arith.constant 0 : i32
        %dma_start3A_395 = tpu.memref_slice %arg17[%dma_start3A_393, %dma_start3A_394] : memref<10112x64xf32, #tpu.memory_space<vmem_shared>> -> memref<10112x64xf32, #tpu.memory_space<vmem_shared>>
        tpu.enqueue_indirect_dma source(%arg10 : memref<80x64xf32, #tpu.memory_space<vmem>>) target(%dma_start3A_395 : memref<10112x64xf32, #tpu.memory_space<vmem_shared>>) offsets(%dma_start3A_392 : memref<80xi32, #tpu.memory_space<vmem>>) semaphore(%run_scoped3A_389 : memref<!tpu.dma_semaphore, #tpu.memory_space<semaphore_mem>>) {add = true}
        %dma_wait3A_396 = arith.constant 0 : i32
        %dma_wait3A_397 = tpu.memref_slice %arg9[%add3A_222, %dma_wait3A_396] : memref<125x80xi32, #tpu.memory_space<vmem>> -> memref<1x80xi32, #tpu.memory_space<vmem>>
        %dma_wait3A_398 = tpu.memref_squeeze %dma_wait3A_397 : memref<1x80xi32, #tpu.memory_space<vmem>> -> memref<80xi32, #tpu.memory_space<vmem>>
        %dma_wait3A_399 = arith.constant 0 : i32
        %dma_wait3A_400 = arith.constant 0 : i32
        %dma_wait3A_401 = tpu.memref_slice %arg17[%dma_wait3A_399, %dma_wait3A_400] : memref<10112x64xf32, #tpu.memory_space<vmem_shared>> -> memref<10112x64xf32, #tpu.memory_space<vmem_shared>>
        tpu.wait_indirect_dma semaphore(%run_scoped3A_389 : memref<!tpu.dma_semaphore, #tpu.memory_space<semaphore_mem>>) src(%arg10 : memref<80x64xf32, #tpu.memory_space<vmem>>) dst(%dma_wait3A_401 : memref<10112x64xf32, #tpu.memory_space<vmem_shared>>)
        tpu.yield
      }) : () -> ()
      %ge3A = arith.constant 6 : i32
      %ge3A_230 = arith.cmpi sge, %add3A_222, %ge3A : i32
      %convert_element_type3A = arith.extui %ge3A_230 : i1 to i32
      %cond3A = arith.constant 0 : i32
      %cond3A_231 = arith.cmpi ne, %convert_element_type3A, %cond3A : i32
      scf.if %cond3A_231 {
        %dma_wait3A_389 = arith.constant 0 : i32
        %dma_wait3A_390 = arith.constant 0 : i32
        %dma_wait3A_391 = tpu.memref_slice %arg9[%dma_wait3A_389, %dma_wait3A_390] : memref<125x80xi32, #tpu.memory_space<vmem>> -> memref<1x80xi32, #tpu.memory_space<vmem>>
        %dma_wait3A_392 = tpu.memref_squeeze %dma_wait3A_391 : memref<1x80xi32, #tpu.memory_space<vmem>> -> memref<80xi32, #tpu.memory_space<vmem>>
        %dma_wait3A_393 = arith.constant 0 : i32
        %dma_wait3A_394 = arith.constant 0 : i32
        %dma_wait3A_395 = tpu.memref_slice %arg18[%dma_wait3A_393, %dma_wait3A_394] : memref<10112x16xf32, #tpu.memory_space<vmem_shared>> -> memref<10112x16xf32, #tpu.memory_space<vmem_shared>>
        tpu.wait_indirect_dma semaphore(%arg25 : memref<!tpu.dma_semaphore, #tpu.memory_space<semaphore_mem>>) src(%arg16 : memref<80x16xf32, #tpu.memory_space<vmem>>) dst(%dma_wait3A_395 : memref<10112x16xf32, #tpu.memory_space<vmem_shared>>)
      } else {
      }
      %dma_start3A_232 = arith.constant 0 : i32
      %dma_start3A_233 = tpu.memref_slice %arg9[%add3A_222, %dma_start3A_232] : memref<125x80xi32, #tpu.memory_space<vmem>> -> memref<1x80xi32, #tpu.memory_space<vmem>>
      %dma_start3A_234 = tpu.memref_squeeze %dma_start3A_233 : memref<1x80xi32, #tpu.memory_space<vmem>> -> memref<80xi32, #tpu.memory_space<vmem>>
      %dma_start3A_235 = arith.constant 0 : i32
      %dma_start3A_236 = arith.constant 0 : i32
      %dma_start3A_237 = tpu.memref_slice %arg18[%dma_start3A_235, %dma_start3A_236] : memref<10112x16xf32, #tpu.memory_space<vmem_shared>> -> memref<10112x16xf32, #tpu.memory_space<vmem_shared>>
      tpu.enqueue_indirect_dma source(%arg16 : memref<80x16xf32, #tpu.memory_space<vmem>>) target(%dma_start3A_237 : memref<10112x16xf32, #tpu.memory_space<vmem_shared>>) offsets(%dma_start3A_234 : memref<80xi32, #tpu.memory_space<vmem>>) semaphore(%arg25 : memref<!tpu.dma_semaphore, #tpu.memory_space<semaphore_mem>>) {add = true}
      %add3A_238 = arith.constant 6 : i32
      %add3A_239 = arith.addi %add3A_222, %add3A_238 : i32
      %lt3A = arith.constant 125 : i32
      %lt3A_240 = arith.cmpi slt, %add3A_239, %lt3A : i32
      %convert_element_type3A_241 = arith.extui %lt3A_240 : i1 to i32
      %cond3A_242 = arith.constant 0 : i32
      %cond3A_243 = arith.cmpi ne, %convert_element_type3A_241, %cond3A_242 : i32
      scf.if %cond3A_243 {
        %add3A_389 = arith.constant 6 : i32
        %add3A_390 = arith.addi %add3A_222, %add3A_389 : i32
        %dma_start3A_391 = arith.constant 0 : i32
        %dma_start3A_392 = tpu.memref_slice %arg8[%add3A_390, %dma_start3A_391] : memref<125x80xi32, #tpu.memory_space<vmem>> -> memref<1x80xi32, #tpu.memory_space<vmem>>
        %dma_start3A_393 = tpu.memref_squeeze %dma_start3A_392 : memref<1x80xi32, #tpu.memory_space<vmem>> -> memref<80xi32, #tpu.memory_space<vmem>>
        %dma_start3A_394 = arith.constant 0 : i32
        %dma_start3A_395 = arith.constant 0 : i32
        %dma_start3A_396 = tpu.memref_slice %arg2[%dma_start3A_394, %dma_start3A_395] : memref<10000x64xf32, #tpu.memory_space<hbm>> -> memref<10000x64xf32, #tpu.memory_space<hbm>>
        tpu.enqueue_indirect_dma source(%dma_start3A_396 : memref<10000x64xf32, #tpu.memory_space<hbm>>) target(%arg10 : memref<80x64xf32, #tpu.memory_space<vmem>>) offsets(%dma_start3A_393 : memref<80xi32, #tpu.memory_space<vmem>>) semaphore(%arg19 : memref<!tpu.dma_semaphore, #tpu.memory_space<semaphore_mem>>)
      } else {
      }
      %mul3A_244 = arith.constant 6 : i32
      %mul3A_245 = arith.muli %mul3A_244, %scan3A_218 : i32
      %add3A_246 = arith.constant 1 : i32
      %add3A_247 = arith.addi %mul3A_245, %add3A_246 : i32
      %dma_wait3A_248 = arith.constant 0 : i32
      %dma_wait3A_249 = arith.constant 0 : i32
      %dma_wait3A_250 = tpu.memref_slice %arg8[%dma_wait3A_248, %dma_wait3A_249] : memref<125x80xi32, #tpu.memory_space<vmem>> -> memref<1x80xi32, #tpu.memory_space<vmem>>
      %dma_wait3A_251 = tpu.memref_squeeze %dma_wait3A_250 : memref<1x80xi32, #tpu.memory_space<vmem>> -> memref<80xi32, #tpu.memory_space<vmem>>
      %dma_wait3A_252 = arith.constant 0 : i32
      %dma_wait3A_253 = arith.constant 0 : i32
      %dma_wait3A_254 = tpu.memref_slice %arg2[%dma_wait3A_252, %dma_wait3A_253] : memref<10000x64xf32, #tpu.memory_space<hbm>> -> memref<10000x64xf32, #tpu.memory_space<hbm>>
      tpu.wait_indirect_dma semaphore(%arg20 : memref<!tpu.dma_semaphore, #tpu.memory_space<semaphore_mem>>) src(%dma_wait3A_254 : memref<10000x64xf32, #tpu.memory_space<hbm>>) dst(%arg11 : memref<80x64xf32, #tpu.memory_space<vmem>>)
      "tpu.region"() ({
        %run_scoped3A_389 = tpu.sem_alloc : memref<!tpu.dma_semaphore, #tpu.memory_space<semaphore_mem>>
        %dma_start3A_390 = arith.constant 0 : i32
        %dma_start3A_391 = tpu.memref_slice %arg9[%add3A_247, %dma_start3A_390] : memref<125x80xi32, #tpu.memory_space<vmem>> -> memref<1x80xi32, #tpu.memory_space<vmem>>
        %dma_start3A_392 = tpu.memref_squeeze %dma_start3A_391 : memref<1x80xi32, #tpu.memory_space<vmem>> -> memref<80xi32, #tpu.memory_space<vmem>>
        %dma_start3A_393 = arith.constant 0 : i32
        %dma_start3A_394 = arith.constant 0 : i32
        %dma_start3A_395 = tpu.memref_slice %arg17[%dma_start3A_393, %dma_start3A_394] : memref<10112x64xf32, #tpu.memory_space<vmem_shared>> -> memref<10112x64xf32, #tpu.memory_space<vmem_shared>>
        tpu.enqueue_indirect_dma source(%arg11 : memref<80x64xf32, #tpu.memory_space<vmem>>) target(%dma_start3A_395 : memref<10112x64xf32, #tpu.memory_space<vmem_shared>>) offsets(%dma_start3A_392 : memref<80xi32, #tpu.memory_space<vmem>>) semaphore(%run_scoped3A_389 : memref<!tpu.dma_semaphore, #tpu.memory_space<semaphore_mem>>) {add = true}
        %dma_wait3A_396 = arith.constant 0 : i32
        %dma_wait3A_397 = tpu.memref_slice %arg9[%add3A_247, %dma_wait3A_396] : memref<125x80xi32, #tpu.memory_space<vmem>> -> memref<1x80xi32, #tpu.memory_space<vmem>>
        %dma_wait3A_398 = tpu.memref_squeeze %dma_wait3A_397 : memref<1x80xi32, #tpu.memory_space<vmem>> -> memref<80xi32, #tpu.memory_space<vmem>>
        %dma_wait3A_399 = arith.constant 0 : i32
        %dma_wait3A_400 = arith.constant 0 : i32
        %dma_wait3A_401 = tpu.memref_slice %arg17[%dma_wait3A_399, %dma_wait3A_400] : memref<10112x64xf32, #tpu.memory_space<vmem_shared>> -> memref<10112x64xf32, #tpu.memory_space<vmem_shared>>
        tpu.wait_indirect_dma semaphore(%run_scoped3A_389 : memref<!tpu.dma_semaphore, #tpu.memory_space<semaphore_mem>>) src(%arg11 : memref<80x64xf32, #tpu.memory_space<vmem>>) dst(%dma_wait3A_401 : memref<10112x64xf32, #tpu.memory_space<vmem_shared>>)
        tpu.yield
      }) : () -> ()
      %ge3A_255 = arith.constant 6 : i32
      %ge3A_256 = arith.cmpi sge, %add3A_247, %ge3A_255 : i32
      %convert_element_type3A_257 = arith.extui %ge3A_256 : i1 to i32
      %cond3A_258 = arith.constant 0 : i32
      %cond3A_259 = arith.cmpi ne, %convert_element_type3A_257, %cond3A_258 : i32
      scf.if %cond3A_259 {
        %dma_wait3A_389 = arith.constant 0 : i32
        %dma_wait3A_390 = arith.constant 0 : i32
        %dma_wait3A_391 = tpu.memref_slice %arg9[%dma_wait3A_389, %dma_wait3A_390] : memref<125x80xi32, #tpu.memory_space<vmem>> -> memref<1x80xi32, #tpu.memory_space<vmem>>
        %dma_wait3A_392 = tpu.memref_squeeze %dma_wait3A_391 : memref<1x80xi32, #tpu.memory_space<vmem>> -> memref<80xi32, #tpu.memory_space<vmem>>
        %dma_wait3A_393 = arith.constant 0 : i32
        %dma_wait3A_394 = arith.constant 0 : i32
        %dma_wait3A_395 = tpu.memref_slice %arg18[%dma_wait3A_393, %dma_wait3A_394] : memref<10112x16xf32, #tpu.memory_space<vmem_shared>> -> memref<10112x16xf32, #tpu.memory_space<vmem_shared>>
        tpu.wait_indirect_dma semaphore(%arg26 : memref<!tpu.dma_semaphore, #tpu.memory_space<semaphore_mem>>) src(%arg16 : memref<80x16xf32, #tpu.memory_space<vmem>>) dst(%dma_wait3A_395 : memref<10112x16xf32, #tpu.memory_space<vmem_shared>>)
      } else {
      }
      %dma_start3A_260 = arith.constant 0 : i32
      %dma_start3A_261 = tpu.memref_slice %arg9[%add3A_247, %dma_start3A_260] : memref<125x80xi32, #tpu.memory_space<vmem>> -> memref<1x80xi32, #tpu.memory_space<vmem>>
      %dma_start3A_262 = tpu.memref_squeeze %dma_start3A_261 : memref<1x80xi32, #tpu.memory_space<vmem>> -> memref<80xi32, #tpu.memory_space<vmem>>
      %dma_start3A_263 = arith.constant 0 : i32
      %dma_start3A_264 = arith.constant 0 : i32
      %dma_start3A_265 = tpu.memref_slice %arg18[%dma_start3A_263, %dma_start3A_264] : memref<10112x16xf32, #tpu.memory_space<vmem_shared>> -> memref<10112x16xf32, #tpu.memory_space<vmem_shared>>
      tpu.enqueue_indirect_dma source(%arg16 : memref<80x16xf32, #tpu.memory_space<vmem>>) target(%dma_start3A_265 : memref<10112x16xf32, #tpu.memory_space<vmem_shared>>) offsets(%dma_start3A_262 : memref<80xi32, #tpu.memory_space<vmem>>) semaphore(%arg26 : memref<!tpu.dma_semaphore, #tpu.memory_space<semaphore_mem>>) {add = true}
      %add3A_266 = arith.constant 6 : i32
      %add3A_267 = arith.addi %add3A_247, %add3A_266 : i32
      %lt3A_268 = arith.constant 125 : i32
      %lt3A_269 = arith.cmpi slt, %add3A_267, %lt3A_268 : i32
      %convert_element_type3A_270 = arith.extui %lt3A_269 : i1 to i32
      %cond3A_271 = arith.constant 0 : i32
      %cond3A_272 = arith.cmpi ne, %convert_element_type3A_270, %cond3A_271 : i32
      scf.if %cond3A_272 {
        %add3A_389 = arith.constant 6 : i32
        %add3A_390 = arith.addi %add3A_247, %add3A_389 : i32
        %dma_start3A_391 = arith.constant 0 : i32
        %dma_start3A_392 = tpu.memref_slice %arg8[%add3A_390, %dma_start3A_391] : memref<125x80xi32, #tpu.memory_space<vmem>> -> memref<1x80xi32, #tpu.memory_space<vmem>>
        %dma_start3A_393 = tpu.memref_squeeze %dma_start3A_392 : memref<1x80xi32, #tpu.memory_space<vmem>> -> memref<80xi32, #tpu.memory_space<vmem>>
        %dma_start3A_394 = arith.constant 0 : i32
        %dma_start3A_395 = arith.constant 0 : i32
        %dma_start3A_396 = tpu.memref_slice %arg2[%dma_start3A_394, %dma_start3A_395] : memref<10000x64xf32, #tpu.memory_space<hbm>> -> memref<10000x64xf32, #tpu.memory_space<hbm>>
        tpu.enqueue_indirect_dma source(%dma_start3A_396 : memref<10000x64xf32, #tpu.memory_space<hbm>>) target(%arg11 : memref<80x64xf32, #tpu.memory_space<vmem>>) offsets(%dma_start3A_393 : memref<80xi32, #tpu.memory_space<vmem>>) semaphore(%arg20 : memref<!tpu.dma_semaphore, #tpu.memory_space<semaphore_mem>>)
      } else {
      }
      %mul3A_273 = arith.constant 6 : i32
      %mul3A_274 = arith.muli %mul3A_273, %scan3A_218 : i32
      %add3A_275 = arith.constant 2 : i32
      %add3A_276 = arith.addi %mul3A_274, %add3A_275 : i32
      %dma_wait3A_277 = arith.constant 0 : i32
      %dma_wait3A_278 = arith.constant 0 : i32
      %dma_wait3A_279 = tpu.memref_slice %arg8[%dma_wait3A_277, %dma_wait3A_278] : memref<125x80xi32, #tpu.memory_space<vmem>> -> memref<1x80xi32, #tpu.memory_space<vmem>>
      %dma_wait3A_280 = tpu.memref_squeeze %dma_wait3A_279 : memref<1x80xi32, #tpu.memory_space<vmem>> -> memref<80xi32, #tpu.memory_space<vmem>>
      %dma_wait3A_281 = arith.constant 0 : i32
      %dma_wait3A_282 = arith.constant 0 : i32
      %dma_wait3A_283 = tpu.memref_slice %arg2[%dma_wait3A_281, %dma_wait3A_282] : memref<10000x64xf32, #tpu.memory_space<hbm>> -> memref<10000x64xf32, #tpu.memory_space<hbm>>
      tpu.wait_indirect_dma semaphore(%arg21 : memref<!tpu.dma_semaphore, #tpu.memory_space<semaphore_mem>>) src(%dma_wait3A_283 : memref<10000x64xf32, #tpu.memory_space<hbm>>) dst(%arg12 : memref<80x64xf32, #tpu.memory_space<vmem>>)
      "tpu.region"() ({
        %run_scoped3A_389 = tpu.sem_alloc : memref<!tpu.dma_semaphore, #tpu.memory_space<semaphore_mem>>
        %dma_start3A_390 = arith.constant 0 : i32
        %dma_start3A_391 = tpu.memref_slice %arg9[%add3A_276, %dma_start3A_390] : memref<125x80xi32, #tpu.memory_space<vmem>> -> memref<1x80xi32, #tpu.memory_space<vmem>>
        %dma_start3A_392 = tpu.memref_squeeze %dma_start3A_391 : memref<1x80xi32, #tpu.memory_space<vmem>> -> memref<80xi32, #tpu.memory_space<vmem>>
        %dma_start3A_393 = arith.constant 0 : i32
        %dma_start3A_394 = arith.constant 0 : i32
        %dma_start3A_395 = tpu.memref_slice %arg17[%dma_start3A_393, %dma_start3A_394] : memref<10112x64xf32, #tpu.memory_space<vmem_shared>> -> memref<10112x64xf32, #tpu.memory_space<vmem_shared>>
        tpu.enqueue_indirect_dma source(%arg12 : memref<80x64xf32, #tpu.memory_space<vmem>>) target(%dma_start3A_395 : memref<10112x64xf32, #tpu.memory_space<vmem_shared>>) offsets(%dma_start3A_392 : memref<80xi32, #tpu.memory_space<vmem>>) semaphore(%run_scoped3A_389 : memref<!tpu.dma_semaphore, #tpu.memory_space<semaphore_mem>>) {add = true}
        %dma_wait3A_396 = arith.constant 0 : i32
        %dma_wait3A_397 = tpu.memref_slice %arg9[%add3A_276, %dma_wait3A_396] : memref<125x80xi32, #tpu.memory_space<vmem>> -> memref<1x80xi32, #tpu.memory_space<vmem>>
        %dma_wait3A_398 = tpu.memref_squeeze %dma_wait3A_397 : memref<1x80xi32, #tpu.memory_space<vmem>> -> memref<80xi32, #tpu.memory_space<vmem>>
        %dma_wait3A_399 = arith.constant 0 : i32
        %dma_wait3A_400 = arith.constant 0 : i32
        %dma_wait3A_401 = tpu.memref_slice %arg17[%dma_wait3A_399, %dma_wait3A_400] : memref<10112x64xf32, #tpu.memory_space<vmem_shared>> -> memref<10112x64xf32, #tpu.memory_space<vmem_shared>>
        tpu.wait_indirect_dma semaphore(%run_scoped3A_389 : memref<!tpu.dma_semaphore, #tpu.memory_space<semaphore_mem>>) src(%arg12 : memref<80x64xf32, #tpu.memory_space<vmem>>) dst(%dma_wait3A_401 : memref<10112x64xf32, #tpu.memory_space<vmem_shared>>)
        tpu.yield
      }) : () -> ()
      %ge3A_284 = arith.constant 6 : i32
      %ge3A_285 = arith.cmpi sge, %add3A_276, %ge3A_284 : i32
      %convert_element_type3A_286 = arith.extui %ge3A_285 : i1 to i32
      %cond3A_287 = arith.constant 0 : i32
      %cond3A_288 = arith.cmpi ne, %convert_element_type3A_286, %cond3A_287 : i32
      scf.if %cond3A_288 {
        %dma_wait3A_389 = arith.constant 0 : i32
        %dma_wait3A_390 = arith.constant 0 : i32
        %dma_wait3A_391 = tpu.memref_slice %arg9[%dma_wait3A_389, %dma_wait3A_390] : memref<125x80xi32, #tpu.memory_space<vmem>> -> memref<1x80xi32, #tpu.memory_space<vmem>>
        %dma_wait3A_392 = tpu.memref_squeeze %dma_wait3A_391 : memref<1x80xi32, #tpu.memory_space<vmem>> -> memref<80xi32, #tpu.memory_space<vmem>>
        %dma_wait3A_393 = arith.constant 0 : i32
        %dma_wait3A_394 = arith.constant 0 : i32
        %dma_wait3A_395 = tpu.memref_slice %arg18[%dma_wait3A_393, %dma_wait3A_394] : memref<10112x16xf32, #tpu.memory_space<vmem_shared>> -> memref<10112x16xf32, #tpu.memory_space<vmem_shared>>
        tpu.wait_indirect_dma semaphore(%arg27 : memref<!tpu.dma_semaphore, #tpu.memory_space<semaphore_mem>>) src(%arg16 : memref<80x16xf32, #tpu.memory_space<vmem>>) dst(%dma_wait3A_395 : memref<10112x16xf32, #tpu.memory_space<vmem_shared>>)
      } else {
      }
      %dma_start3A_289 = arith.constant 0 : i32
      %dma_start3A_290 = tpu.memref_slice %arg9[%add3A_276, %dma_start3A_289] : memref<125x80xi32, #tpu.memory_space<vmem>> -> memref<1x80xi32, #tpu.memory_space<vmem>>
      %dma_start3A_291 = tpu.memref_squeeze %dma_start3A_290 : memref<1x80xi32, #tpu.memory_space<vmem>> -> memref<80xi32, #tpu.memory_space<vmem>>
      %dma_start3A_292 = arith.constant 0 : i32
      %dma_start3A_293 = arith.constant 0 : i32
      %dma_start3A_294 = tpu.memref_slice %arg18[%dma_start3A_292, %dma_start3A_293] : memref<10112x16xf32, #tpu.memory_space<vmem_shared>> -> memref<10112x16xf32, #tpu.memory_space<vmem_shared>>
      tpu.enqueue_indirect_dma source(%arg16 : memref<80x16xf32, #tpu.memory_space<vmem>>) target(%dma_start3A_294 : memref<10112x16xf32, #tpu.memory_space<vmem_shared>>) offsets(%dma_start3A_291 : memref<80xi32, #tpu.memory_space<vmem>>) semaphore(%arg27 : memref<!tpu.dma_semaphore, #tpu.memory_space<semaphore_mem>>) {add = true}
      %add3A_295 = arith.constant 6 : i32
      %add3A_296 = arith.addi %add3A_276, %add3A_295 : i32
      %lt3A_297 = arith.constant 125 : i32
      %lt3A_298 = arith.cmpi slt, %add3A_296, %lt3A_297 : i32
      %convert_element_type3A_299 = arith.extui %lt3A_298 : i1 to i32
      %cond3A_300 = arith.constant 0 : i32
      %cond3A_301 = arith.cmpi ne, %convert_element_type3A_299, %cond3A_300 : i32
      scf.if %cond3A_301 {
        %add3A_389 = arith.constant 6 : i32
        %add3A_390 = arith.addi %add3A_276, %add3A_389 : i32
        %dma_start3A_391 = arith.constant 0 : i32
        %dma_start3A_392 = tpu.memref_slice %arg8[%add3A_390, %dma_start3A_391] : memref<125x80xi32, #tpu.memory_space<vmem>> -> memref<1x80xi32, #tpu.memory_space<vmem>>
        %dma_start3A_393 = tpu.memref_squeeze %dma_start3A_392 : memref<1x80xi32, #tpu.memory_space<vmem>> -> memref<80xi32, #tpu.memory_space<vmem>>
        %dma_start3A_394 = arith.constant 0 : i32
        %dma_start3A_395 = arith.constant 0 : i32
        %dma_start3A_396 = tpu.memref_slice %arg2[%dma_start3A_394, %dma_start3A_395] : memref<10000x64xf32, #tpu.memory_space<hbm>> -> memref<10000x64xf32, #tpu.memory_space<hbm>>
        tpu.enqueue_indirect_dma source(%dma_start3A_396 : memref<10000x64xf32, #tpu.memory_space<hbm>>) target(%arg12 : memref<80x64xf32, #tpu.memory_space<vmem>>) offsets(%dma_start3A_393 : memref<80xi32, #tpu.memory_space<vmem>>) semaphore(%arg21 : memref<!tpu.dma_semaphore, #tpu.memory_space<semaphore_mem>>)
      } else {
      }
      %mul3A_302 = arith.constant 6 : i32
      %mul3A_303 = arith.muli %mul3A_302, %scan3A_218 : i32
      %add3A_304 = arith.constant 3 : i32
      %add3A_305 = arith.addi %mul3A_303, %add3A_304 : i32
      %dma_wait3A_306 = arith.constant 0 : i32
      %dma_wait3A_307 = arith.constant 0 : i32
      %dma_wait3A_308 = tpu.memref_slice %arg8[%dma_wait3A_306, %dma_wait3A_307] : memref<125x80xi32, #tpu.memory_space<vmem>> -> memref<1x80xi32, #tpu.memory_space<vmem>>
      %dma_wait3A_309 = tpu.memref_squeeze %dma_wait3A_308 : memref<1x80xi32, #tpu.memory_space<vmem>> -> memref<80xi32, #tpu.memory_space<vmem>>
      %dma_wait3A_310 = arith.constant 0 : i32
      %dma_wait3A_311 = arith.constant 0 : i32
      %dma_wait3A_312 = tpu.memref_slice %arg2[%dma_wait3A_310, %dma_wait3A_311] : memref<10000x64xf32, #tpu.memory_space<hbm>> -> memref<10000x64xf32, #tpu.memory_space<hbm>>
      tpu.wait_indirect_dma semaphore(%arg22 : memref<!tpu.dma_semaphore, #tpu.memory_space<semaphore_mem>>) src(%dma_wait3A_312 : memref<10000x64xf32, #tpu.memory_space<hbm>>) dst(%arg13 : memref<80x64xf32, #tpu.memory_space<vmem>>)
      "tpu.region"() ({
        %run_scoped3A_389 = tpu.sem_alloc : memref<!tpu.dma_semaphore, #tpu.memory_space<semaphore_mem>>
        %dma_start3A_390 = arith.constant 0 : i32
        %dma_start3A_391 = tpu.memref_slice %arg9[%add3A_305, %dma_start3A_390] : memref<125x80xi32, #tpu.memory_space<vmem>> -> memref<1x80xi32, #tpu.memory_space<vmem>>
        %dma_start3A_392 = tpu.memref_squeeze %dma_start3A_391 : memref<1x80xi32, #tpu.memory_space<vmem>> -> memref<80xi32, #tpu.memory_space<vmem>>
        %dma_start3A_393 = arith.constant 0 : i32
        %dma_start3A_394 = arith.constant 0 : i32
        %dma_start3A_395 = tpu.memref_slice %arg17[%dma_start3A_393, %dma_start3A_394] : memref<10112x64xf32, #tpu.memory_space<vmem_shared>> -> memref<10112x64xf32, #tpu.memory_space<vmem_shared>>
        tpu.enqueue_indirect_dma source(%arg13 : memref<80x64xf32, #tpu.memory_space<vmem>>) target(%dma_start3A_395 : memref<10112x64xf32, #tpu.memory_space<vmem_shared>>) offsets(%dma_start3A_392 : memref<80xi32, #tpu.memory_space<vmem>>) semaphore(%run_scoped3A_389 : memref<!tpu.dma_semaphore, #tpu.memory_space<semaphore_mem>>) {add = true}
        %dma_wait3A_396 = arith.constant 0 : i32
        %dma_wait3A_397 = tpu.memref_slice %arg9[%add3A_305, %dma_wait3A_396] : memref<125x80xi32, #tpu.memory_space<vmem>> -> memref<1x80xi32, #tpu.memory_space<vmem>>
        %dma_wait3A_398 = tpu.memref_squeeze %dma_wait3A_397 : memref<1x80xi32, #tpu.memory_space<vmem>> -> memref<80xi32, #tpu.memory_space<vmem>>
        %dma_wait3A_399 = arith.constant 0 : i32
        %dma_wait3A_400 = arith.constant 0 : i32
        %dma_wait3A_401 = tpu.memref_slice %arg17[%dma_wait3A_399, %dma_wait3A_400] : memref<10112x64xf32, #tpu.memory_space<vmem_shared>> -> memref<10112x64xf32, #tpu.memory_space<vmem_shared>>
        tpu.wait_indirect_dma semaphore(%run_scoped3A_389 : memref<!tpu.dma_semaphore, #tpu.memory_space<semaphore_mem>>) src(%arg13 : memref<80x64xf32, #tpu.memory_space<vmem>>) dst(%dma_wait3A_401 : memref<10112x64xf32, #tpu.memory_space<vmem_shared>>)
        tpu.yield
      }) : () -> ()
      %ge3A_313 = arith.constant 6 : i32
      %ge3A_314 = arith.cmpi sge, %add3A_305, %ge3A_313 : i32
      %convert_element_type3A_315 = arith.extui %ge3A_314 : i1 to i32
      %cond3A_316 = arith.constant 0 : i32
      %cond3A_317 = arith.cmpi ne, %convert_element_type3A_315, %cond3A_316 : i32
      scf.if %cond3A_317 {
        %dma_wait3A_389 = arith.constant 0 : i32
        %dma_wait3A_390 = arith.constant 0 : i32
        %dma_wait3A_391 = tpu.memref_slice %arg9[%dma_wait3A_389, %dma_wait3A_390] : memref<125x80xi32, #tpu.memory_space<vmem>> -> memref<1x80xi32, #tpu.memory_space<vmem>>
        %dma_wait3A_392 = tpu.memref_squeeze %dma_wait3A_391 : memref<1x80xi32, #tpu.memory_space<vmem>> -> memref<80xi32, #tpu.memory_space<vmem>>
        %dma_wait3A_393 = arith.constant 0 : i32
        %dma_wait3A_394 = arith.constant 0 : i32
        %dma_wait3A_395 = tpu.memref_slice %arg18[%dma_wait3A_393, %dma_wait3A_394] : memref<10112x16xf32, #tpu.memory_space<vmem_shared>> -> memref<10112x16xf32, #tpu.memory_space<vmem_shared>>
        tpu.wait_indirect_dma semaphore(%arg28 : memref<!tpu.dma_semaphore, #tpu.memory_space<semaphore_mem>>) src(%arg16 : memref<80x16xf32, #tpu.memory_space<vmem>>) dst(%dma_wait3A_395 : memref<10112x16xf32, #tpu.memory_space<vmem_shared>>)
      } else {
      }
      %dma_start3A_318 = arith.constant 0 : i32
      %dma_start3A_319 = tpu.memref_slice %arg9[%add3A_305, %dma_start3A_318] : memref<125x80xi32, #tpu.memory_space<vmem>> -> memref<1x80xi32, #tpu.memory_space<vmem>>
      %dma_start3A_320 = tpu.memref_squeeze %dma_start3A_319 : memref<1x80xi32, #tpu.memory_space<vmem>> -> memref<80xi32, #tpu.memory_space<vmem>>
      %dma_start3A_321 = arith.constant 0 : i32
      %dma_start3A_322 = arith.constant 0 : i32
      %dma_start3A_323 = tpu.memref_slice %arg18[%dma_start3A_321, %dma_start3A_322] : memref<10112x16xf32, #tpu.memory_space<vmem_shared>> -> memref<10112x16xf32, #tpu.memory_space<vmem_shared>>
      tpu.enqueue_indirect_dma source(%arg16 : memref<80x16xf32, #tpu.memory_space<vmem>>) target(%dma_start3A_323 : memref<10112x16xf32, #tpu.memory_space<vmem_shared>>) offsets(%dma_start3A_320 : memref<80xi32, #tpu.memory_space<vmem>>) semaphore(%arg28 : memref<!tpu.dma_semaphore, #tpu.memory_space<semaphore_mem>>) {add = true}
      %add3A_324 = arith.constant 6 : i32
      %add3A_325 = arith.addi %add3A_305, %add3A_324 : i32
      %lt3A_326 = arith.constant 125 : i32
      %lt3A_327 = arith.cmpi slt, %add3A_325, %lt3A_326 : i32
      %convert_element_type3A_328 = arith.extui %lt3A_327 : i1 to i32
      %cond3A_329 = arith.constant 0 : i32
      %cond3A_330 = arith.cmpi ne, %convert_element_type3A_328, %cond3A_329 : i32
      scf.if %cond3A_330 {
        %add3A_389 = arith.constant 6 : i32
        %add3A_390 = arith.addi %add3A_305, %add3A_389 : i32
        %dma_start3A_391 = arith.constant 0 : i32
        %dma_start3A_392 = tpu.memref_slice %arg8[%add3A_390, %dma_start3A_391] : memref<125x80xi32, #tpu.memory_space<vmem>> -> memref<1x80xi32, #tpu.memory_space<vmem>>
        %dma_start3A_393 = tpu.memref_squeeze %dma_start3A_392 : memref<1x80xi32, #tpu.memory_space<vmem>> -> memref<80xi32, #tpu.memory_space<vmem>>
        %dma_start3A_394 = arith.constant 0 : i32
        %dma_start3A_395 = arith.constant 0 : i32
        %dma_start3A_396 = tpu.memref_slice %arg2[%dma_start3A_394, %dma_start3A_395] : memref<10000x64xf32, #tpu.memory_space<hbm>> -> memref<10000x64xf32, #tpu.memory_space<hbm>>
        tpu.enqueue_indirect_dma source(%dma_start3A_396 : memref<10000x64xf32, #tpu.memory_space<hbm>>) target(%arg13 : memref<80x64xf32, #tpu.memory_space<vmem>>) offsets(%dma_start3A_393 : memref<80xi32, #tpu.memory_space<vmem>>) semaphore(%arg22 : memref<!tpu.dma_semaphore, #tpu.memory_space<semaphore_mem>>)
      } else {
      }
      %mul3A_331 = arith.constant 6 : i32
      %mul3A_332 = arith.muli %mul3A_331, %scan3A_218 : i32
      %add3A_333 = arith.constant 4 : i32
      %add3A_334 = arith.addi %mul3A_332, %add3A_333 : i32
      %dma_wait3A_335 = arith.constant 0 : i32
      %dma_wait3A_336 = arith.constant 0 : i32
      %dma_wait3A_337 = tpu.memref_slice %arg8[%dma_wait3A_335, %dma_wait3A_336] : memref<125x80xi32, #tpu.memory_space<vmem>> -> memref<1x80xi32, #tpu.memory_space<vmem>>
      %dma_wait3A_338 = tpu.memref_squeeze %dma_wait3A_337 : memref<1x80xi32, #tpu.memory_space<vmem>> -> memref<80xi32, #tpu.memory_space<vmem>>
      %dma_wait3A_339 = arith.constant 0 : i32
      %dma_wait3A_340 = arith.constant 0 : i32
      %dma_wait3A_341 = tpu.memref_slice %arg2[%dma_wait3A_339, %dma_wait3A_340] : memref<10000x64xf32, #tpu.memory_space<hbm>> -> memref<10000x64xf32, #tpu.memory_space<hbm>>
      tpu.wait_indirect_dma semaphore(%arg23 : memref<!tpu.dma_semaphore, #tpu.memory_space<semaphore_mem>>) src(%dma_wait3A_341 : memref<10000x64xf32, #tpu.memory_space<hbm>>) dst(%arg14 : memref<80x64xf32, #tpu.memory_space<vmem>>)
      "tpu.region"() ({
        %run_scoped3A_389 = tpu.sem_alloc : memref<!tpu.dma_semaphore, #tpu.memory_space<semaphore_mem>>
        %dma_start3A_390 = arith.constant 0 : i32
        %dma_start3A_391 = tpu.memref_slice %arg9[%add3A_334, %dma_start3A_390] : memref<125x80xi32, #tpu.memory_space<vmem>> -> memref<1x80xi32, #tpu.memory_space<vmem>>
        %dma_start3A_392 = tpu.memref_squeeze %dma_start3A_391 : memref<1x80xi32, #tpu.memory_space<vmem>> -> memref<80xi32, #tpu.memory_space<vmem>>
        %dma_start3A_393 = arith.constant 0 : i32
        %dma_start3A_394 = arith.constant 0 : i32
        %dma_start3A_395 = tpu.memref_slice %arg17[%dma_start3A_393, %dma_start3A_394] : memref<10112x64xf32, #tpu.memory_space<vmem_shared>> -> memref<10112x64xf32, #tpu.memory_space<vmem_shared>>
        tpu.enqueue_indirect_dma source(%arg14 : memref<80x64xf32, #tpu.memory_space<vmem>>) target(%dma_start3A_395 : memref<10112x64xf32, #tpu.memory_space<vmem_shared>>) offsets(%dma_start3A_392 : memref<80xi32, #tpu.memory_space<vmem>>) semaphore(%run_scoped3A_389 : memref<!tpu.dma_semaphore, #tpu.memory_space<semaphore_mem>>) {add = true}
        %dma_wait3A_396 = arith.constant 0 : i32
        %dma_wait3A_397 = tpu.memref_slice %arg9[%add3A_334, %dma_wait3A_396] : memref<125x80xi32, #tpu.memory_space<vmem>> -> memref<1x80xi32, #tpu.memory_space<vmem>>
        %dma_wait3A_398 = tpu.memref_squeeze %dma_wait3A_397 : memref<1x80xi32, #tpu.memory_space<vmem>> -> memref<80xi32, #tpu.memory_space<vmem>>
        %dma_wait3A_399 = arith.constant 0 : i32
        %dma_wait3A_400 = arith.constant 0 : i32
        %dma_wait3A_401 = tpu.memref_slice %arg17[%dma_wait3A_399, %dma_wait3A_400] : memref<10112x64xf32, #tpu.memory_space<vmem_shared>> -> memref<10112x64xf32, #tpu.memory_space<vmem_shared>>
        tpu.wait_indirect_dma semaphore(%run_scoped3A_389 : memref<!tpu.dma_semaphore, #tpu.memory_space<semaphore_mem>>) src(%arg14 : memref<80x64xf32, #tpu.memory_space<vmem>>) dst(%dma_wait3A_401 : memref<10112x64xf32, #tpu.memory_space<vmem_shared>>)
        tpu.yield
      }) : () -> ()
      %ge3A_342 = arith.constant 6 : i32
      %ge3A_343 = arith.cmpi sge, %add3A_334, %ge3A_342 : i32
      %convert_element_type3A_344 = arith.extui %ge3A_343 : i1 to i32
      %cond3A_345 = arith.constant 0 : i32
      %cond3A_346 = arith.cmpi ne, %convert_element_type3A_344, %cond3A_345 : i32
      scf.if %cond3A_346 {
        %dma_wait3A_389 = arith.constant 0 : i32
        %dma_wait3A_390 = arith.constant 0 : i32
        %dma_wait3A_391 = tpu.memref_slice %arg9[%dma_wait3A_389, %dma_wait3A_390] : memref<125x80xi32, #tpu.memory_space<vmem>> -> memref<1x80xi32, #tpu.memory_space<vmem>>
        %dma_wait3A_392 = tpu.memref_squeeze %dma_wait3A_391 : memref<1x80xi32, #tpu.memory_space<vmem>> -> memref<80xi32, #tpu.memory_space<vmem>>
        %dma_wait3A_393 = arith.constant 0 : i32
        %dma_wait3A_394 = arith.constant 0 : i32
        %dma_wait3A_395 = tpu.memref_slice %arg18[%dma_wait3A_393, %dma_wait3A_394] : memref<10112x16xf32, #tpu.memory_space<vmem_shared>> -> memref<10112x16xf32, #tpu.memory_space<vmem_shared>>
        tpu.wait_indirect_dma semaphore(%arg29 : memref<!tpu.dma_semaphore, #tpu.memory_space<semaphore_mem>>) src(%arg16 : memref<80x16xf32, #tpu.memory_space<vmem>>) dst(%dma_wait3A_395 : memref<10112x16xf32, #tpu.memory_space<vmem_shared>>)
      } else {
      }
      %dma_start3A_347 = arith.constant 0 : i32
      %dma_start3A_348 = tpu.memref_slice %arg9[%add3A_334, %dma_start3A_347] : memref<125x80xi32, #tpu.memory_space<vmem>> -> memref<1x80xi32, #tpu.memory_space<vmem>>
      %dma_start3A_349 = tpu.memref_squeeze %dma_start3A_348 : memref<1x80xi32, #tpu.memory_space<vmem>> -> memref<80xi32, #tpu.memory_space<vmem>>
      %dma_start3A_350 = arith.constant 0 : i32
      %dma_start3A_351 = arith.constant 0 : i32
      %dma_start3A_352 = tpu.memref_slice %arg18[%dma_start3A_350, %dma_start3A_351] : memref<10112x16xf32, #tpu.memory_space<vmem_shared>> -> memref<10112x16xf32, #tpu.memory_space<vmem_shared>>
      tpu.enqueue_indirect_dma source(%arg16 : memref<80x16xf32, #tpu.memory_space<vmem>>) target(%dma_start3A_352 : memref<10112x16xf32, #tpu.memory_space<vmem_shared>>) offsets(%dma_start3A_349 : memref<80xi32, #tpu.memory_space<vmem>>) semaphore(%arg29 : memref<!tpu.dma_semaphore, #tpu.memory_space<semaphore_mem>>) {add = true}
      %add3A_353 = arith.constant 6 : i32
      %add3A_354 = arith.addi %add3A_334, %add3A_353 : i32
      %lt3A_355 = arith.constant 125 : i32
      %lt3A_356 = arith.cmpi slt, %add3A_354, %lt3A_355 : i32
      %convert_element_type3A_357 = arith.extui %lt3A_356 : i1 to i32
      %cond3A_358 = arith.constant 0 : i32
      %cond3A_359 = arith.cmpi ne, %convert_element_type3A_357, %cond3A_358 : i32
      scf.if %cond3A_359 {
        %add3A_389 = arith.constant 6 : i32
        %add3A_390 = arith.addi %add3A_334, %add3A_389 : i32
        %dma_start3A_391 = arith.constant 0 : i32
        %dma_start3A_392 = tpu.memref_slice %arg8[%add3A_390, %dma_start3A_391] : memref<125x80xi32, #tpu.memory_space<vmem>> -> memref<1x80xi32, #tpu.memory_space<vmem>>
        %dma_start3A_393 = tpu.memref_squeeze %dma_start3A_392 : memref<1x80xi32, #tpu.memory_space<vmem>> -> memref<80xi32, #tpu.memory_space<vmem>>
        %dma_start3A_394 = arith.constant 0 : i32
        %dma_start3A_395 = arith.constant 0 : i32
        %dma_start3A_396 = tpu.memref_slice %arg2[%dma_start3A_394, %dma_start3A_395] : memref<10000x64xf32, #tpu.memory_space<hbm>> -> memref<10000x64xf32, #tpu.memory_space<hbm>>
        tpu.enqueue_indirect_dma source(%dma_start3A_396 : memref<10000x64xf32, #tpu.memory_space<hbm>>) target(%arg14 : memref<80x64xf32, #tpu.memory_space<vmem>>) offsets(%dma_start3A_393 : memref<80xi32, #tpu.memory_space<vmem>>) semaphore(%arg23 : memref<!tpu.dma_semaphore, #tpu.memory_space<semaphore_mem>>)
      } else {
      }
      %mul3A_360 = arith.constant 6 : i32
      %mul3A_361 = arith.muli %mul3A_360, %scan3A_218 : i32
      %add3A_362 = arith.constant 5 : i32
      %add3A_363 = arith.addi %mul3A_361, %add3A_362 : i32
      %dma_wait3A_364 = arith.constant 0 : i32
      %dma_wait3A_365 = arith.constant 0 : i32
      %dma_wait3A_366 = tpu.memref_slice %arg8[%dma_wait3A_364, %dma_wait3A_365] : memref<125x80xi32, #tpu.memory_space<vmem>> -> memref<1x80xi32, #tpu.memory_space<vmem>>
      %dma_wait3A_367 = tpu.memref_squeeze %dma_wait3A_366 : memref<1x80xi32, #tpu.memory_space<vmem>> -> memref<80xi32, #tpu.memory_space<vmem>>
      %dma_wait3A_368 = arith.constant 0 : i32
      %dma_wait3A_369 = arith.constant 0 : i32
      %dma_wait3A_370 = tpu.memref_slice %arg2[%dma_wait3A_368, %dma_wait3A_369] : memref<10000x64xf32, #tpu.memory_space<hbm>> -> memref<10000x64xf32, #tpu.memory_space<hbm>>
      tpu.wait_indirect_dma semaphore(%arg24 : memref<!tpu.dma_semaphore, #tpu.memory_space<semaphore_mem>>) src(%dma_wait3A_370 : memref<10000x64xf32, #tpu.memory_space<hbm>>) dst(%arg15 : memref<80x64xf32, #tpu.memory_space<vmem>>)
      "tpu.region"() ({
        %run_scoped3A_389 = tpu.sem_alloc : memref<!tpu.dma_semaphore, #tpu.memory_space<semaphore_mem>>
        %dma_start3A_390 = arith.constant 0 : i32
        %dma_start3A_391 = tpu.memref_slice %arg9[%add3A_363, %dma_start3A_390] : memref<125x80xi32, #tpu.memory_space<vmem>> -> memref<1x80xi32, #tpu.memory_space<vmem>>
        %dma_start3A_392 = tpu.memref_squeeze %dma_start3A_391 : memref<1x80xi32, #tpu.memory_space<vmem>> -> memref<80xi32, #tpu.memory_space<vmem>>
        %dma_start3A_393 = arith.constant 0 : i32
        %dma_start3A_394 = arith.constant 0 : i32
        %dma_start3A_395 = tpu.memref_slice %arg17[%dma_start3A_393, %dma_start3A_394] : memref<10112x64xf32, #tpu.memory_space<vmem_shared>> -> memref<10112x64xf32, #tpu.memory_space<vmem_shared>>
        tpu.enqueue_indirect_dma source(%arg15 : memref<80x64xf32, #tpu.memory_space<vmem>>) target(%dma_start3A_395 : memref<10112x64xf32, #tpu.memory_space<vmem_shared>>) offsets(%dma_start3A_392 : memref<80xi32, #tpu.memory_space<vmem>>) semaphore(%run_scoped3A_389 : memref<!tpu.dma_semaphore, #tpu.memory_space<semaphore_mem>>) {add = true}
        %dma_wait3A_396 = arith.constant 0 : i32
        %dma_wait3A_397 = tpu.memref_slice %arg9[%add3A_363, %dma_wait3A_396] : memref<125x80xi32, #tpu.memory_space<vmem>> -> memref<1x80xi32, #tpu.memory_space<vmem>>
        %dma_wait3A_398 = tpu.memref_squeeze %dma_wait3A_397 : memref<1x80xi32, #tpu.memory_space<vmem>> -> memref<80xi32, #tpu.memory_space<vmem>>
        %dma_wait3A_399 = arith.constant 0 : i32
        %dma_wait3A_400 = arith.constant 0 : i32
        %dma_wait3A_401 = tpu.memref_slice %arg17[%dma_wait3A_399, %dma_wait3A_400] : memref<10112x64xf32, #tpu.memory_space<vmem_shared>> -> memref<10112x64xf32, #tpu.memory_space<vmem_shared>>
        tpu.wait_indirect_dma semaphore(%run_scoped3A_389 : memref<!tpu.dma_semaphore, #tpu.memory_space<semaphore_mem>>) src(%arg15 : memref<80x64xf32, #tpu.memory_space<vmem>>) dst(%dma_wait3A_401 : memref<10112x64xf32, #tpu.memory_space<vmem_shared>>)
        tpu.yield
      }) : () -> ()
      %ge3A_371 = arith.constant 6 : i32
      %ge3A_372 = arith.cmpi sge, %add3A_363, %ge3A_371 : i32
      %convert_element_type3A_373 = arith.extui %ge3A_372 : i1 to i32
      %cond3A_374 = arith.constant 0 : i32
      %cond3A_375 = arith.cmpi ne, %convert_element_type3A_373, %cond3A_374 : i32
      scf.if %cond3A_375 {
        %dma_wait3A_389 = arith.constant 0 : i32
        %dma_wait3A_390 = arith.constant 0 : i32
        %dma_wait3A_391 = tpu.memref_slice %arg9[%dma_wait3A_389, %dma_wait3A_390] : memref<125x80xi32, #tpu.memory_space<vmem>> -> memref<1x80xi32, #tpu.memory_space<vmem>>
        %dma_wait3A_392 = tpu.memref_squeeze %dma_wait3A_391 : memref<1x80xi32, #tpu.memory_space<vmem>> -> memref<80xi32, #tpu.memory_space<vmem>>
        %dma_wait3A_393 = arith.constant 0 : i32
        %dma_wait3A_394 = arith.constant 0 : i32
        %dma_wait3A_395 = tpu.memref_slice %arg18[%dma_wait3A_393, %dma_wait3A_394] : memref<10112x16xf32, #tpu.memory_space<vmem_shared>> -> memref<10112x16xf32, #tpu.memory_space<vmem_shared>>
        tpu.wait_indirect_dma semaphore(%arg30 : memref<!tpu.dma_semaphore, #tpu.memory_space<semaphore_mem>>) src(%arg16 : memref<80x16xf32, #tpu.memory_space<vmem>>) dst(%dma_wait3A_395 : memref<10112x16xf32, #tpu.memory_space<vmem_shared>>)
      } else {
      }
      %dma_start3A_376 = arith.constant 0 : i32
      %dma_start3A_377 = tpu.memref_slice %arg9[%add3A_363, %dma_start3A_376] : memref<125x80xi32, #tpu.memory_space<vmem>> -> memref<1x80xi32, #tpu.memory_space<vmem>>
      %dma_start3A_378 = tpu.memref_squeeze %dma_start3A_377 : memref<1x80xi32, #tpu.memory_space<vmem>> -> memref<80xi32, #tpu.memory_space<vmem>>
      %dma_start3A_379 = arith.constant 0 : i32
      %dma_start3A_380 = arith.constant 0 : i32
      %dma_start3A_381 = tpu.memref_slice %arg18[%dma_start3A_379, %dma_start3A_380] : memref<10112x16xf32, #tpu.memory_space<vmem_shared>> -> memref<10112x16xf32, #tpu.memory_space<vmem_shared>>
      tpu.enqueue_indirect_dma source(%arg16 : memref<80x16xf32, #tpu.memory_space<vmem>>) target(%dma_start3A_381 : memref<10112x16xf32, #tpu.memory_space<vmem_shared>>) offsets(%dma_start3A_378 : memref<80xi32, #tpu.memory_space<vmem>>) semaphore(%arg30 : memref<!tpu.dma_semaphore, #tpu.memory_space<semaphore_mem>>) {add = true}
      %add3A_382 = arith.constant 6 : i32
      %add3A_383 = arith.addi %add3A_363, %add3A_382 : i32
      %lt3A_384 = arith.constant 125 : i32
      %lt3A_385 = arith.cmpi slt, %add3A_383, %lt3A_384 : i32
      %convert_element_type3A_386 = arith.extui %lt3A_385 : i1 to i32
      %cond3A_387 = arith.constant 0 : i32
      %cond3A_388 = arith.cmpi ne, %convert_element_type3A_386, %cond3A_387 : i32
      scf.if %cond3A_388 {
        %add3A_389 = arith.constant 6 : i32
        %add3A_390 = arith.addi %add3A_363, %add3A_389 : i32
        %dma_start3A_391 = arith.constant 0 : i32
        %dma_start3A_392 = tpu.memref_slice %arg8[%add3A_390, %dma_start3A_391] : memref<125x80xi32, #tpu.memory_space<vmem>> -> memref<1x80xi32, #tpu.memory_space<vmem>>
        %dma_start3A_393 = tpu.memref_squeeze %dma_start3A_392 : memref<1x80xi32, #tpu.memory_space<vmem>> -> memref<80xi32, #tpu.memory_space<vmem>>
        %dma_start3A_394 = arith.constant 0 : i32
        %dma_start3A_395 = arith.constant 0 : i32
        %dma_start3A_396 = tpu.memref_slice %arg2[%dma_start3A_394, %dma_start3A_395] : memref<10000x64xf32, #tpu.memory_space<hbm>> -> memref<10000x64xf32, #tpu.memory_space<hbm>>
        tpu.enqueue_indirect_dma source(%dma_start3A_396 : memref<10000x64xf32, #tpu.memory_space<hbm>>) target(%arg15 : memref<80x64xf32, #tpu.memory_space<vmem>>) offsets(%dma_start3A_393 : memref<80xi32, #tpu.memory_space<vmem>>) semaphore(%arg24 : memref<!tpu.dma_semaphore, #tpu.memory_space<semaphore_mem>>)
      } else {
      }
    }
    %scan3A_57 = arith.constant 20 : i32
    %dma_wait3A = arith.constant 0 : i32
    %dma_wait3A_58 = arith.constant 0 : i32
    %dma_wait3A_59 = tpu.memref_slice %arg8[%dma_wait3A, %dma_wait3A_58] : memref<125x80xi32, #tpu.memory_space<vmem>> -> memref<1x80xi32, #tpu.memory_space<vmem>>
    %dma_wait3A_60 = tpu.memref_squeeze %dma_wait3A_59 : memref<1x80xi32, #tpu.memory_space<vmem>> -> memref<80xi32, #tpu.memory_space<vmem>>
    %dma_wait3A_61 = arith.constant 0 : i32
    %dma_wait3A_62 = arith.constant 0 : i32
    %dma_wait3A_63 = tpu.memref_slice %arg2[%dma_wait3A_61, %dma_wait3A_62] : memref<10000x64xf32, #tpu.memory_space<hbm>> -> memref<10000x64xf32, #tpu.memory_space<hbm>>
    tpu.wait_indirect_dma semaphore(%arg19 : memref<!tpu.dma_semaphore, #tpu.memory_space<semaphore_mem>>) src(%dma_wait3A_63 : memref<10000x64xf32, #tpu.memory_space<hbm>>) dst(%arg10 : memref<80x64xf32, #tpu.memory_space<vmem>>)
    %run_scoped3A_64 = arith.constant 120 : i32
    "tpu.region"() ({
      %run_scoped3A_218 = tpu.sem_alloc : memref<!tpu.dma_semaphore, #tpu.memory_space<semaphore_mem>>
      %dma_start3A_219 = arith.constant 0 : i32
      %dma_start3A_220 = tpu.memref_slice %arg9[%run_scoped3A_64, %dma_start3A_219] : memref<125x80xi32, #tpu.memory_space<vmem>> -> memref<1x80xi32, #tpu.memory_space<vmem>>
      %dma_start3A_221 = tpu.memref_squeeze %dma_start3A_220 : memref<1x80xi32, #tpu.memory_space<vmem>> -> memref<80xi32, #tpu.memory_space<vmem>>
      %dma_start3A_222 = arith.constant 0 : i32
      %dma_start3A_223 = arith.constant 0 : i32
      %dma_start3A_224 = tpu.memref_slice %arg17[%dma_start3A_222, %dma_start3A_223] : memref<10112x64xf32, #tpu.memory_space<vmem_shared>> -> memref<10112x64xf32, #tpu.memory_space<vmem_shared>>
      tpu.enqueue_indirect_dma source(%arg10 : memref<80x64xf32, #tpu.memory_space<vmem>>) target(%dma_start3A_224 : memref<10112x64xf32, #tpu.memory_space<vmem_shared>>) offsets(%dma_start3A_221 : memref<80xi32, #tpu.memory_space<vmem>>) semaphore(%run_scoped3A_218 : memref<!tpu.dma_semaphore, #tpu.memory_space<semaphore_mem>>) {add = true}
      %dma_wait3A_225 = arith.constant 0 : i32
      %dma_wait3A_226 = tpu.memref_slice %arg9[%run_scoped3A_64, %dma_wait3A_225] : memref<125x80xi32, #tpu.memory_space<vmem>> -> memref<1x80xi32, #tpu.memory_space<vmem>>
      %dma_wait3A_227 = tpu.memref_squeeze %dma_wait3A_226 : memref<1x80xi32, #tpu.memory_space<vmem>> -> memref<80xi32, #tpu.memory_space<vmem>>
      %dma_wait3A_228 = arith.constant 0 : i32
      %dma_wait3A_229 = arith.constant 0 : i32
      %dma_wait3A_230 = tpu.memref_slice %arg17[%dma_wait3A_228, %dma_wait3A_229] : memref<10112x64xf32, #tpu.memory_space<vmem_shared>> -> memref<10112x64xf32, #tpu.memory_space<vmem_shared>>
      tpu.wait_indirect_dma semaphore(%run_scoped3A_218 : memref<!tpu.dma_semaphore, #tpu.memory_space<semaphore_mem>>) src(%arg10 : memref<80x64xf32, #tpu.memory_space<vmem>>) dst(%dma_wait3A_230 : memref<10112x64xf32, #tpu.memory_space<vmem_shared>>)
      tpu.yield
    }) : () -> ()
    %dma_wait3A_65 = arith.constant 0 : i32
    %dma_wait3A_66 = arith.constant 0 : i32
    %dma_wait3A_67 = tpu.memref_slice %arg9[%dma_wait3A_65, %dma_wait3A_66] : memref<125x80xi32, #tpu.memory_space<vmem>> -> memref<1x80xi32, #tpu.memory_space<vmem>>
    %dma_wait3A_68 = tpu.memref_squeeze %dma_wait3A_67 : memref<1x80xi32, #tpu.memory_space<vmem>> -> memref<80xi32, #tpu.memory_space<vmem>>
    %dma_wait3A_69 = arith.constant 0 : i32
    %dma_wait3A_70 = arith.constant 0 : i32
    %dma_wait3A_71 = tpu.memref_slice %arg18[%dma_wait3A_69, %dma_wait3A_70] : memref<10112x16xf32, #tpu.memory_space<vmem_shared>> -> memref<10112x16xf32, #tpu.memory_space<vmem_shared>>
    tpu.wait_indirect_dma semaphore(%arg25 : memref<!tpu.dma_semaphore, #tpu.memory_space<semaphore_mem>>) src(%arg16 : memref<80x16xf32, #tpu.memory_space<vmem>>) dst(%dma_wait3A_71 : memref<10112x16xf32, #tpu.memory_space<vmem_shared>>)
    %dma_start3A_72 = arith.constant 120 : i32
    %dma_start3A_73 = arith.constant 0 : i32
    %dma_start3A_74 = tpu.memref_slice %arg9[%dma_start3A_72, %dma_start3A_73] : memref<125x80xi32, #tpu.memory_space<vmem>> -> memref<1x80xi32, #tpu.memory_space<vmem>>
    %dma_start3A_75 = tpu.memref_squeeze %dma_start3A_74 : memref<1x80xi32, #tpu.memory_space<vmem>> -> memref<80xi32, #tpu.memory_space<vmem>>
    %dma_start3A_76 = arith.constant 0 : i32
    %dma_start3A_77 = arith.constant 0 : i32
    %dma_start3A_78 = tpu.memref_slice %arg18[%dma_start3A_76, %dma_start3A_77] : memref<10112x16xf32, #tpu.memory_space<vmem_shared>> -> memref<10112x16xf32, #tpu.memory_space<vmem_shared>>
    tpu.enqueue_indirect_dma source(%arg16 : memref<80x16xf32, #tpu.memory_space<vmem>>) target(%dma_start3A_78 : memref<10112x16xf32, #tpu.memory_space<vmem_shared>>) offsets(%dma_start3A_75 : memref<80xi32, #tpu.memory_space<vmem>>) semaphore(%arg25 : memref<!tpu.dma_semaphore, #tpu.memory_space<semaphore_mem>>) {add = true}
    %dma_wait3A_79 = arith.constant 0 : i32
    %dma_wait3A_80 = arith.constant 0 : i32
    %dma_wait3A_81 = tpu.memref_slice %arg8[%dma_wait3A_79, %dma_wait3A_80] : memref<125x80xi32, #tpu.memory_space<vmem>> -> memref<1x80xi32, #tpu.memory_space<vmem>>
    %dma_wait3A_82 = tpu.memref_squeeze %dma_wait3A_81 : memref<1x80xi32, #tpu.memory_space<vmem>> -> memref<80xi32, #tpu.memory_space<vmem>>
    %dma_wait3A_83 = arith.constant 0 : i32
    %dma_wait3A_84 = arith.constant 0 : i32
    %dma_wait3A_85 = tpu.memref_slice %arg2[%dma_wait3A_83, %dma_wait3A_84] : memref<10000x64xf32, #tpu.memory_space<hbm>> -> memref<10000x64xf32, #tpu.memory_space<hbm>>
    tpu.wait_indirect_dma semaphore(%arg20 : memref<!tpu.dma_semaphore, #tpu.memory_space<semaphore_mem>>) src(%dma_wait3A_85 : memref<10000x64xf32, #tpu.memory_space<hbm>>) dst(%arg11 : memref<80x64xf32, #tpu.memory_space<vmem>>)
    %run_scoped3A_86 = arith.constant 121 : i32
    "tpu.region"() ({
      %run_scoped3A_218 = tpu.sem_alloc : memref<!tpu.dma_semaphore, #tpu.memory_space<semaphore_mem>>
      %dma_start3A_219 = arith.constant 0 : i32
      %dma_start3A_220 = tpu.memref_slice %arg9[%run_scoped3A_86, %dma_start3A_219] : memref<125x80xi32, #tpu.memory_space<vmem>> -> memref<1x80xi32, #tpu.memory_space<vmem>>
      %dma_start3A_221 = tpu.memref_squeeze %dma_start3A_220 : memref<1x80xi32, #tpu.memory_space<vmem>> -> memref<80xi32, #tpu.memory_space<vmem>>
      %dma_start3A_222 = arith.constant 0 : i32
      %dma_start3A_223 = arith.constant 0 : i32
      %dma_start3A_224 = tpu.memref_slice %arg17[%dma_start3A_222, %dma_start3A_223] : memref<10112x64xf32, #tpu.memory_space<vmem_shared>> -> memref<10112x64xf32, #tpu.memory_space<vmem_shared>>
      tpu.enqueue_indirect_dma source(%arg11 : memref<80x64xf32, #tpu.memory_space<vmem>>) target(%dma_start3A_224 : memref<10112x64xf32, #tpu.memory_space<vmem_shared>>) offsets(%dma_start3A_221 : memref<80xi32, #tpu.memory_space<vmem>>) semaphore(%run_scoped3A_218 : memref<!tpu.dma_semaphore, #tpu.memory_space<semaphore_mem>>) {add = true}
      %dma_wait3A_225 = arith.constant 0 : i32
      %dma_wait3A_226 = tpu.memref_slice %arg9[%run_scoped3A_86, %dma_wait3A_225] : memref<125x80xi32, #tpu.memory_space<vmem>> -> memref<1x80xi32, #tpu.memory_space<vmem>>
      %dma_wait3A_227 = tpu.memref_squeeze %dma_wait3A_226 : memref<1x80xi32, #tpu.memory_space<vmem>> -> memref<80xi32, #tpu.memory_space<vmem>>
      %dma_wait3A_228 = arith.constant 0 : i32
      %dma_wait3A_229 = arith.constant 0 : i32
      %dma_wait3A_230 = tpu.memref_slice %arg17[%dma_wait3A_228, %dma_wait3A_229] : memref<10112x64xf32, #tpu.memory_space<vmem_shared>> -> memref<10112x64xf32, #tpu.memory_space<vmem_shared>>
      tpu.wait_indirect_dma semaphore(%run_scoped3A_218 : memref<!tpu.dma_semaphore, #tpu.memory_space<semaphore_mem>>) src(%arg11 : memref<80x64xf32, #tpu.memory_space<vmem>>) dst(%dma_wait3A_230 : memref<10112x64xf32, #tpu.memory_space<vmem_shared>>)
      tpu.yield
    }) : () -> ()
    %dma_wait3A_87 = arith.constant 0 : i32
    %dma_wait3A_88 = arith.constant 0 : i32
    %dma_wait3A_89 = tpu.memref_slice %arg9[%dma_wait3A_87, %dma_wait3A_88] : memref<125x80xi32, #tpu.memory_space<vmem>> -> memref<1x80xi32, #tpu.memory_space<vmem>>
    %dma_wait3A_90 = tpu.memref_squeeze %dma_wait3A_89 : memref<1x80xi32, #tpu.memory_space<vmem>> -> memref<80xi32, #tpu.memory_space<vmem>>
    %dma_wait3A_91 = arith.constant 0 : i32
    %dma_wait3A_92 = arith.constant 0 : i32
    %dma_wait3A_93 = tpu.memref_slice %arg18[%dma_wait3A_91, %dma_wait3A_92] : memref<10112x16xf32, #tpu.memory_space<vmem_shared>> -> memref<10112x16xf32, #tpu.memory_space<vmem_shared>>
    tpu.wait_indirect_dma semaphore(%arg26 : memref<!tpu.dma_semaphore, #tpu.memory_space<semaphore_mem>>) src(%arg16 : memref<80x16xf32, #tpu.memory_space<vmem>>) dst(%dma_wait3A_93 : memref<10112x16xf32, #tpu.memory_space<vmem_shared>>)
    %dma_start3A_94 = arith.constant 121 : i32
    %dma_start3A_95 = arith.constant 0 : i32
    %dma_start3A_96 = tpu.memref_slice %arg9[%dma_start3A_94, %dma_start3A_95] : memref<125x80xi32, #tpu.memory_space<vmem>> -> memref<1x80xi32, #tpu.memory_space<vmem>>
    %dma_start3A_97 = tpu.memref_squeeze %dma_start3A_96 : memref<1x80xi32, #tpu.memory_space<vmem>> -> memref<80xi32, #tpu.memory_space<vmem>>
    %dma_start3A_98 = arith.constant 0 : i32
    %dma_start3A_99 = arith.constant 0 : i32
    %dma_start3A_100 = tpu.memref_slice %arg18[%dma_start3A_98, %dma_start3A_99] : memref<10112x16xf32, #tpu.memory_space<vmem_shared>> -> memref<10112x16xf32, #tpu.memory_space<vmem_shared>>
    tpu.enqueue_indirect_dma source(%arg16 : memref<80x16xf32, #tpu.memory_space<vmem>>) target(%dma_start3A_100 : memref<10112x16xf32, #tpu.memory_space<vmem_shared>>) offsets(%dma_start3A_97 : memref<80xi32, #tpu.memory_space<vmem>>) semaphore(%arg26 : memref<!tpu.dma_semaphore, #tpu.memory_space<semaphore_mem>>) {add = true}
    %dma_wait3A_101 = arith.constant 0 : i32
    %dma_wait3A_102 = arith.constant 0 : i32
    %dma_wait3A_103 = tpu.memref_slice %arg8[%dma_wait3A_101, %dma_wait3A_102] : memref<125x80xi32, #tpu.memory_space<vmem>> -> memref<1x80xi32, #tpu.memory_space<vmem>>
    %dma_wait3A_104 = tpu.memref_squeeze %dma_wait3A_103 : memref<1x80xi32, #tpu.memory_space<vmem>> -> memref<80xi32, #tpu.memory_space<vmem>>
    %dma_wait3A_105 = arith.constant 0 : i32
    %dma_wait3A_106 = arith.constant 0 : i32
    %dma_wait3A_107 = tpu.memref_slice %arg2[%dma_wait3A_105, %dma_wait3A_106] : memref<10000x64xf32, #tpu.memory_space<hbm>> -> memref<10000x64xf32, #tpu.memory_space<hbm>>
    tpu.wait_indirect_dma semaphore(%arg21 : memref<!tpu.dma_semaphore, #tpu.memory_space<semaphore_mem>>) src(%dma_wait3A_107 : memref<10000x64xf32, #tpu.memory_space<hbm>>) dst(%arg12 : memref<80x64xf32, #tpu.memory_space<vmem>>)
    %run_scoped3A_108 = arith.constant 122 : i32
    "tpu.region"() ({
      %run_scoped3A_218 = tpu.sem_alloc : memref<!tpu.dma_semaphore, #tpu.memory_space<semaphore_mem>>
      %dma_start3A_219 = arith.constant 0 : i32
      %dma_start3A_220 = tpu.memref_slice %arg9[%run_scoped3A_108, %dma_start3A_219] : memref<125x80xi32, #tpu.memory_space<vmem>> -> memref<1x80xi32, #tpu.memory_space<vmem>>
      %dma_start3A_221 = tpu.memref_squeeze %dma_start3A_220 : memref<1x80xi32, #tpu.memory_space<vmem>> -> memref<80xi32, #tpu.memory_space<vmem>>
      %dma_start3A_222 = arith.constant 0 : i32
      %dma_start3A_223 = arith.constant 0 : i32
      %dma_start3A_224 = tpu.memref_slice %arg17[%dma_start3A_222, %dma_start3A_223] : memref<10112x64xf32, #tpu.memory_space<vmem_shared>> -> memref<10112x64xf32, #tpu.memory_space<vmem_shared>>
      tpu.enqueue_indirect_dma source(%arg12 : memref<80x64xf32, #tpu.memory_space<vmem>>) target(%dma_start3A_224 : memref<10112x64xf32, #tpu.memory_space<vmem_shared>>) offsets(%dma_start3A_221 : memref<80xi32, #tpu.memory_space<vmem>>) semaphore(%run_scoped3A_218 : memref<!tpu.dma_semaphore, #tpu.memory_space<semaphore_mem>>) {add = true}
      %dma_wait3A_225 = arith.constant 0 : i32
      %dma_wait3A_226 = tpu.memref_slice %arg9[%run_scoped3A_108, %dma_wait3A_225] : memref<125x80xi32, #tpu.memory_space<vmem>> -> memref<1x80xi32, #tpu.memory_space<vmem>>
      %dma_wait3A_227 = tpu.memref_squeeze %dma_wait3A_226 : memref<1x80xi32, #tpu.memory_space<vmem>> -> memref<80xi32, #tpu.memory_space<vmem>>
      %dma_wait3A_228 = arith.constant 0 : i32
      %dma_wait3A_229 = arith.constant 0 : i32
      %dma_wait3A_230 = tpu.memref_slice %arg17[%dma_wait3A_228, %dma_wait3A_229] : memref<10112x64xf32, #tpu.memory_space<vmem_shared>> -> memref<10112x64xf32, #tpu.memory_space<vmem_shared>>
      tpu.wait_indirect_dma semaphore(%run_scoped3A_218 : memref<!tpu.dma_semaphore, #tpu.memory_space<semaphore_mem>>) src(%arg12 : memref<80x64xf32, #tpu.memory_space<vmem>>) dst(%dma_wait3A_230 : memref<10112x64xf32, #tpu.memory_space<vmem_shared>>)
      tpu.yield
    }) : () -> ()
    %dma_wait3A_109 = arith.constant 0 : i32
    %dma_wait3A_110 = arith.constant 0 : i32
    %dma_wait3A_111 = tpu.memref_slice %arg9[%dma_wait3A_109, %dma_wait3A_110] : memref<125x80xi32, #tpu.memory_space<vmem>> -> memref<1x80xi32, #tpu.memory_space<vmem>>
    %dma_wait3A_112 = tpu.memref_squeeze %dma_wait3A_111 : memref<1x80xi32, #tpu.memory_space<vmem>> -> memref<80xi32, #tpu.memory_space<vmem>>
    %dma_wait3A_113 = arith.constant 0 : i32
    %dma_wait3A_114 = arith.constant 0 : i32
    %dma_wait3A_115 = tpu.memref_slice %arg18[%dma_wait3A_113, %dma_wait3A_114] : memref<10112x16xf32, #tpu.memory_space<vmem_shared>> -> memref<10112x16xf32, #tpu.memory_space<vmem_shared>>
    tpu.wait_indirect_dma semaphore(%arg27 : memref<!tpu.dma_semaphore, #tpu.memory_space<semaphore_mem>>) src(%arg16 : memref<80x16xf32, #tpu.memory_space<vmem>>) dst(%dma_wait3A_115 : memref<10112x16xf32, #tpu.memory_space<vmem_shared>>)
    %dma_start3A_116 = arith.constant 122 : i32
    %dma_start3A_117 = arith.constant 0 : i32
    %dma_start3A_118 = tpu.memref_slice %arg9[%dma_start3A_116, %dma_start3A_117] : memref<125x80xi32, #tpu.memory_space<vmem>> -> memref<1x80xi32, #tpu.memory_space<vmem>>
    %dma_start3A_119 = tpu.memref_squeeze %dma_start3A_118 : memref<1x80xi32, #tpu.memory_space<vmem>> -> memref<80xi32, #tpu.memory_space<vmem>>
    %dma_start3A_120 = arith.constant 0 : i32
    %dma_start3A_121 = arith.constant 0 : i32
    %dma_start3A_122 = tpu.memref_slice %arg18[%dma_start3A_120, %dma_start3A_121] : memref<10112x16xf32, #tpu.memory_space<vmem_shared>> -> memref<10112x16xf32, #tpu.memory_space<vmem_shared>>
    tpu.enqueue_indirect_dma source(%arg16 : memref<80x16xf32, #tpu.memory_space<vmem>>) target(%dma_start3A_122 : memref<10112x16xf32, #tpu.memory_space<vmem_shared>>) offsets(%dma_start3A_119 : memref<80xi32, #tpu.memory_space<vmem>>) semaphore(%arg27 : memref<!tpu.dma_semaphore, #tpu.memory_space<semaphore_mem>>) {add = true}
    %dma_wait3A_123 = arith.constant 0 : i32
    %dma_wait3A_124 = arith.constant 0 : i32
    %dma_wait3A_125 = tpu.memref_slice %arg8[%dma_wait3A_123, %dma_wait3A_124] : memref<125x80xi32, #tpu.memory_space<vmem>> -> memref<1x80xi32, #tpu.memory_space<vmem>>
    %dma_wait3A_126 = tpu.memref_squeeze %dma_wait3A_125 : memref<1x80xi32, #tpu.memory_space<vmem>> -> memref<80xi32, #tpu.memory_space<vmem>>
    %dma_wait3A_127 = arith.constant 0 : i32
    %dma_wait3A_128 = arith.constant 0 : i32
    %dma_wait3A_129 = tpu.memref_slice %arg2[%dma_wait3A_127, %dma_wait3A_128] : memref<10000x64xf32, #tpu.memory_space<hbm>> -> memref<10000x64xf32, #tpu.memory_space<hbm>>
    tpu.wait_indirect_dma semaphore(%arg22 : memref<!tpu.dma_semaphore, #tpu.memory_space<semaphore_mem>>) src(%dma_wait3A_129 : memref<10000x64xf32, #tpu.memory_space<hbm>>) dst(%arg13 : memref<80x64xf32, #tpu.memory_space<vmem>>)
    %run_scoped3A_130 = arith.constant 123 : i32
    "tpu.region"() ({
      %run_scoped3A_218 = tpu.sem_alloc : memref<!tpu.dma_semaphore, #tpu.memory_space<semaphore_mem>>
      %dma_start3A_219 = arith.constant 0 : i32
      %dma_start3A_220 = tpu.memref_slice %arg9[%run_scoped3A_130, %dma_start3A_219] : memref<125x80xi32, #tpu.memory_space<vmem>> -> memref<1x80xi32, #tpu.memory_space<vmem>>
      %dma_start3A_221 = tpu.memref_squeeze %dma_start3A_220 : memref<1x80xi32, #tpu.memory_space<vmem>> -> memref<80xi32, #tpu.memory_space<vmem>>
      %dma_start3A_222 = arith.constant 0 : i32
      %dma_start3A_223 = arith.constant 0 : i32
      %dma_start3A_224 = tpu.memref_slice %arg17[%dma_start3A_222, %dma_start3A_223] : memref<10112x64xf32, #tpu.memory_space<vmem_shared>> -> memref<10112x64xf32, #tpu.memory_space<vmem_shared>>
      tpu.enqueue_indirect_dma source(%arg13 : memref<80x64xf32, #tpu.memory_space<vmem>>) target(%dma_start3A_224 : memref<10112x64xf32, #tpu.memory_space<vmem_shared>>) offsets(%dma_start3A_221 : memref<80xi32, #tpu.memory_space<vmem>>) semaphore(%run_scoped3A_218 : memref<!tpu.dma_semaphore, #tpu.memory_space<semaphore_mem>>) {add = true}
      %dma_wait3A_225 = arith.constant 0 : i32
      %dma_wait3A_226 = tpu.memref_slice %arg9[%run_scoped3A_130, %dma_wait3A_225] : memref<125x80xi32, #tpu.memory_space<vmem>> -> memref<1x80xi32, #tpu.memory_space<vmem>>
      %dma_wait3A_227 = tpu.memref_squeeze %dma_wait3A_226 : memref<1x80xi32, #tpu.memory_space<vmem>> -> memref<80xi32, #tpu.memory_space<vmem>>
      %dma_wait3A_228 = arith.constant 0 : i32
      %dma_wait3A_229 = arith.constant 0 : i32
      %dma_wait3A_230 = tpu.memref_slice %arg17[%dma_wait3A_228, %dma_wait3A_229] : memref<10112x64xf32, #tpu.memory_space<vmem_shared>> -> memref<10112x64xf32, #tpu.memory_space<vmem_shared>>
      tpu.wait_indirect_dma semaphore(%run_scoped3A_218 : memref<!tpu.dma_semaphore, #tpu.memory_space<semaphore_mem>>) src(%arg13 : memref<80x64xf32, #tpu.memory_space<vmem>>) dst(%dma_wait3A_230 : memref<10112x64xf32, #tpu.memory_space<vmem_shared>>)
      tpu.yield
    }) : () -> ()
    %dma_wait3A_131 = arith.constant 0 : i32
    %dma_wait3A_132 = arith.constant 0 : i32
    %dma_wait3A_133 = tpu.memref_slice %arg9[%dma_wait3A_131, %dma_wait3A_132] : memref<125x80xi32, #tpu.memory_space<vmem>> -> memref<1x80xi32, #tpu.memory_space<vmem>>
    %dma_wait3A_134 = tpu.memref_squeeze %dma_wait3A_133 : memref<1x80xi32, #tpu.memory_space<vmem>> -> memref<80xi32, #tpu.memory_space<vmem>>
    %dma_wait3A_135 = arith.constant 0 : i32
    %dma_wait3A_136 = arith.constant 0 : i32
    %dma_wait3A_137 = tpu.memref_slice %arg18[%dma_wait3A_135, %dma_wait3A_136] : memref<10112x16xf32, #tpu.memory_space<vmem_shared>> -> memref<10112x16xf32, #tpu.memory_space<vmem_shared>>
    tpu.wait_indirect_dma semaphore(%arg28 : memref<!tpu.dma_semaphore, #tpu.memory_space<semaphore_mem>>) src(%arg16 : memref<80x16xf32, #tpu.memory_space<vmem>>) dst(%dma_wait3A_137 : memref<10112x16xf32, #tpu.memory_space<vmem_shared>>)
    %dma_start3A_138 = arith.constant 123 : i32
    %dma_start3A_139 = arith.constant 0 : i32
    %dma_start3A_140 = tpu.memref_slice %arg9[%dma_start3A_138, %dma_start3A_139] : memref<125x80xi32, #tpu.memory_space<vmem>> -> memref<1x80xi32, #tpu.memory_space<vmem>>
    %dma_start3A_141 = tpu.memref_squeeze %dma_start3A_140 : memref<1x80xi32, #tpu.memory_space<vmem>> -> memref<80xi32, #tpu.memory_space<vmem>>
    %dma_start3A_142 = arith.constant 0 : i32
    %dma_start3A_143 = arith.constant 0 : i32
    %dma_start3A_144 = tpu.memref_slice %arg18[%dma_start3A_142, %dma_start3A_143] : memref<10112x16xf32, #tpu.memory_space<vmem_shared>> -> memref<10112x16xf32, #tpu.memory_space<vmem_shared>>
    tpu.enqueue_indirect_dma source(%arg16 : memref<80x16xf32, #tpu.memory_space<vmem>>) target(%dma_start3A_144 : memref<10112x16xf32, #tpu.memory_space<vmem_shared>>) offsets(%dma_start3A_141 : memref<80xi32, #tpu.memory_space<vmem>>) semaphore(%arg28 : memref<!tpu.dma_semaphore, #tpu.memory_space<semaphore_mem>>) {add = true}
    %dma_wait3A_145 = arith.constant 0 : i32
    %dma_wait3A_146 = arith.constant 0 : i32
    %dma_wait3A_147 = tpu.memref_slice %arg8[%dma_wait3A_145, %dma_wait3A_146] : memref<125x80xi32, #tpu.memory_space<vmem>> -> memref<1x80xi32, #tpu.memory_space<vmem>>
    %dma_wait3A_148 = tpu.memref_squeeze %dma_wait3A_147 : memref<1x80xi32, #tpu.memory_space<vmem>> -> memref<80xi32, #tpu.memory_space<vmem>>
    %dma_wait3A_149 = arith.constant 0 : i32
    %dma_wait3A_150 = arith.constant 0 : i32
    %dma_wait3A_151 = tpu.memref_slice %arg2[%dma_wait3A_149, %dma_wait3A_150] : memref<10000x64xf32, #tpu.memory_space<hbm>> -> memref<10000x64xf32, #tpu.memory_space<hbm>>
    tpu.wait_indirect_dma semaphore(%arg23 : memref<!tpu.dma_semaphore, #tpu.memory_space<semaphore_mem>>) src(%dma_wait3A_151 : memref<10000x64xf32, #tpu.memory_space<hbm>>) dst(%arg14 : memref<80x64xf32, #tpu.memory_space<vmem>>)
    %run_scoped3A_152 = arith.constant 124 : i32
    "tpu.region"() ({
      %run_scoped3A_218 = tpu.sem_alloc : memref<!tpu.dma_semaphore, #tpu.memory_space<semaphore_mem>>
      %dma_start3A_219 = arith.constant 0 : i32
      %dma_start3A_220 = tpu.memref_slice %arg9[%run_scoped3A_152, %dma_start3A_219] : memref<125x80xi32, #tpu.memory_space<vmem>> -> memref<1x80xi32, #tpu.memory_space<vmem>>
      %dma_start3A_221 = tpu.memref_squeeze %dma_start3A_220 : memref<1x80xi32, #tpu.memory_space<vmem>> -> memref<80xi32, #tpu.memory_space<vmem>>
      %dma_start3A_222 = arith.constant 0 : i32
      %dma_start3A_223 = arith.constant 0 : i32
      %dma_start3A_224 = tpu.memref_slice %arg17[%dma_start3A_222, %dma_start3A_223] : memref<10112x64xf32, #tpu.memory_space<vmem_shared>> -> memref<10112x64xf32, #tpu.memory_space<vmem_shared>>
      tpu.enqueue_indirect_dma source(%arg14 : memref<80x64xf32, #tpu.memory_space<vmem>>) target(%dma_start3A_224 : memref<10112x64xf32, #tpu.memory_space<vmem_shared>>) offsets(%dma_start3A_221 : memref<80xi32, #tpu.memory_space<vmem>>) semaphore(%run_scoped3A_218 : memref<!tpu.dma_semaphore, #tpu.memory_space<semaphore_mem>>) {add = true}
      %dma_wait3A_225 = arith.constant 0 : i32
      %dma_wait3A_226 = tpu.memref_slice %arg9[%run_scoped3A_152, %dma_wait3A_225] : memref<125x80xi32, #tpu.memory_space<vmem>> -> memref<1x80xi32, #tpu.memory_space<vmem>>
      %dma_wait3A_227 = tpu.memref_squeeze %dma_wait3A_226 : memref<1x80xi32, #tpu.memory_space<vmem>> -> memref<80xi32, #tpu.memory_space<vmem>>
      %dma_wait3A_228 = arith.constant 0 : i32
      %dma_wait3A_229 = arith.constant 0 : i32
      %dma_wait3A_230 = tpu.memref_slice %arg17[%dma_wait3A_228, %dma_wait3A_229] : memref<10112x64xf32, #tpu.memory_space<vmem_shared>> -> memref<10112x64xf32, #tpu.memory_space<vmem_shared>>
      tpu.wait_indirect_dma semaphore(%run_scoped3A_218 : memref<!tpu.dma_semaphore, #tpu.memory_space<semaphore_mem>>) src(%arg14 : memref<80x64xf32, #tpu.memory_space<vmem>>) dst(%dma_wait3A_230 : memref<10112x64xf32, #tpu.memory_space<vmem_shared>>)
      tpu.yield
    }) : () -> ()
    %dma_wait3A_153 = arith.constant 0 : i32
    %dma_wait3A_154 = arith.constant 0 : i32
    %dma_wait3A_155 = tpu.memref_slice %arg9[%dma_wait3A_153, %dma_wait3A_154] : memref<125x80xi32, #tpu.memory_space<vmem>> -> memref<1x80xi32, #tpu.memory_space<vmem>>
    %dma_wait3A_156 = tpu.memref_squeeze %dma_wait3A_155 : memref<1x80xi32, #tpu.memory_space<vmem>> -> memref<80xi32, #tpu.memory_space<vmem>>
    %dma_wait3A_157 = arith.constant 0 : i32
    %dma_wait3A_158 = arith.constant 0 : i32
    %dma_wait3A_159 = tpu.memref_slice %arg18[%dma_wait3A_157, %dma_wait3A_158] : memref<10112x16xf32, #tpu.memory_space<vmem_shared>> -> memref<10112x16xf32, #tpu.memory_space<vmem_shared>>
    tpu.wait_indirect_dma semaphore(%arg29 : memref<!tpu.dma_semaphore, #tpu.memory_space<semaphore_mem>>) src(%arg16 : memref<80x16xf32, #tpu.memory_space<vmem>>) dst(%dma_wait3A_159 : memref<10112x16xf32, #tpu.memory_space<vmem_shared>>)
    %dma_start3A_160 = arith.constant 124 : i32
    %dma_start3A_161 = arith.constant 0 : i32
    %dma_start3A_162 = tpu.memref_slice %arg9[%dma_start3A_160, %dma_start3A_161] : memref<125x80xi32, #tpu.memory_space<vmem>> -> memref<1x80xi32, #tpu.memory_space<vmem>>
    %dma_start3A_163 = tpu.memref_squeeze %dma_start3A_162 : memref<1x80xi32, #tpu.memory_space<vmem>> -> memref<80xi32, #tpu.memory_space<vmem>>
    %dma_start3A_164 = arith.constant 0 : i32
    %dma_start3A_165 = arith.constant 0 : i32
    %dma_start3A_166 = tpu.memref_slice %arg18[%dma_start3A_164, %dma_start3A_165] : memref<10112x16xf32, #tpu.memory_space<vmem_shared>> -> memref<10112x16xf32, #tpu.memory_space<vmem_shared>>
    tpu.enqueue_indirect_dma source(%arg16 : memref<80x16xf32, #tpu.memory_space<vmem>>) target(%dma_start3A_166 : memref<10112x16xf32, #tpu.memory_space<vmem_shared>>) offsets(%dma_start3A_163 : memref<80xi32, #tpu.memory_space<vmem>>) semaphore(%arg29 : memref<!tpu.dma_semaphore, #tpu.memory_space<semaphore_mem>>) {add = true}
    %dma_wait3A_167 = arith.constant 0 : i32
    %dma_wait3A_168 = arith.constant 0 : i32
    %dma_wait3A_169 = tpu.memref_slice %arg9[%dma_wait3A_167, %dma_wait3A_168] : memref<125x80xi32, #tpu.memory_space<vmem>> -> memref<1x80xi32, #tpu.memory_space<vmem>>
    %dma_wait3A_170 = tpu.memref_squeeze %dma_wait3A_169 : memref<1x80xi32, #tpu.memory_space<vmem>> -> memref<80xi32, #tpu.memory_space<vmem>>
    %dma_wait3A_171 = arith.constant 0 : i32
    %dma_wait3A_172 = arith.constant 0 : i32
    %dma_wait3A_173 = tpu.memref_slice %arg18[%dma_wait3A_171, %dma_wait3A_172] : memref<10112x16xf32, #tpu.memory_space<vmem_shared>> -> memref<10112x16xf32, #tpu.memory_space<vmem_shared>>
    tpu.wait_indirect_dma semaphore(%arg25 : memref<!tpu.dma_semaphore, #tpu.memory_space<semaphore_mem>>) src(%arg16 : memref<80x16xf32, #tpu.memory_space<vmem>>) dst(%dma_wait3A_173 : memref<10112x16xf32, #tpu.memory_space<vmem_shared>>)
    %dma_wait3A_174 = arith.constant 0 : i32
    %dma_wait3A_175 = arith.constant 0 : i32
    %dma_wait3A_176 = tpu.memref_slice %arg9[%dma_wait3A_174, %dma_wait3A_175] : memref<125x80xi32, #tpu.memory_space<vmem>> -> memref<1x80xi32, #tpu.memory_space<vmem>>
    %dma_wait3A_177 = tpu.memref_squeeze %dma_wait3A_176 : memref<1x80xi32, #tpu.memory_space<vmem>> -> memref<80xi32, #tpu.memory_space<vmem>>
    %dma_wait3A_178 = arith.constant 0 : i32
    %dma_wait3A_179 = arith.constant 0 : i32
    %dma_wait3A_180 = tpu.memref_slice %arg18[%dma_wait3A_178, %dma_wait3A_179] : memref<10112x16xf32, #tpu.memory_space<vmem_shared>> -> memref<10112x16xf32, #tpu.memory_space<vmem_shared>>
    tpu.wait_indirect_dma semaphore(%arg26 : memref<!tpu.dma_semaphore, #tpu.memory_space<semaphore_mem>>) src(%arg16 : memref<80x16xf32, #tpu.memory_space<vmem>>) dst(%dma_wait3A_180 : memref<10112x16xf32, #tpu.memory_space<vmem_shared>>)
    %dma_wait3A_181 = arith.constant 0 : i32
    %dma_wait3A_182 = arith.constant 0 : i32
    %dma_wait3A_183 = tpu.memref_slice %arg9[%dma_wait3A_181, %dma_wait3A_182] : memref<125x80xi32, #tpu.memory_space<vmem>> -> memref<1x80xi32, #tpu.memory_space<vmem>>
    %dma_wait3A_184 = tpu.memref_squeeze %dma_wait3A_183 : memref<1x80xi32, #tpu.memory_space<vmem>> -> memref<80xi32, #tpu.memory_space<vmem>>
    %dma_wait3A_185 = arith.constant 0 : i32
    %dma_wait3A_186 = arith.constant 0 : i32
    %dma_wait3A_187 = tpu.memref_slice %arg18[%dma_wait3A_185, %dma_wait3A_186] : memref<10112x16xf32, #tpu.memory_space<vmem_shared>> -> memref<10112x16xf32, #tpu.memory_space<vmem_shared>>
    tpu.wait_indirect_dma semaphore(%arg27 : memref<!tpu.dma_semaphore, #tpu.memory_space<semaphore_mem>>) src(%arg16 : memref<80x16xf32, #tpu.memory_space<vmem>>) dst(%dma_wait3A_187 : memref<10112x16xf32, #tpu.memory_space<vmem_shared>>)
    %dma_wait3A_188 = arith.constant 0 : i32
    %dma_wait3A_189 = arith.constant 0 : i32
    %dma_wait3A_190 = tpu.memref_slice %arg9[%dma_wait3A_188, %dma_wait3A_189] : memref<125x80xi32, #tpu.memory_space<vmem>> -> memref<1x80xi32, #tpu.memory_space<vmem>>
    %dma_wait3A_191 = tpu.memref_squeeze %dma_wait3A_190 : memref<1x80xi32, #tpu.memory_space<vmem>> -> memref<80xi32, #tpu.memory_space<vmem>>
    %dma_wait3A_192 = arith.constant 0 : i32
    %dma_wait3A_193 = arith.constant 0 : i32
    %dma_wait3A_194 = tpu.memref_slice %arg18[%dma_wait3A_192, %dma_wait3A_193] : memref<10112x16xf32, #tpu.memory_space<vmem_shared>> -> memref<10112x16xf32, #tpu.memory_space<vmem_shared>>
    tpu.wait_indirect_dma semaphore(%arg28 : memref<!tpu.dma_semaphore, #tpu.memory_space<semaphore_mem>>) src(%arg16 : memref<80x16xf32, #tpu.memory_space<vmem>>) dst(%dma_wait3A_194 : memref<10112x16xf32, #tpu.memory_space<vmem_shared>>)
    %dma_wait3A_195 = arith.constant 0 : i32
    %dma_wait3A_196 = arith.constant 0 : i32
    %dma_wait3A_197 = tpu.memref_slice %arg9[%dma_wait3A_195, %dma_wait3A_196] : memref<125x80xi32, #tpu.memory_space<vmem>> -> memref<1x80xi32, #tpu.memory_space<vmem>>
    %dma_wait3A_198 = tpu.memref_squeeze %dma_wait3A_197 : memref<1x80xi32, #tpu.memory_space<vmem>> -> memref<80xi32, #tpu.memory_space<vmem>>
    %dma_wait3A_199 = arith.constant 0 : i32
    %dma_wait3A_200 = arith.constant 0 : i32
    %dma_wait3A_201 = tpu.memref_slice %arg18[%dma_wait3A_199, %dma_wait3A_200] : memref<10112x16xf32, #tpu.memory_space<vmem_shared>> -> memref<10112x16xf32, #tpu.memory_space<vmem_shared>>
    tpu.wait_indirect_dma semaphore(%arg29 : memref<!tpu.dma_semaphore, #tpu.memory_space<semaphore_mem>>) src(%arg16 : memref<80x16xf32, #tpu.memory_space<vmem>>) dst(%dma_wait3A_201 : memref<10112x16xf32, #tpu.memory_space<vmem_shared>>)
    %dma_wait3A_202 = arith.constant 0 : i32
    %dma_wait3A_203 = arith.constant 0 : i32
    %dma_wait3A_204 = tpu.memref_slice %arg9[%dma_wait3A_202, %dma_wait3A_203] : memref<125x80xi32, #tpu.memory_space<vmem>> -> memref<1x80xi32, #tpu.memory_space<vmem>>
    %dma_wait3A_205 = tpu.memref_squeeze %dma_wait3A_204 : memref<1x80xi32, #tpu.memory_space<vmem>> -> memref<80xi32, #tpu.memory_space<vmem>>
    %dma_wait3A_206 = arith.constant 0 : i32
    %dma_wait3A_207 = arith.constant 0 : i32
    %dma_wait3A_208 = tpu.memref_slice %arg18[%dma_wait3A_206, %dma_wait3A_207] : memref<10112x16xf32, #tpu.memory_space<vmem_shared>> -> memref<10112x16xf32, #tpu.memory_space<vmem_shared>>
    tpu.wait_indirect_dma semaphore(%arg30 : memref<!tpu.dma_semaphore, #tpu.memory_space<semaphore_mem>>) src(%arg16 : memref<80x16xf32, #tpu.memory_space<vmem>>) dst(%dma_wait3A_208 : memref<10112x16xf32, #tpu.memory_space<vmem_shared>>)
    %barrier3A_209 = arith.constant 0 : index
    tpu.barrier barrier_id(%barrier3A_209)
    %mul3A_210 = arith.constant 632 : i32
    %mul3A_211 = arith.muli %arg1, %mul3A_210 : i32
    %mul3A_212 = arith.constant 632 : i32
    %mul3A_213 = arith.muli %arg1, %mul3A_212 : i32
    "tpu.region"() ({
      %run_scoped3A_218 = tpu.sem_alloc : memref<!tpu.dma_semaphore, #tpu.memory_space<semaphore_mem>>
      %dma_start3A_219 = arith.constant 0 : i32
      %dma_start3A_220 = tpu.memref_slice %arg6[%arg0, %mul3A_213, %dma_start3A_219] : memref<2x10112x64xf32, #tpu.memory_space<hbm>> -> memref<1x632x64xf32, #tpu.memory_space<hbm>>
      %dma_start3A_221 = tpu.memref_squeeze %dma_start3A_220 : memref<1x632x64xf32, #tpu.memory_space<hbm>> -> memref<632x64xf32, #tpu.memory_space<hbm>>
      %dma_start3A_222 = arith.constant 0 : i32
      %dma_start3A_223 = tpu.memref_slice %arg17[%mul3A_211, %dma_start3A_222] : memref<10112x64xf32, #tpu.memory_space<vmem_shared>> -> memref<632x64xf32, #tpu.memory_space<vmem_shared>>
      tpu.enqueue_dma source(%dma_start3A_223 : memref<632x64xf32, #tpu.memory_space<vmem_shared>>) target(%dma_start3A_221 : memref<632x64xf32, #tpu.memory_space<hbm>>) target_semaphore(%run_scoped3A_218 : memref<!tpu.dma_semaphore, #tpu.memory_space<semaphore_mem>>)
      %dma_wait3A_224 = arith.constant 0 : i32
      %dma_wait3A_225 = tpu.memref_slice %arg6[%arg0, %mul3A_213, %dma_wait3A_224] : memref<2x10112x64xf32, #tpu.memory_space<hbm>> -> memref<1x632x64xf32, #tpu.memory_space<hbm>>
      %dma_wait3A_226 = tpu.memref_squeeze %dma_wait3A_225 : memref<1x632x64xf32, #tpu.memory_space<hbm>> -> memref<632x64xf32, #tpu.memory_space<hbm>>
      %dma_wait3A_227 = arith.constant 0 : i32
      %dma_wait3A_228 = tpu.memref_slice %arg17[%mul3A_211, %dma_wait3A_227] : memref<10112x64xf32, #tpu.memory_space<vmem_shared>> -> memref<632x64xf32, #tpu.memory_space<vmem_shared>>
      tpu.wait_dma2 semaphore(%run_scoped3A_218 : memref<!tpu.dma_semaphore, #tpu.memory_space<semaphore_mem>>) src(%dma_wait3A_228 : memref<632x64xf32, #tpu.memory_space<vmem_shared>>) dst(%dma_wait3A_226 : memref<632x64xf32, #tpu.memory_space<hbm>>)
      tpu.yield
    }) : () -> ()
    %mul3A_214 = arith.constant 632 : i32
    %mul3A_215 = arith.muli %arg1, %mul3A_214 : i32
    %mul3A_216 = arith.constant 632 : i32
    %mul3A_217 = arith.muli %arg1, %mul3A_216 : i32
    "tpu.region"() ({
      %run_scoped3A_218 = tpu.sem_alloc : memref<!tpu.dma_semaphore, #tpu.memory_space<semaphore_mem>>
      %dma_start3A_219 = arith.constant 0 : i32
      %dma_start3A_220 = tpu.memref_slice %arg7[%arg0, %mul3A_217, %dma_start3A_219] : memref<2x10112x16xf32, #tpu.memory_space<hbm>> -> memref<1x632x16xf32, #tpu.memory_space<hbm>>
      %dma_start3A_221 = tpu.memref_squeeze %dma_start3A_220 : memref<1x632x16xf32, #tpu.memory_space<hbm>> -> memref<632x16xf32, #tpu.memory_space<hbm>>
      %dma_start3A_222 = arith.constant 0 : i32
      %dma_start3A_223 = tpu.memref_slice %arg18[%mul3A_215, %dma_start3A_222] : memref<10112x16xf32, #tpu.memory_space<vmem_shared>> -> memref<632x16xf32, #tpu.memory_space<vmem_shared>>
      tpu.enqueue_dma source(%dma_start3A_223 : memref<632x16xf32, #tpu.memory_space<vmem_shared>>) target(%dma_start3A_221 : memref<632x16xf32, #tpu.memory_space<hbm>>) target_semaphore(%run_scoped3A_218 : memref<!tpu.dma_semaphore, #tpu.memory_space<semaphore_mem>>)
      %dma_wait3A_224 = arith.constant 0 : i32
      %dma_wait3A_225 = tpu.memref_slice %arg7[%arg0, %mul3A_217, %dma_wait3A_224] : memref<2x10112x16xf32, #tpu.memory_space<hbm>> -> memref<1x632x16xf32, #tpu.memory_space<hbm>>
      %dma_wait3A_226 = tpu.memref_squeeze %dma_wait3A_225 : memref<1x632x16xf32, #tpu.memory_space<hbm>> -> memref<632x16xf32, #tpu.memory_space<hbm>>
      %dma_wait3A_227 = arith.constant 0 : i32
      %dma_wait3A_228 = tpu.memref_slice %arg18[%mul3A_215, %dma_wait3A_227] : memref<10112x16xf32, #tpu.memory_space<vmem_shared>> -> memref<632x16xf32, #tpu.memory_space<vmem_shared>>
      tpu.wait_dma2 semaphore(%run_scoped3A_218 : memref<!tpu.dma_semaphore, #tpu.memory_space<semaphore_mem>>) src(%dma_wait3A_228 : memref<632x16xf32, #tpu.memory_space<vmem_shared>>) dst(%dma_wait3A_226 : memref<632x16xf32, #tpu.memory_space<hbm>>)
      tpu.yield
    }) : () -> ()
    return
  }
}

module attributes {stable_mosaic.version = 14 : i64} {
  func.func @_mm_body(%arg0: i32, %arg1: memref<2000x128xf32, #tpu.memory_space<vmem>>, %arg2: memref<128x64xf32, #tpu.memory_space<vmem>>, %arg3: memref<2000x64xf32, #tpu.memory_space<vmem>>) attributes {dimension_semantics = [#tpu.dimension_semantics<arbitrary>], iteration_bounds = array<i64: 5>, scalar_prefetch = 0 : i64, scratch_operands = 0 : i64, tpu.core_type = #tpu.core_type<tc>, window_params = [{transform_indices = @transform_0, window_bounds = array<i64: 2000, 128>}, {pipeline_mode = #tpu.pipeline_mode<synchronous>, transform_indices = @transform_1, window_bounds = array<i64: 128, 64>}, {transform_indices = @transform_2, window_bounds = array<i64: 2000, 64>}]} {
    %get3A = arith.constant 0 : index
    %get3A_0 = arith.constant 0 : index
    %get3A_1 = vector.load %arg1[%get3A, %get3A_0] : memref<2000x128xf32, #tpu.memory_space<vmem>>, vector<2000x128xf32>
    %get3A_2 = arith.constant 0 : index
    %get3A_3 = arith.constant 0 : index
    %get3A_4 = vector.load %arg2[%get3A_2, %get3A_3] : memref<128x64xf32, #tpu.memory_space<vmem>>, vector<128x64xf32>
    %dot_general3A = arith.constant dense<0.000000e+00> : vector<2000x64xf32>
    %dot_general3A_5 = tpu.matmul %get3A_1, %get3A_4, %dot_general3A {dimension_numbers = #tpu.dot_dimension_numbers<[1], [0], [0], [1], [0, 0, 1, 1], [], []>, transpose_lhs_hint = false} : vector<2000x128xf32>, vector<128x64xf32>, vector<2000x64xf32> -> vector<2000x64xf32>
    %swap3A = arith.constant 0 : index
    %swap3A_6 = arith.constant 0 : index
    %swap3A_7 = vector.load %arg3[%swap3A, %swap3A_6] : memref<2000x64xf32, #tpu.memory_space<vmem>>, vector<2000x64xf32>
    tpu.vector_store %arg3[%swap3A, %swap3A_6], %dot_general3A_5 {strides = array<i32>} : memref<2000x64xf32, #tpu.memory_space<vmem>>, vector<2000x64xf32>,
    return
  }
  func.func @transform_0(%arg0: i32) -> (i32, i32) {
    %c0_i32 = arith.constant 0 : i32
    %c0_i32_0 = arith.constant 0 : i32
    return %arg0, %c0_i32 : i32, i32
  }
  func.func @transform_1(%arg0: i32) -> (i32, i32) {
    %c0_i32 = arith.constant 0 : i32
    %c0_i32_0 = arith.constant 0 : i32
    %c0_i32_1 = arith.constant 0 : i32
    return %c0_i32, %c0_i32_0 : i32, i32
  }
  func.func @transform_2(%arg0: i32) -> (i32, i32) {
    %c0_i32 = arith.constant 0 : i32
    %c0_i32_0 = arith.constant 0 : i32
    return %arg0, %c0_i32 : i32, i32
  }
}

module attributes {stable_mosaic.version = 14 : i64} {
  func.func @_mid_body(%arg0: i32, %arg1: memref<2x2000x64xf32, #tpu.memory_space<vmem>>, %arg2: memref<2x2000x16xf32, #tpu.memory_space<vmem>>, %arg3: memref<2000x128xf32, #tpu.memory_space<vmem>>, %arg4: memref<128x64xf32, #tpu.memory_space<vmem>>, %arg5: memref<1x64xf32, #tpu.memory_space<vmem>>, %arg6: memref<64x64xf32, #tpu.memory_space<vmem>>, %arg7: memref<2000x64xf32, #tpu.memory_space<vmem>>, %arg8: memref<2000x64xf32, #tpu.memory_space<vmem>>) attributes {dimension_semantics = [#tpu.dimension_semantics<arbitrary>], iteration_bounds = array<i64: 5>, scalar_prefetch = 0 : i64, scratch_operands = 0 : i64, tpu.core_type = #tpu.core_type<tc>, window_params = [{transform_indices = @transform_0, window_bounds = array<i64: 2, 2000, 64>}, {transform_indices = @transform_1, window_bounds = array<i64: 2, 2000, 16>}, {transform_indices = @transform_2, window_bounds = array<i64: 2000, 128>}, {pipeline_mode = #tpu.pipeline_mode<synchronous>, transform_indices = @transform_3, window_bounds = array<i64: 128, 64>}, {pipeline_mode = #tpu.pipeline_mode<synchronous>, transform_indices = @transform_4, window_bounds = array<i64: 1, 64>}, {pipeline_mode = #tpu.pipeline_mode<synchronous>, transform_indices = @transform_5, window_bounds = array<i64: 64, 64>}, {transform_indices = @transform_6, window_bounds = array<i64: 2000, 64>}, {transform_indices = @transform_7, window_bounds = array<i64: 2000, 64>}]} {
    %get3A = arith.constant 0 : index
    %get3A_0 = arith.constant 0 : index
    %get3A_1 = arith.constant 0 : index
    %get3A_2 = vector.load %arg2[%get3A, %get3A_0, %get3A_1] : memref<2x2000x16xf32, #tpu.memory_space<vmem>>, vector<1x2000x1xf32>
    %get3A_3 = vector.shape_cast %get3A_2 : vector<1x2000x1xf32> to vector<2000x1xf32>
    %get3A_4 = arith.constant 1 : index
    %get3A_5 = arith.constant 0 : index
    %get3A_6 = arith.constant 0 : index
    %get3A_7 = vector.load %arg2[%get3A_4, %get3A_5, %get3A_6] : memref<2x2000x16xf32, #tpu.memory_space<vmem>>, vector<1x2000x1xf32>
    %get3A_8 = vector.shape_cast %get3A_7 : vector<1x2000x1xf32> to vector<2000x1xf32>
    %add3A = arith.addf %get3A_3, %get3A_8 : vector<2000x1xf32>
    %max3A = arith.constant 1.000000e+00 : f32
    %max3A_9 = vector.broadcast %max3A : f32 to vector<2000x1xf32>
    %max3A_10 = arith.maximumf %add3A, %max3A_9 : vector<2000x1xf32>
    %get3A_11 = arith.constant 0 : index
    %get3A_12 = arith.constant 0 : index
    %get3A_13 = arith.constant 0 : index
    %get3A_14 = vector.load %arg1[%get3A_11, %get3A_12, %get3A_13] : memref<2x2000x64xf32, #tpu.memory_space<vmem>>, vector<1x2000x64xf32>
    %get3A_15 = vector.shape_cast %get3A_14 : vector<1x2000x64xf32> to vector<2000x64xf32>
    %get3A_16 = arith.constant 1 : index
    %get3A_17 = arith.constant 0 : index
    %get3A_18 = arith.constant 0 : index
    %get3A_19 = vector.load %arg1[%get3A_16, %get3A_17, %get3A_18] : memref<2x2000x64xf32, #tpu.memory_space<vmem>>, vector<1x2000x64xf32>
    %get3A_20 = vector.shape_cast %get3A_19 : vector<1x2000x64xf32> to vector<2000x64xf32>
    %add3A_21 = arith.addf %get3A_15, %get3A_20 : vector<2000x64xf32>
    %div3A = vector.broadcast %max3A_10 : vector<2000x1xf32> to vector<2000x64xf32>
    %div3A_22 = arith.divf %add3A_21, %div3A : vector<2000x64xf32>
    %get3A_23 = arith.constant 0 : index
    %get3A_24 = arith.constant 0 : index
    %get3A_25 = vector.load %arg5[%get3A_23, %get3A_24] : memref<1x64xf32, #tpu.memory_space<vmem>>, vector<1x64xf32>
    %add3A_26 = vector.broadcast %get3A_25 : vector<1x64xf32> to vector<2000x64xf32>
    %add3A_27 = arith.addf %div3A_22, %add3A_26 : vector<2000x64xf32>
    %get3A_28 = arith.constant 0 : index
    %get3A_29 = arith.constant 0 : index
    %get3A_30 = vector.load %arg3[%get3A_28, %get3A_29] : memref<2000x128xf32, #tpu.memory_space<vmem>>, vector<2000x128xf32>
    %get3A_31 = arith.constant 0 : index
    %get3A_32 = arith.constant 0 : index
    %get3A_33 = vector.load %arg4[%get3A_31, %get3A_32] : memref<128x64xf32, #tpu.memory_space<vmem>>, vector<128x64xf32>
    %dot_general3A = arith.constant dense<0.000000e+00> : vector<2000x64xf32>
    %dot_general3A_34 = tpu.matmul %get3A_30, %get3A_33, %dot_general3A {dimension_numbers = #tpu.dot_dimension_numbers<[1], [0], [0], [1], [0, 0, 1, 1], [], []>, transpose_lhs_hint = false} : vector<2000x128xf32>, vector<128x64xf32>, vector<2000x64xf32> -> vector<2000x64xf32>
    %add3A_35 = arith.addf %add3A_27, %dot_general3A_34 : vector<2000x64xf32>
    %max3A_36 = arith.constant 0.000000e+00 : f32
    %max3A_37 = vector.broadcast %max3A_36 : f32 to vector<2000x64xf32>
    %max3A_38 = arith.maximumf %add3A_35, %max3A_37 : vector<2000x64xf32>
    %swap3A = arith.constant 0 : index
    %swap3A_39 = arith.constant 0 : index
    %swap3A_40 = vector.load %arg7[%swap3A, %swap3A_39] : memref<2000x64xf32, #tpu.memory_space<vmem>>, vector<2000x64xf32>
    tpu.vector_store %arg7[%swap3A, %swap3A_39], %max3A_38 {strides = array<i32>} : memref<2000x64xf32, #tpu.memory_space<vmem>>, vector<2000x64xf32>,
    %get3A_41 = arith.constant 0 : index
    %get3A_42 = arith.constant 0 : index
    %get3A_43 = vector.load %arg6[%get3A_41, %get3A_42] : memref<64x64xf32, #tpu.memory_space<vmem>>, vector<64x64xf32>
    %dot_general3A_44 = arith.constant dense<0.000000e+00> : vector<2000x64xf32>
    %dot_general3A_45 = tpu.matmul %max3A_38, %get3A_43, %dot_general3A_44 {dimension_numbers = #tpu.dot_dimension_numbers<[1], [0], [0], [1], [0, 0, 1, 1], [], []>, transpose_lhs_hint = false} : vector<2000x64xf32>, vector<64x64xf32>, vector<2000x64xf32> -> vector<2000x64xf32>
    %swap3A_46 = arith.constant 0 : index
    %swap3A_47 = arith.constant 0 : index
    %swap3A_48 = vector.load %arg8[%swap3A_46, %swap3A_47] : memref<2000x64xf32, #tpu.memory_space<vmem>>, vector<2000x64xf32>
    tpu.vector_store %arg8[%swap3A_46, %swap3A_47], %dot_general3A_45 {strides = array<i32>} : memref<2000x64xf32, #tpu.memory_space<vmem>>, vector<2000x64xf32>,
    return
  }
  func.func @transform_0(%arg0: i32) -> (i32, i32, i32) {
    %c0_i32 = arith.constant 0 : i32
    %c0_i32_0 = arith.constant 0 : i32
    %c0_i32_1 = arith.constant 0 : i32
    return %c0_i32, %arg0, %c0_i32_0 : i32, i32, i32
  }
  func.func @transform_1(%arg0: i32) -> (i32, i32, i32) {
    %c0_i32 = arith.constant 0 : i32
    %c0_i32_0 = arith.constant 0 : i32
    %c0_i32_1 = arith.constant 0 : i32
    return %c0_i32, %arg0, %c0_i32_0 : i32, i32, i32
  }
  func.func @transform_2(%arg0: i32) -> (i32, i32) {
    %c0_i32 = arith.constant 0 : i32
    %c0_i32_0 = arith.constant 0 : i32
    return %arg0, %c0_i32 : i32, i32
  }
  func.func @transform_3(%arg0: i32) -> (i32, i32) {
    %c0_i32 = arith.constant 0 : i32
    %c0_i32_0 = arith.constant 0 : i32
    %c0_i32_1 = arith.constant 0 : i32
    return %c0_i32, %c0_i32_0 : i32, i32
  }
  func.func @transform_4(%arg0: i32) -> (i32, i32) {
    %c0_i32 = arith.constant 0 : i32
    %c0_i32_0 = arith.constant 0 : i32
    %c0_i32_1 = arith.constant 0 : i32
    return %c0_i32, %c0_i32_0 : i32, i32
  }
  func.func @transform_5(%arg0: i32) -> (i32, i32) {
    %c0_i32 = arith.constant 0 : i32
    %c0_i32_0 = arith.constant 0 : i32
    %c0_i32_1 = arith.constant 0 : i32
    return %c0_i32, %c0_i32_0 : i32, i32
  }
  func.func @transform_6(%arg0: i32) -> (i32, i32) {
    %c0_i32 = arith.constant 0 : i32
    %c0_i32_0 = arith.constant 0 : i32
    return %arg0, %c0_i32 : i32, i32
  }
  func.func @transform_7(%arg0: i32) -> (i32, i32) {
    %c0_i32 = arith.constant 0 : i32
    %c0_i32_0 = arith.constant 0 : i32
    return %arg0, %c0_i32 : i32, i32
  }
}

module attributes {stable_mosaic.version = 14 : i64} {
  func.func @_fin_body(%arg0: i32, %arg1: memref<2x2000x64xf32, #tpu.memory_space<vmem>>, %arg2: memref<2x2000x16xf32, #tpu.memory_space<vmem>>, %arg3: memref<2000x64xf32, #tpu.memory_space<vmem>>, %arg4: memref<64x64xf32, #tpu.memory_space<vmem>>, %arg5: memref<1x64xf32, #tpu.memory_space<vmem>>, %arg6: memref<64x32xf32, #tpu.memory_space<vmem>>, %arg7: memref<1x32xf32, #tpu.memory_space<vmem>>, %arg8: memref<32x1xf32, #tpu.memory_space<vmem>>, %arg9: memref<1x1xf32, #tpu.memory_space<vmem>>, %arg10: memref<2000x1xf32, #tpu.memory_space<vmem>>) attributes {dimension_semantics = [#tpu.dimension_semantics<arbitrary>], iteration_bounds = array<i64: 5>, scalar_prefetch = 0 : i64, scratch_operands = 0 : i64, tpu.core_type = #tpu.core_type<tc>, window_params = [{transform_indices = @transform_0, window_bounds = array<i64: 2, 2000, 64>}, {transform_indices = @transform_1, window_bounds = array<i64: 2, 2000, 16>}, {transform_indices = @transform_2, window_bounds = array<i64: 2000, 64>}, {pipeline_mode = #tpu.pipeline_mode<synchronous>, transform_indices = @transform_3, window_bounds = array<i64: 64, 64>}, {pipeline_mode = #tpu.pipeline_mode<synchronous>, transform_indices = @transform_4, window_bounds = array<i64: 1, 64>}, {pipeline_mode = #tpu.pipeline_mode<synchronous>, transform_indices = @transform_5, window_bounds = array<i64: 64, 32>}, {pipeline_mode = #tpu.pipeline_mode<synchronous>, transform_indices = @transform_6, window_bounds = array<i64: 1, 32>}, {pipeline_mode = #tpu.pipeline_mode<synchronous>, transform_indices = @transform_7, window_bounds = array<i64: 32, 1>}, {pipeline_mode = #tpu.pipeline_mode<synchronous>, transform_indices = @transform_8, window_bounds = array<i64: 1, 1>}, {transform_indices = @transform_9, window_bounds = array<i64: 2000, 1>}]} {
    %get3A = arith.constant 0 : index
    %get3A_0 = arith.constant 0 : index
    %get3A_1 = arith.constant 0 : index
    %get3A_2 = vector.load %arg2[%get3A, %get3A_0, %get3A_1] : memref<2x2000x16xf32, #tpu.memory_space<vmem>>, vector<1x2000x1xf32>
    %get3A_3 = vector.shape_cast %get3A_2 : vector<1x2000x1xf32> to vector<2000x1xf32>
    %get3A_4 = arith.constant 1 : index
    %get3A_5 = arith.constant 0 : index
    %get3A_6 = arith.constant 0 : index
    %get3A_7 = vector.load %arg2[%get3A_4, %get3A_5, %get3A_6] : memref<2x2000x16xf32, #tpu.memory_space<vmem>>, vector<1x2000x1xf32>
    %get3A_8 = vector.shape_cast %get3A_7 : vector<1x2000x1xf32> to vector<2000x1xf32>
    %add3A = arith.addf %get3A_3, %get3A_8 : vector<2000x1xf32>
    %max3A = arith.constant 1.000000e+00 : f32
    %max3A_9 = vector.broadcast %max3A : f32 to vector<2000x1xf32>
    %max3A_10 = arith.maximumf %add3A, %max3A_9 : vector<2000x1xf32>
    %get3A_11 = arith.constant 0 : index
    %get3A_12 = arith.constant 0 : index
    %get3A_13 = arith.constant 0 : index
    %get3A_14 = vector.load %arg1[%get3A_11, %get3A_12, %get3A_13] : memref<2x2000x64xf32, #tpu.memory_space<vmem>>, vector<1x2000x64xf32>
    %get3A_15 = vector.shape_cast %get3A_14 : vector<1x2000x64xf32> to vector<2000x64xf32>
    %get3A_16 = arith.constant 1 : index
    %get3A_17 = arith.constant 0 : index
    %get3A_18 = arith.constant 0 : index
    %get3A_19 = vector.load %arg1[%get3A_16, %get3A_17, %get3A_18] : memref<2x2000x64xf32, #tpu.memory_space<vmem>>, vector<1x2000x64xf32>
    %get3A_20 = vector.shape_cast %get3A_19 : vector<1x2000x64xf32> to vector<2000x64xf32>
    %add3A_21 = arith.addf %get3A_15, %get3A_20 : vector<2000x64xf32>
    %div3A = vector.broadcast %max3A_10 : vector<2000x1xf32> to vector<2000x64xf32>
    %div3A_22 = arith.divf %add3A_21, %div3A : vector<2000x64xf32>
    %get3A_23 = arith.constant 0 : index
    %get3A_24 = arith.constant 0 : index
    %get3A_25 = vector.load %arg5[%get3A_23, %get3A_24] : memref<1x64xf32, #tpu.memory_space<vmem>>, vector<1x64xf32>
    %add3A_26 = vector.broadcast %get3A_25 : vector<1x64xf32> to vector<2000x64xf32>
    %add3A_27 = arith.addf %div3A_22, %add3A_26 : vector<2000x64xf32>
    %get3A_28 = arith.constant 0 : index
    %get3A_29 = arith.constant 0 : index
    %get3A_30 = vector.load %arg3[%get3A_28, %get3A_29] : memref<2000x64xf32, #tpu.memory_space<vmem>>, vector<2000x64xf32>
    %get3A_31 = arith.constant 0 : index
    %get3A_32 = arith.constant 0 : index
    %get3A_33 = vector.load %arg4[%get3A_31, %get3A_32] : memref<64x64xf32, #tpu.memory_space<vmem>>, vector<64x64xf32>
    %dot_general3A = arith.constant dense<0.000000e+00> : vector<2000x64xf32>
    %dot_general3A_34 = tpu.matmul %get3A_30, %get3A_33, %dot_general3A {dimension_numbers = #tpu.dot_dimension_numbers<[1], [0], [0], [1], [0, 0, 1, 1], [], []>, transpose_lhs_hint = false} : vector<2000x64xf32>, vector<64x64xf32>, vector<2000x64xf32> -> vector<2000x64xf32>
    %add3A_35 = arith.addf %add3A_27, %dot_general3A_34 : vector<2000x64xf32>
    %max3A_36 = arith.constant 0.000000e+00 : f32
    %max3A_37 = vector.broadcast %max3A_36 : f32 to vector<2000x64xf32>
    %max3A_38 = arith.maximumf %add3A_35, %max3A_37 : vector<2000x64xf32>
    %get3A_39 = arith.constant 0 : index
    %get3A_40 = arith.constant 0 : index
    %get3A_41 = vector.load %arg6[%get3A_39, %get3A_40] : memref<64x32xf32, #tpu.memory_space<vmem>>, vector<64x32xf32>
    %dot_general3A_42 = arith.constant dense<0.000000e+00> : vector<2000x32xf32>
    %dot_general3A_43 = tpu.matmul %max3A_38, %get3A_41, %dot_general3A_42 {dimension_numbers = #tpu.dot_dimension_numbers<[1], [0], [0], [1], [0, 0, 1, 1], [], []>, transpose_lhs_hint = false} : vector<2000x64xf32>, vector<64x32xf32>, vector<2000x32xf32> -> vector<2000x32xf32>
    %get3A_44 = arith.constant 0 : index
    %get3A_45 = arith.constant 0 : index
    %get3A_46 = vector.load %arg7[%get3A_44, %get3A_45] : memref<1x32xf32, #tpu.memory_space<vmem>>, vector<1x32xf32>
    %add3A_47 = vector.broadcast %get3A_46 : vector<1x32xf32> to vector<2000x32xf32>
    %add3A_48 = arith.addf %dot_general3A_43, %add3A_47 : vector<2000x32xf32>
    %max3A_49 = arith.constant 0.000000e+00 : f32
    %max3A_50 = vector.broadcast %max3A_49 : f32 to vector<2000x32xf32>
    %max3A_51 = arith.maximumf %add3A_48, %max3A_50 : vector<2000x32xf32>
    %get3A_52 = arith.constant 0 : index
    %get3A_53 = arith.constant 0 : index
    %get3A_54 = vector.load %arg8[%get3A_52, %get3A_53] : memref<32x1xf32, #tpu.memory_space<vmem>>, vector<32x1xf32>
    %dot_general3A_55 = arith.constant dense<0.000000e+00> : vector<2000x1xf32>
    %dot_general3A_56 = tpu.matmul %max3A_51, %get3A_54, %dot_general3A_55 {dimension_numbers = #tpu.dot_dimension_numbers<[1], [0], [0], [1], [0, 0, 1, 1], [], []>, transpose_lhs_hint = false} : vector<2000x32xf32>, vector<32x1xf32>, vector<2000x1xf32> -> vector<2000x1xf32>
    %get3A_57 = arith.constant 0 : index
    %get3A_58 = arith.constant 0 : index
    %get3A_59 = vector.load %arg9[%get3A_57, %get3A_58] : memref<1x1xf32, #tpu.memory_space<vmem>>, vector<1x1xf32>
    %add3A_60 = vector.broadcast %get3A_59 : vector<1x1xf32> to vector<2000x1xf32>
    %add3A_61 = arith.addf %dot_general3A_56, %add3A_60 : vector<2000x1xf32>
    %swap3A = arith.constant 0 : index
    %swap3A_62 = arith.constant 0 : index
    %swap3A_63 = vector.load %arg10[%swap3A, %swap3A_62] : memref<2000x1xf32, #tpu.memory_space<vmem>>, vector<2000x1xf32>
    tpu.vector_store %arg10[%swap3A, %swap3A_62], %add3A_61 {strides = array<i32>} : memref<2000x1xf32, #tpu.memory_space<vmem>>, vector<2000x1xf32>,
    return
  }
  func.func @transform_0(%arg0: i32) -> (i32, i32, i32) {
    %c0_i32 = arith.constant 0 : i32
    %c0_i32_0 = arith.constant 0 : i32
    %c0_i32_1 = arith.constant 0 : i32
    return %c0_i32, %arg0, %c0_i32_0 : i32, i32, i32
  }
  func.func @transform_1(%arg0: i32) -> (i32, i32, i32) {
    %c0_i32 = arith.constant 0 : i32
    %c0_i32_0 = arith.constant 0 : i32
    %c0_i32_1 = arith.constant 0 : i32
    return %c0_i32, %arg0, %c0_i32_0 : i32, i32, i32
  }
  func.func @transform_2(%arg0: i32) -> (i32, i32) {
    %c0_i32 = arith.constant 0 : i32
    %c0_i32_0 = arith.constant 0 : i32
    return %arg0, %c0_i32 : i32, i32
  }
  func.func @transform_3(%arg0: i32) -> (i32, i32) {
    %c0_i32 = arith.constant 0 : i32
    %c0_i32_0 = arith.constant 0 : i32
    %c0_i32_1 = arith.constant 0 : i32
    return %c0_i32, %c0_i32_0 : i32, i32
  }
  func.func @transform_4(%arg0: i32) -> (i32, i32) {
    %c0_i32 = arith.constant 0 : i32
    %c0_i32_0 = arith.constant 0 : i32
    %c0_i32_1 = arith.constant 0 : i32
    return %c0_i32, %c0_i32_0 : i32, i32
  }
  func.func @transform_5(%arg0: i32) -> (i32, i32) {
    %c0_i32 = arith.constant 0 : i32
    %c0_i32_0 = arith.constant 0 : i32
    %c0_i32_1 = arith.constant 0 : i32
    return %c0_i32, %c0_i32_0 : i32, i32
  }
  func.func @transform_6(%arg0: i32) -> (i32, i32) {
    %c0_i32 = arith.constant 0 : i32
    %c0_i32_0 = arith.constant 0 : i32
    %c0_i32_1 = arith.constant 0 : i32
    return %c0_i32, %c0_i32_0 : i32, i32
  }
  func.func @transform_7(%arg0: i32) -> (i32, i32) {
    %c0_i32 = arith.constant 0 : i32
    %c0_i32_0 = arith.constant 0 : i32
    %c0_i32_1 = arith.constant 0 : i32
    return %c0_i32, %c0_i32_0 : i32, i32
  }
  func.func @transform_8(%arg0: i32) -> (i32, i32) {
    %c0_i32 = arith.constant 0 : i32
    %c0_i32_0 = arith.constant 0 : i32
    %c0_i32_1 = arith.constant 0 : i32
    return %c0_i32, %c0_i32_0 : i32, i32
  }
  func.func @transform_9(%arg0: i32) -> (i32, i32) {
    %c0_i32 = arith.constant 0 : i32
    %c0_i32_0 = arith.constant 0 : i32
    return %arg0, %c0_i32 : i32, i32
  }
}

</mosaic_0001>

<sc_bundles>
// kernel: kernel.10.cloned.1.call-start
scs
__scs_entry_jumppad:
0x0: {  	(pc) =	sbr.rel $0x88, $3  }
0x1: {  	(tag) =	ssettag $0x0;
	lr =	simm.s32 $0x1  }
0x2: {  	[smem:$0x3F95] =	sst lr;
	_ =	strace $0xD0000000  }
0x3: {  	_ = 	snop  }
0x4: {  	_ = 	snop  }
0x5: {  	_ = 	snop  }
0x6: {  	_ = 	snop  }
0x7: {  	_ = 	snop  }
__scs_overlays_trampoline_lowered:
0x8: {  	[smem:$0x3FA4] =	sst s0  }
0x9: {  	[smem:$0x3FA5] =	sst s1  }
0xa: {  	[smem:$0x3FA6] =	sst s2  }
0xb: {  	[smem:$0x3FA7] =	sst s3  }
0xc: {  	[smem:$0x3FA8] =	sst s4  }
0xd: {  	[smem:$0x3FA9] =	sst s5  }
0xe: {  	[smem:$0x3FAA] =	sst s6  }
0xf: {  	[smem:$0x3FAB] =	sst s7  }
0x10: {  	[smem:$0x3FAC] =	sst s8  }
0x11: {  	[smem:$0x3FAD] =	sst s9;
	s0 =	simm.s32 @!p0 $0x0  }
0x12: {  	s1 =	sld [smem:$0x3F93];
	s0 =	simm.s32 @p0 $0x1  }
0x13: {  	[smem:$0x3FAE] =	sst s0;
	s0 =	simm.s32 @!p1 $0x0  }
0x14: {  	s2 =	sld [smem:$0x3F92];
	s0 =	simm.s32 @p1 $0x1  }
0x15: {  	[smem:$0x3FAF] =	sst s0;
	s0 =	simm.s32 @!p2 $0x0  }
0x16: {  	s3 =	sld [smem:$0x3FDB];
	s0 =	simm.s32 @p2 $0x1  }
0x17: {  	s4 =	simm.s32 $0x1BF5;
	[smem:$0x3FB1] =	sst s0  }
0x18: {  	s0 =	sld [smem:$0x3F94];
	_ =	swait.ge [sflag:s4], $0x0  }
0x19: {  	s7 =	sld [smem:$0x3F95]  }
0x1a: {  	s8 =	sadd.s32 $0xFFFFE003, lr  }
0x1b: {  	s9 =	sadd.s32 $0xFFFFFEF7, lr;
	s5 =	simm.s32 $0xFFFFFFFF;
	p2 =	slt.u32 s8, $0xFFFFF086  }
0x1c: {  	p1 =	slt.u32 s9, $0xF7A;
	s5 =	simm.s32 @!p2 $0x0  }
0x1d: {  	s5 =	simm.s32 @p1 $0x1;
	p0 =	seq.s32 s7, s2  }
0x1e: {  	s7 =	smul.u32 @!p0 $0xF7A, s2;
	p2 =	seq.s32 @!p0 s5, $0x0  }
0x1f: {  	s9 =	smul.u32 $0xF7A, s1;
	s8 =	simm.s32 @!p0 $0x1BF5;
	p2 =	por !p2, p0  }
0x20: {  	[sflag:s8] =	ssyncset.s32 @!p0 $0xFFFFF086;
	s6 =	sadd.s32 @!p0 s3, s7;
	s7 =	simm.s32 @!p0 $0x108  }
0x21: {  	s3 =	sadd.s32 s3, s9;
	s6 =	sadd.s32 @!p0 $0x88, s6;
	s7 =	simm.s32 @p2 $0x1082  }
0x22: {  	[simem:s7], [sflag:s8] =	dma.local @!p0 [hbm:s6], $0xF7A  }
0x23: {  	s9 =	sor.u32 $0xD0000000, s2;
	s6 =	simm.s32 $0x108;
	_ =	swait.ge @!p0 [sflag:s8], $0x0  }
0x24: {  	s3 =	sadd.s32 $0x88, s3;
	s6 =	simm.s32 @!p1 $0x1082;
	[sflag:s4] =	ssyncset.s32 $0xFFFFF086  }
0x25: {  	[simem:s6], [sflag:s4] =	dma.local [hbm:s3], $0xF7A  }
0x26: {  	[smem:$0x3F95] =	sst s1;
	(tag) =	ssettag s2;
	_ =	strace s9  }
0x27: {  	s1 =	sld [smem:$0x3FA5]  }
0x28: {  	s2 =	sld [smem:$0x3FA6]  }
0x29: {  	s4 =	sld [smem:$0x3FA8]  }
0x2a: {  	p0 =	seq.s32 s5, $0x0;
	s5 =	sld [smem:$0x3FA9]  }
0x2b: {  	s6 =	sld [smem:$0x3FAA]  }
0x2c: {  	s7 =	sld [smem:$0x3FAB]  }
0x2d: {  	s3 =	simm.s32 $0x108;
	s8 =	sld [smem:$0x3FAC]  }
0x2e: {  	s3 =	simm.s32 @!p0 $0x1082;
	s9 =	sld [smem:$0x3FAD]  }
0x2f: {  	lr =	sadd.s32 s0, s3;
	s0 =	sld [smem:$0x3FA4]  }
0x30: {  	s3 =	sld [smem:$0x3FA7]  }
0x31: {  	[smem:$0x3FB0] =	sst s10  }
0x32: {  	s10 =	sld [smem:$0x3FAE];
	_ =	sdelay $0x3  }
0x33: {  	p0 =	seq.s32 s10, $0x1;
	s10 =	sld [smem:$0x3FB0];
	_ =	sdelay $0x3  }
0x34: {  	[smem:$0x3FB0] =	sst s10  }
0x35: {  	s10 =	sld [smem:$0x3FAF];
	_ =	sdelay $0x3  }
0x36: {  	p1 =	seq.s32 s10, $0x1;
	s10 =	sld [smem:$0x3FB0];
	_ =	sdelay $0x3  }
0x37: {  	[smem:$0x3FB0] =	sst s10  }
0x38: {  	s10 =	sld [smem:$0x3FB1]  }
0x39: {  	_ = 	snop;
	(pc) =	sbr.ind lr, $3  }
0x3a: {  	_ = 	snop  }
0x3b: {  	_ = 	snop  }
0x3c: {  	p2 =	seq.s32 s10, $0x1;
	s10 =	sld [smem:$0x3FB0]  }
0x3d: {  	_ =	shalt  }
0x3e: {  	_ =	shalt  }
0x3f: {  	_ =	shalt  }
0x40: {  	_ =	shalt  }
0x41: {  	_ =	shalt  }
0x42: {  	_ =	shalt  }
0x43: {  	_ =	shalt  }
0x44: {  	_ =	shalt  }
0x45: {  	_ =	shalt  }
0x46: {  	_ =	shalt  }
0x47: {  	_ =	shalt  }
0x48: {  	_ =	shalt  }
0x49: {  	_ =	shalt  }
0x4a: {  	_ =	shalt  }
0x4b: {  	_ =	shalt  }
0x4c: {  	_ =	shalt  }
0x4d: {  	_ =	shalt  }
0x4e: {  	_ =	shalt  }
0x4f: {  	_ =	shalt  }
0x50: {  	_ =	shalt  }
0x51: {  	_ =	shalt  }
0x52: {  	_ =	shalt  }
0x53: {  	_ =	shalt  }
0x54: {  	_ =	shalt  }
0x55: {  	_ =	shalt  }
0x56: {  	_ =	shalt  }
0x57: {  	_ =	shalt  }
0x58: {  	_ =	shalt  }
0x59: {  	_ =	shalt  }
0x5a: {  	_ =	shalt  }
0x5b: {  	_ =	shalt  }
0x5c: {  	_ =	shalt  }
0x5d: {  	_ =	shalt  }
0x5e: {  	_ =	shalt  }
0x5f: {  	_ =	shalt  }
0x60: {  	_ =	shalt  }
0x61: {  	_ =	shalt  }
0x62: {  	_ =	shalt  }
0x63: {  	_ =	shalt  }
0x64: {  	_ =	shalt  }
0x65: {  	_ =	shalt  }
0x66: {  	_ =	shalt  }
0x67: {  	_ =	shalt  }
0x68: {  	_ =	shalt  }
0x69: {  	_ =	shalt  }
0x6a: {  	_ =	shalt  }
0x6b: {  	_ =	shalt  }
0x6c: {  	_ =	shalt  }
0x6d: {  	_ =	shalt  }
0x6e: {  	_ =	shalt  }
0x6f: {  	_ =	shalt  }
0x70: {  	_ =	shalt  }
0x71: {  	_ =	shalt  }
0x72: {  	_ =	shalt  }
0x73: {  	_ =	shalt  }
0x74: {  	_ =	shalt  }
0x75: {  	_ =	shalt  }
0x76: {  	_ =	shalt  }
0x77: {  	_ =	shalt  }
0x78: {  	_ =	shalt  }
0x79: {  	_ =	shalt  }
0x7a: {  	_ =	shalt  }
0x7b: {  	_ =	shalt  }
0x7c: {  	_ =	shalt  }
0x7d: {  	_ =	shalt  }
0x7e: {  	_ =	shalt  }
0x7f: {  	_ =	shalt  }
0x80: {  	_ =	shalt  }
0x81: {  	_ =	shalt  }
0x82: {  	_ =	shalt  }
0x83: {  	_ =	shalt  }
0x84: {  	_ =	shalt  }
0x85: {  	_ =	shalt  }
0x86: {  	_ =	shalt  }
0x87: {  	_ =	shalt  }
.Lfunc_end0:
.L_simem_size_0:
called_computation.1_lowered:
.L_overlay_start_0:
0x88: {  	s2 =	sld [smem:$0x3FD9]  }
0x89: {  	s3 =	sld [smem:$0x3FFE];
	_ =	sdelay $0x1  }
0x8a: {  	s1 =	srdreg.scid  }
0x8b: {  	s0 =	sand.u32 $0x1, s1  }
0x8c: {  	s16 =	sshll.u32 s0, $0xA;
	s2 =	sadd.s32 s3, s2  }
0x8d: {  	s2 =	sadd.s32 s2, s16  }
0x8e: {  	[smem:$0x3FBC] =	sst s2  }
0x8f: {  	_ = 	snop  }
0x90: {  	(tm) =	ssettm $0x1  }
0x91: {  	s17 =	sld [smem:$0x3FFB];
	_ =	sdelay $0x3  }
0x92: {  	_ =	strace s17  }
0x93: {  	s2 =	sld [smem:$0x3FFC];
	_ =	sdelay $0x3  }
0x94: {  	_ =	strace s2  }
0x95: {  	s2 =	sld [smem:$0x3FFD];
	_ =	sdelay $0x3  }
0x96: {  	_ =	strace s2  }
0x97: {  	_ =	strace $0x8FFFFFFF  }
0x98: {  	s18 =	sld [smem:$0x3FDB];
	_ =	sdelay $0x1  }
0x99: {  	s19 =	simm.s32 $_scs_section_size  }
0x9a: {  	s4 =	simm.s32 $_size__tile_overlayer_lowered;
	s5 =	simm.s32 $_tile_overlayer_lowered  }
0x9b: {  	s22 =	simm.s32 $0x1BFF;
	s21 =	sshll.u32 s5, $0x1;
	s2 =	sadd.s32 s19, s18  }
0x9c: {  	s6 =	simm.s32 $0x0;
	s20 =	sshll.u32 s4, $0x1;
	s4 =	sadd.s32 s21, s2  }
0x9d: {  	[timem:s6], [sflag:s22] =	dma.local [hbm:s4], s20  }
0x9e: {  	_ =	swait.ge [sflag:s22], s20  }
0x9f: {  	s3 =	ssub.s32 $0x0, s20;
	[sflag:s22] =	ssyncset.done $0x0  }
0xa0: {  	[sflag:s22] =	ssyncadd.s32 s3;
	_ =	sdelay $0x1  }
0xa1: {  	s23 =	simm.s32 $0x1B8B  }
0xa2: {  	_ =	swait.ge [sflag:s23], $0x1  }
0xa3: {  	[sflag:s23] =	ssyncset.done $0x0  }
0xa4: {  	s25 =	simm.s32 $0x1B8E;
	s24 =	sld [smem:$0x3FFE];
	[sflag:s23] =	ssyncadd.s32 $0xFFFFFFFF  }
0xa5: {  	s26 =	simm.s32 $execute0_lowered;
	[smem:$0x3FD2] =	sst s25  }
0xa6: {  	s4 =	sshll.u32 s26, $0x1;
	_ =	strace $0x80000049;
	[dreg:$0x1] =	wrdreg $0xFFFFFFFF  }
0xa7: {  	s28 =	simm.s32 $_size_execute0_lowered;
	s2 =	sadd.s32 s2, s4;
	[dreg:$0x0] =	wrdreg $0x0  }
0xa8: {  	s4 =	sshll.u32 s28, $0x1;
	[dreg:$0x2] =	wrdreg s2  }
0xa9: {  	[dreg:$0x3] =	wrdreg s4  }
0xaa: {  	[dreg:$0x4] =	wrdreg $0xC0  }
0xab: {  	_ =	task [dreg:s6], $0x5FFFF  }
0xac: {  	[dreg:$0x1] =	wrdreg $0xFFFFFFFF  }
0xad: {  	[dreg:$0x0] =	wrdreg $0x60  }
0xae: {  	[dreg:$0x2] =	wrdreg s24  }
0xaf: {  	[dreg:$0x3] =	wrdreg $0xC6200  }
0xb0: {  	[dreg:$0x4] =	wrdreg $0x9  }
0xb1: {  	_ =	task.clear_ibuf [dreg:s6], $0x5FFFF;
	_ =	strace $0x90000049  }
0xb2: {  	s29 =	simm.s32 $0x9;
	_ =	strace $0x8000004B  }
0xb3: {  	_ =	swait.ge [sflag:s29], $0x1  }
0xb4: {  	[sflag:s29] =	ssyncadd.s32 $0xFFFFFFFF  }
0xb5: {  	_ =	strace $0x9000004B  }
0xb6: {  	_ =	sfence  }
0xb7: {  	s30 =	sld [smem:$0x0];
	_ =	sdelay $0x2  }
0xb8: {  	s31 =	sshll.u32 s1, $0xD;
	s1 =	sshrl.u32 s1, $0x2  }
0xb9: {  	s3 =	sand.u32 $0x4000, s31;
	s1 =	sadd.s32 s1, s30  }
0xba: {  	s0 =	sor.u32 s3, s0;
	s1 =	sshll.u32 s1, $0x11  }
0xbb: {  	s0 =	sor.u32 s1, s0  }
0xbc: {  	s0 =	sadd.s32 $0x8F2B, s0  }
0xbd: {  	[sflag:s0] =	ssyncadd.remote.s32 $0x1  }
0xbe: {  	_ =	sfence.sel $0xFFFF  }
0xbf: {  	[dreg:$0x0] =	wrdreg $0xFFFFFFFF;
	(pc) =	sbr.abs _section_cstart, $3  }
0xc0: {  	[dreg:$0x1] =	wrdreg $0xFFFFFFFF  }
0xc1: {  	_ =	task.clear_ibuf [dreg:s6], $0x2FFFF;
	_ =	strace $0x9FFFFFFF  }
0xc2: {  	(tm) =	ssettm $0x7FFFFFFF  }
0xc3: {  	_ =	shalt  }
tec
execute0_lowered:
.L_overlay_start_1:
0x0: {  	(tag) =	ssettag $0x1  }
0x1: {  	s0 =	srdreg.scid;
	s6 =	rddreg [dreg:$0x0]  }
0x2: {  	s11 =	stileid.u32;
	s2 =	rddreg [dreg:$0x1]  }
0x3: {  	s3 =	simm.s32 $0x0;
	s10 =	simm.s32 $0x7;
	s14 =	simm.s32 $0x50  }
0x4: {  	s15 =	simm.s32 $0x4E20;
	s16 =	simm.s32 $0x6220;
	s18 =	simm.s32 $0x7620  }
0x5: {  	s20 =	simm.s32 $0x8A20;
	s22 =	simm.s32 $0x9E20;
	s28 =	simm.s32 $0x3  }
0x6: {  	s29 =	simm.s32 $0x4;
	s30 =	simm.s32 $0x5;
	s31 =	simm.s32 $0x6  }
0x7: {  	s23 =	simm.s32 $0x4D30;
	s0 =	sand.u32 $0x1, s0;
	s8 =	smul.u32 $0x9E00, s11  }
0x8: {  	[smem:$0x7FF] =	sst s3;
	s4 =	sadd.s32 $0x15E00, s6;
	s26 =	sshll.u32 s11, $0x6  }
0x9: {  	s1 =	sshll.u32 s0, $0x4;
	s5 =	smul.u32 $0x9E000, s0;
	_ =	strace $0x8000004A  }
0xa: {  	s0 =	ssub.s32 $0x2, s0;
	s12 =	sor.u32 $0x1C07, s26;
	s26 =	simm.s32 $0x2  }
0xb: {  	s1 =	sor.u32 s11, s1;
	s24 =	sshrl.u32 s0, $0x1;
	s25 =	sadd.s32 s8, s2  }
0xc: {  	s11 =	simm.s32 $0x0;
	s1 =	smul.u32 $0x2710, s1;
	s5 =	sadd.s32 s8, s5  }
0xd: {  	s0 =	ssub.s32 s0, s24;
	s13 =	sshrl.u32 s25, $0x3;
	s24 =	simm.s32 $0xB220  }
0xe: {  	s25 =	simm.s32 $0x1;
	s7 =	sshrl.u32 s5, $0x3;
	s1 =	sshrl.u32 s1, $0x3  }
0xf: {  	s5 =	sadd.s32 $0x29800, s6;
	s9 =	sadd.s32 s7, s6;
	s1 =	sadd.s32 s1, s6  }
0x10: {  	s8 =	sadd.s32 $0x2AC00, s9;
	s9 =	smax.u32 s0, $0x1;
	s0 =	simm.s32 $0x4DD0  }
0x11: {  	s6 =	sadd.s32 $0x2400, s1;
	s7 =	sadd.s32 $0xC040, s1;
	s1 =	simm.s32 $0x4D80  }
.LBB2_1:
0x12: {  	[tilespmem:s3], [sflag:$0x7] =	stream.linear.gather [hbm4b:s6+s3], $0x2710, $0x38;
	[tilespmem:$0x16420] =	vst v63  }
0x13: {  	_ =	swait.ge [sflag:s10], $0x2710  }
0x14: {  	[sflag:s10] =	ssyncset.done $0x0  }
0x15: {  	s17 =	simm.s32 $0x2710;
	[sflag:s10] =	ssyncadd.s32 $0xFFFFD8F0  }
0x16: {  	[tilespmem:s17], [sflag:$0x7] =	stream.linear.gather [hbm4b:s7+s3], $0x2710, $0x38;
	[tilespmem:$0x16420] =	vst v63  }
0x17: {  	_ =	swait.ge [sflag:s10], $0x2710  }
0x18: {  	[sflag:s10] =	ssyncset.done $0x0  }
0x19: {  	[sflag:s10] =	ssyncadd.s32 $0xFFFFD8F0  }
0x1a: {  	[spmem:s13], [sflag:s12] =	dma.local [hbm:s5], $0x13C0  }
0x1b: {  	_ =	swait.ge [sflag:s10], $0x13C0  }
0x1c: {  	[sflag:s10] =	ssyncset.done $0x0  }
0x1d: {  	[sflag:s10] =	ssyncadd.s32 $0xFFFFEC40  }
0x1e: {  	[bflag:$0x0] =	sbarrier.arrive $0xFFFF  }
0x1f: {  	[tilespmem:s15], [sflag:$0x1] =	stream.indirect.gather [hbm4b:s4+s14], $0x40, s3, s14, $0xb8;
	[tilespmem:$0x16420] =	vst v63  }
0x20: {  	_ = 	snop  }
0x21: {  	[tilespmem:s16], [sflag:$0x2] =	stream.indirect.gather [hbm4b:s4+s14], $0x40, s14, s14, $0xb8;
	[tilespmem:$0x16420] =	vst v63  }
0x22: {  	s21 =	simm.s32 $0xA0  }
0x23: {  	[tilespmem:s18], [sflag:$0x3] =	stream.indirect.gather [hbm4b:s4+s14], $0x40, s21, s14, $0xb8;
	[tilespmem:$0x16420] =	vst v63  }
0x24: {  	s19 =	simm.s32 $0xF0  }
0x25: {  	[tilespmem:s20], [sflag:$0x4] =	stream.indirect.gather [hbm4b:s4+s14], $0x40, s19, s14, $0xb8;
	[tilespmem:$0x16420] =	vst v63  }
0x26: {  	s21 =	simm.s32 $0x140  }
0x27: {  	[tilespmem:s22], [sflag:$0x5] =	stream.indirect.gather [hbm4b:s4+s14], $0x40, s21, s14, $0xb8;
	[tilespmem:$0x16420] =	vst v63  }
0x28: {  	s19 =	simm.s32 $0x190  }
0x29: {  	[tilespmem:s24], [sflag:$0x6] =	stream.indirect.gather [hbm4b:s4+s14], $0x40, s19, s14, $0xb8;
	[tilespmem:$0x16420] =	vst v63  }
0x2a: {  	_ =	swait.ge [sflag:s25], $0x1400  }
0x2b: {  	[sflag:s25] =	ssyncset.done $0x0  }
0x2c: {  	s21 =	simm.s32 $0x2710;
	[sflag:s25] =	ssyncadd.s32 $0xFFFFEC00  }
0x2d: {  	[spmem:s2] =	stream.indirect.scatter.add.f32 [tilespmem:s15], [sflag:$0x7], $0x40, s21, s14, $0xb8;
	[tilespmem:$0x16420] =	vst v63  }
0x2e: {  	_ =	swait.ge [sflag:s10], $0x1400  }
0x2f: {  	[sflag:s10] =	ssyncset.done $0x0  }
0x30: {  	s19 =	simm.s32 $0x1E0;
	[sflag:s10] =	ssyncadd.s32 $0xFFFFEC00  }
0x31: {  	[tilespmem:s15], [sflag:$0x1] =	stream.indirect.gather [hbm4b:s4+s14], $0x40, s19, s14, $0xb8;
	[tilespmem:$0x16420] =	vst v63  }
0x32: {  	_ =	swait.ge [sflag:s26], $0x1400  }
0x33: {  	[sflag:s26] =	ssyncset.done $0x0  }
0x34: {  	s21 =	simm.s32 $0x2760;
	[sflag:s26] =	ssyncadd.s32 $0xFFFFEC00  }
0x35: {  	[spmem:s2] =	stream.indirect.scatter.add.f32 [tilespmem:s16], [sflag:$0x7], $0x40, s21, s14, $0xb8;
	[tilespmem:$0x16420] =	vst v63  }
0x36: {  	_ =	swait.ge [sflag:s10], $0x1400  }
0x37: {  	[sflag:s10] =	ssyncset.done $0x0  }
0x38: {  	s19 =	simm.s32 $0x230;
	[sflag:s10] =	ssyncadd.s32 $0xFFFFEC00  }
0x39: {  	[tilespmem:s16], [sflag:$0x2] =	stream.indirect.gather [hbm4b:s4+s14], $0x40, s19, s14, $0xb8;
	[tilespmem:$0x16420] =	vst v63  }
0x3a: {  	_ =	swait.ge [sflag:s28], $0x1400  }
0x3b: {  	[sflag:s28] =	ssyncset.done $0x0  }
0x3c: {  	s21 =	simm.s32 $0x27B0;
	[sflag:s28] =	ssyncadd.s32 $0xFFFFEC00  }
0x3d: {  	[spmem:s2] =	stream.indirect.scatter.add.f32 [tilespmem:s18], [sflag:$0x7], $0x40, s21, s14, $0xb8;
	[tilespmem:$0x16420] =	vst v63  }
0x3e: {  	_ =	swait.ge [sflag:s10], $0x1400  }
0x3f: {  	[sflag:s10] =	ssyncset.done $0x0  }
0x40: {  	s19 =	simm.s32 $0x280;
	[sflag:s10] =	ssyncadd.s32 $0xFFFFEC00  }
0x41: {  	[tilespmem:s18], [sflag:$0x3] =	stream.indirect.gather [hbm4b:s4+s14], $0x40, s19, s14, $0xb8;
	[tilespmem:$0x16420] =	vst v63  }
0x42: {  	_ =	swait.ge [sflag:s29], $0x1400  }
0x43: {  	[sflag:s29] =	ssyncset.done $0x0  }
0x44: {  	s21 =	simm.s32 $0x2800;
	[sflag:s29] =	ssyncadd.s32 $0xFFFFEC00  }
0x45: {  	[spmem:s2] =	stream.indirect.scatter.add.f32 [tilespmem:s20], [sflag:$0x7], $0x40, s21, s14, $0xb8;
	[tilespmem:$0x16420] =	vst v63  }
0x46: {  	_ =	swait.ge [sflag:s10], $0x1400  }
0x47: {  	[sflag:s10] =	ssyncset.done $0x0  }
0x48: {  	s19 =	simm.s32 $0x2D0;
	[sflag:s10] =	ssyncadd.s32 $0xFFFFEC00  }
0x49: {  	[tilespmem:s20], [sflag:$0x4] =	stream.indirect.gather [hbm4b:s4+s14], $0x40, s19, s14, $0xb8;
	[tilespmem:$0x16420] =	vst v63  }
0x4a: {  	_ =	swait.ge [sflag:s30], $0x1400  }
0x4b: {  	[sflag:s30] =	ssyncset.done $0x0  }
0x4c: {  	s21 =	simm.s32 $0x2850;
	[sflag:s30] =	ssyncadd.s32 $0xFFFFEC00  }
0x4d: {  	[spmem:s2] =	stream.indirect.scatter.add.f32 [tilespmem:s22], [sflag:$0x7], $0x40, s21, s14, $0xb8;
	[tilespmem:$0x16420] =	vst v63  }
0x4e: {  	_ =	swait.ge [sflag:s10], $0x1400  }
0x4f: {  	[sflag:s10] =	ssyncset.done $0x0  }
0x50: {  	s19 =	simm.s32 $0x320;
	[sflag:s10] =	ssyncadd.s32 $0xFFFFEC00  }
0x51: {  	[tilespmem:s22], [sflag:$0x5] =	stream.indirect.gather [hbm4b:s4+s14], $0x40, s19, s14, $0xb8;
	[tilespmem:$0x16420] =	vst v63  }
0x52: {  	_ =	swait.ge [sflag:s31], $0x1400  }
0x53: {  	[sflag:s31] =	ssyncset.done $0x0  }
0x54: {  	s21 =	simm.s32 $0x28A0;
	[sflag:s31] =	ssyncadd.s32 $0xFFFFEC00  }
0x55: {  	[spmem:s2] =	stream.indirect.scatter.add.f32 [tilespmem:s24], [sflag:$0x7], $0x40, s21, s14, $0xb8;
	[tilespmem:$0x16420] =	vst v63  }
0x56: {  	_ =	swait.ge [sflag:s10], $0x1400  }
0x57: {  	[sflag:s10] =	ssyncset.done $0x0  }
0x58: {  	s17 =	simm.s32 $0x780;
	s19 =	simm.s32 $0x370;
	[sflag:s10] =	ssyncadd.s32 $0xFFFFEC00  }
.LBB2_2:
0x59: {  	[tilespmem:s24], [sflag:$0x6] =	stream.indirect.gather [hbm4b:s4+s14], $0x40, s19, s14, $0xb8;
	[tilespmem:$0x16420] =	vst v63  }
0x5a: {  	s19 =	smov.u32 s17  }
0x5b: {  	p0 =	sne.s32 s17, $0x8700;
	s17 =	sadd.s32 $0x780, s17;
	_ =	swait.ge [sflag:s25], $0x1400  }
0x5c: {  	s19 =	sshra.s32 s19, $0x2;
	[sflag:s25] =	ssyncset.done $0x0  }
0x5d: {  	s21 =	sadd.s32 $0x2710, s19;
	[sflag:s25] =	ssyncadd.s32 $0xFFFFEC00  }
0x5e: {  	[spmem:s2] =	stream.indirect.scatter.add.f32 [tilespmem:s15], [sflag:$0x7], $0x40, s21, s14, $0xb8;
	[tilespmem:$0x16420] =	vst v63  }
0x5f: {  	_ =	swait.ge [sflag:s10], $0x1400  }
0x60: {  	[sflag:s10] =	ssyncset.done $0x0  }
0x61: {  	s21 =	sadd.s32 $0x1E0, s19;
	[sflag:s10] =	ssyncadd.s32 $0xFFFFEC00  }
0x62: {  	[tilespmem:s15], [sflag:$0x1] =	stream.indirect.gather [hbm4b:s4+s14], $0x40, s21, s14, $0xb8;
	[tilespmem:$0x16420] =	vst v63  }
0x63: {  	_ =	swait.ge [sflag:s26], $0x1400  }
0x64: {  	[sflag:s26] =	ssyncset.done $0x0  }
0x65: {  	s21 =	sadd.s32 $0x2760, s19;
	[sflag:s26] =	ssyncadd.s32 $0xFFFFEC00  }
0x66: {  	[spmem:s2] =	stream.indirect.scatter.add.f32 [tilespmem:s16], [sflag:$0x7], $0x40, s21, s14, $0xb8;
	[tilespmem:$0x16420] =	vst v63  }
0x67: {  	_ =	swait.ge [sflag:s10], $0x1400  }
0x68: {  	[sflag:s10] =	ssyncset.done $0x0  }
0x69: {  	s21 =	sadd.s32 $0x230, s19;
	[sflag:s10] =	ssyncadd.s32 $0xFFFFEC00  }
0x6a: {  	[tilespmem:s16], [sflag:$0x2] =	stream.indirect.gather [hbm4b:s4+s14], $0x40, s21, s14, $0xb8;
	[tilespmem:$0x16420] =	vst v63  }
0x6b: {  	_ =	swait.ge [sflag:s28], $0x1400  }
0x6c: {  	[sflag:s28] =	ssyncset.done $0x0  }
0x6d: {  	s21 =	sadd.s32 $0x27B0, s19;
	[sflag:s28] =	ssyncadd.s32 $0xFFFFEC00  }
0x6e: {  	[spmem:s2] =	stream.indirect.scatter.add.f32 [tilespmem:s18], [sflag:$0x7], $0x40, s21, s14, $0xb8;
	[tilespmem:$0x16420] =	vst v63  }
0x6f: {  	_ =	swait.ge [sflag:s10], $0x1400  }
0x70: {  	[sflag:s10] =	ssyncset.done $0x0  }
0x71: {  	s21 =	sadd.s32 $0x280, s19;
	[sflag:s10] =	ssyncadd.s32 $0xFFFFEC00  }
0x72: {  	[tilespmem:s18], [sflag:$0x3] =	stream.indirect.gather [hbm4b:s4+s14], $0x40, s21, s14, $0xb8;
	[tilespmem:$0x16420] =	vst v63  }
0x73: {  	_ =	swait.ge [sflag:s29], $0x1400  }
0x74: {  	[sflag:s29] =	ssyncset.done $0x0  }
0x75: {  	s21 =	sadd.s32 $0x2800, s19;
	[sflag:s29] =	ssyncadd.s32 $0xFFFFEC00  }
0x76: {  	[spmem:s2] =	stream.indirect.scatter.add.f32 [tilespmem:s20], [sflag:$0x7], $0x40, s21, s14, $0xb8;
	[tilespmem:$0x16420] =	vst v63  }
0x77: {  	_ =	swait.ge [sflag:s10], $0x1400  }
0x78: {  	[sflag:s10] =	ssyncset.done $0x0  }
0x79: {  	s21 =	sadd.s32 $0x2D0, s19;
	[sflag:s10] =	ssyncadd.s32 $0xFFFFEC00  }
0x7a: {  	[tilespmem:s20], [sflag:$0x4] =	stream.indirect.gather [hbm4b:s4+s14], $0x40, s21, s14, $0xb8;
	[tilespmem:$0x16420] =	vst v63  }
0x7b: {  	_ =	swait.ge [sflag:s30], $0x1400  }
0x7c: {  	[sflag:s30] =	ssyncset.done $0x0  }
0x7d: {  	s21 =	sadd.s32 $0x2850, s19;
	[sflag:s30] =	ssyncadd.s32 $0xFFFFEC00  }
0x7e: {  	[spmem:s2] =	stream.indirect.scatter.add.f32 [tilespmem:s22], [sflag:$0x7], $0x40, s21, s14, $0xb8;
	[tilespmem:$0x16420] =	vst v63  }
0x7f: {  	_ =	swait.ge [sflag:s10], $0x1400  }
0x80: {  	[sflag:s10] =	ssyncset.done $0x0  }
0x81: {  	s21 =	sadd.s32 $0x320, s19;
	[sflag:s10] =	ssyncadd.s32 $0xFFFFEC00  }
0x82: {  	[tilespmem:s22], [sflag:$0x5] =	stream.indirect.gather [hbm4b:s4+s14], $0x40, s21, s14, $0xb8;
	[tilespmem:$0x16420] =	vst v63  }
0x83: {  	_ =	swait.ge [sflag:s31], $0x1400  }
0x84: {  	[sflag:s31] =	ssyncset.done $0x0  }
.Ltmp0:
0x85: {  	s21 =	sadd.s32 $0x28A0, s19;
	[sflag:s31] =	ssyncadd.s32 $0xFFFFEC00;
	(pc) =	sbr.rel @p0 .LBB2_2-.Ltmp0, $4  }
0x86: {  	[spmem:s2] =	stream.indirect.scatter.add.f32 [tilespmem:s24], [sflag:$0x7], $0x40, s21, s14, $0xb8;
	[tilespmem:$0x16420] =	vst v63  }
0x87: {  	_ =	swait.ge [sflag:s10], $0x1400  }
0x88: {  	[sflag:s10] =	ssyncset.done $0x0  }
0x89: {  	s19 =	sadd.s32 $0x370, s19;
	[sflag:s10] =	ssyncadd.s32 $0xFFFFEC00  }
0x8a: {  	[tilespmem:s24], [sflag:$0x6] =	stream.indirect.gather [hbm4b:s4+s14], $0x40, s19, s14, $0xb8;
	[tilespmem:$0x16420] =	vst v63  }
0x8b: {  	_ =	swait.ge [sflag:s25], $0x1400  }
0x8c: {  	[sflag:s25] =	ssyncset.done $0x0  }
0x8d: {  	s17 =	simm.s32 $0x4AB0;
	[sflag:s25] =	ssyncadd.s32 $0xFFFFEC00  }
0x8e: {  	[spmem:s2] =	stream.indirect.scatter.add.f32 [tilespmem:s15], [sflag:$0x7], $0x40, s17, s14, $0xb8;
	[tilespmem:$0x16420] =	vst v63  }
0x8f: {  	_ =	swait.ge [sflag:s10], $0x1400  }
0x90: {  	[sflag:s10] =	ssyncset.done $0x0  }
0x91: {  	s19 =	simm.s32 $0x2580;
	[sflag:s10] =	ssyncadd.s32 $0xFFFFEC00  }
0x92: {  	[tilespmem:s15], [sflag:$0x1] =	stream.indirect.gather [hbm4b:s4+s14], $0x40, s19, s14, $0xb8;
	[tilespmem:$0x16420] =	vst v63  }
0x93: {  	_ =	swait.ge [sflag:s26], $0x1400  }
0x94: {  	[sflag:s26] =	ssyncset.done $0x0  }
0x95: {  	s21 =	simm.s32 $0x4B00;
	[sflag:s26] =	ssyncadd.s32 $0xFFFFEC00  }
0x96: {  	[spmem:s2] =	stream.indirect.scatter.add.f32 [tilespmem:s16], [sflag:$0x7], $0x40, s21, s14, $0xb8;
	[tilespmem:$0x16420] =	vst v63  }
0x97: {  	_ =	swait.ge [sflag:s10], $0x1400  }
0x98: {  	[sflag:s10] =	ssyncset.done $0x0  }
0x99: {  	s19 =	simm.s32 $0x25D0;
	[sflag:s10] =	ssyncadd.s32 $0xFFFFEC00  }
0x9a: {  	[tilespmem:s16], [sflag:$0x2] =	stream.indirect.gather [hbm4b:s4+s14], $0x40, s19, s14, $0xb8;
	[tilespmem:$0x16420] =	vst v63  }
0x9b: {  	_ =	swait.ge [sflag:s28], $0x1400  }
0x9c: {  	[sflag:s28] =	ssyncset.done $0x0  }
0x9d: {  	s21 =	simm.s32 $0x4B50;
	[sflag:s28] =	ssyncadd.s32 $0xFFFFEC00  }
0x9e: {  	[spmem:s2] =	stream.indirect.scatter.add.f32 [tilespmem:s18], [sflag:$0x7], $0x40, s21, s14, $0xb8;
	[tilespmem:$0x16420] =	vst v63  }
0x9f: {  	_ =	swait.ge [sflag:s10], $0x1400  }
0xa0: {  	[sflag:s10] =	ssyncset.done $0x0  }
0xa1: {  	s19 =	simm.s32 $0x2620;
	[sflag:s10] =	ssyncadd.s32 $0xFFFFEC00  }
0xa2: {  	[tilespmem:s18], [sflag:$0x3] =	stream.indirect.gather [hbm4b:s4+s14], $0x40, s19, s14, $0xb8;
	[tilespmem:$0x16420] =	vst v63  }
0xa3: {  	_ =	swait.ge [sflag:s29], $0x1400  }
0xa4: {  	[sflag:s29] =	ssyncset.done $0x0  }
0xa5: {  	s21 =	simm.s32 $0x4BA0;
	[sflag:s29] =	ssyncadd.s32 $0xFFFFEC00  }
0xa6: {  	[spmem:s2] =	stream.indirect.scatter.add.f32 [tilespmem:s20], [sflag:$0x7], $0x40, s21, s14, $0xb8;
	[tilespmem:$0x16420] =	vst v63  }
0xa7: {  	_ =	swait.ge [sflag:s10], $0x1400  }
0xa8: {  	[sflag:s10] =	ssyncset.done $0x0  }
0xa9: {  	s19 =	simm.s32 $0x2670;
	[sflag:s10] =	ssyncadd.s32 $0xFFFFEC00  }
0xaa: {  	[tilespmem:s20], [sflag:$0x4] =	stream.indirect.gather [hbm4b:s4+s14], $0x40, s19, s14, $0xb8;
	[tilespmem:$0x16420] =	vst v63  }
0xab: {  	_ =	swait.ge [sflag:s30], $0x1400  }
0xac: {  	[sflag:s30] =	ssyncset.done $0x0  }
0xad: {  	s21 =	simm.s32 $0x4BF0;
	[sflag:s30] =	ssyncadd.s32 $0xFFFFEC00  }
0xae: {  	[spmem:s2] =	stream.indirect.scatter.add.f32 [tilespmem:s22], [sflag:$0x7], $0x40, s21, s14, $0xb8;
	[tilespmem:$0x16420] =	vst v63  }
0xaf: {  	_ =	swait.ge [sflag:s10], $0x1400  }
0xb0: {  	[sflag:s10] =	ssyncset.done $0x0  }
0xb1: {  	s19 =	simm.s32 $0x26C0;
	[sflag:s10] =	ssyncadd.s32 $0xFFFFEC00  }
0xb2: {  	[tilespmem:s22], [sflag:$0x5] =	stream.indirect.gather [hbm4b:s4+s14], $0x40, s19, s14, $0xb8;
	[tilespmem:$0x16420] =	vst v63  }
0xb3: {  	_ =	swait.ge [sflag:s31], $0x1400  }
0xb4: {  	[sflag:s31] =	ssyncset.done $0x0  }
0xb5: {  	s21 =	simm.s32 $0x4C40;
	[sflag:s31] =	ssyncadd.s32 $0xFFFFEC00  }
0xb6: {  	[spmem:s2] =	stream.indirect.scatter.add.f32 [tilespmem:s24], [sflag:$0x7], $0x40, s21, s14, $0xb8;
	[tilespmem:$0x16420] =	vst v63  }
0xb7: {  	_ =	swait.ge [sflag:s10], $0x1400  }
0xb8: {  	[sflag:s10] =	ssyncset.done $0x0  }
0xb9: {  	[sflag:s10] =	ssyncadd.s32 $0xFFFFEC00  }
0xba: {  	_ =	swait.ge [sflag:s25], $0x1400  }
0xbb: {  	[sflag:s25] =	ssyncset.done $0x0  }
0xbc: {  	s19 =	simm.s32 $0x4C90;
	[sflag:s25] =	ssyncadd.s32 $0xFFFFEC00  }
0xbd: {  	[spmem:s2] =	stream.indirect.scatter.add.f32 [tilespmem:s15], [sflag:$0x7], $0x40, s19, s14, $0xb8;
	[tilespmem:$0x16420] =	vst v63  }
0xbe: {  	_ =	swait.ge [sflag:s10], $0x1400  }
0xbf: {  	[sflag:s10] =	ssyncset.done $0x0  }
0xc0: {  	[sflag:s10] =	ssyncadd.s32 $0xFFFFEC00  }
0xc1: {  	_ =	swait.ge [sflag:s26], $0x1400  }
0xc2: {  	[sflag:s26] =	ssyncset.done $0x0  }
0xc3: {  	s21 =	simm.s32 $0x4CE0;
	[sflag:s26] =	ssyncadd.s32 $0xFFFFEC00  }
0xc4: {  	[spmem:s2] =	stream.indirect.scatter.add.f32 [tilespmem:s16], [sflag:$0x7], $0x40, s21, s14, $0xb8;
	[tilespmem:$0x16420] =	vst v63  }
0xc5: {  	_ =	swait.ge [sflag:s10], $0x1400  }
0xc6: {  	[sflag:s10] =	ssyncset.done $0x0  }
0xc7: {  	[sflag:s10] =	ssyncadd.s32 $0xFFFFEC00  }
0xc8: {  	_ =	swait.ge [sflag:s28], $0x1400  }
0xc9: {  	[sflag:s28] =	ssyncset.done $0x0  }
0xca: {  	[sflag:s28] =	ssyncadd.s32 $0xFFFFEC00  }
0xcb: {  	[spmem:s2] =	stream.indirect.scatter.add.f32 [tilespmem:s18], [sflag:$0x7], $0x40, s23, s14, $0xb8;
	[tilespmem:$0x16420] =	vst v63  }
0xcc: {  	_ =	swait.ge [sflag:s10], $0x1400  }
0xcd: {  	[sflag:s10] =	ssyncset.done $0x0  }
0xce: {  	[sflag:s10] =	ssyncadd.s32 $0xFFFFEC00  }
0xcf: {  	_ =	swait.ge [sflag:s29], $0x1400  }
0xd0: {  	[sflag:s29] =	ssyncset.done $0x0  }
0xd1: {  	[sflag:s29] =	ssyncadd.s32 $0xFFFFEC00  }
0xd2: {  	[spmem:s2] =	stream.indirect.scatter.add.f32 [tilespmem:s20], [sflag:$0x7], $0x40, s1, s14, $0xb8;
	[tilespmem:$0x16420] =	vst v63  }
0xd3: {  	_ =	swait.ge [sflag:s10], $0x1400  }
0xd4: {  	[sflag:s10] =	ssyncset.done $0x0  }
0xd5: {  	[sflag:s10] =	ssyncadd.s32 $0xFFFFEC00  }
0xd6: {  	_ =	swait.ge [sflag:s30], $0x1400  }
0xd7: {  	[sflag:s30] =	ssyncset.done $0x0  }
0xd8: {  	[sflag:s30] =	ssyncadd.s32 $0xFFFFEC00  }
0xd9: {  	[spmem:s2] =	stream.indirect.scatter.add.f32 [tilespmem:s22], [sflag:$0x7], $0x40, s0, s14, $0xb8;
	[tilespmem:$0x16420] =	vst v63  }
0xda: {  	_ =	swait.ge [sflag:s10], $0x1400  }
0xdb: {  	s11 =	sadd.s32 $0x1, s11;
	[sflag:s10] =	ssyncset.done $0x0  }
0xdc: {  	p0 =	sne.s32 s11, s9;
	[sflag:s10] =	ssyncadd.s32 $0xFFFFEC00  }
.Ltmp1:
0xdd: {  	[bflag:$0x0] =	sbarrier.arrive $0xFFFF;
	(pc) =	sbr.rel @p0 .LBB2_1-.Ltmp1, $4  }
0xde: {  	[hbm:s8], [sflag:s12] =	dma.local [spmem:s13], $0x13C0  }
0xdf: {  	_ =	swait.ge [sflag:s10], $0x13C0  }
0xe0: {  	[sflag:s10] =	ssyncset.done $0x0  }
0xe1: {  	[sflag:s10] =	ssyncadd.s32 $0xFFFFEC40  }
0xe2: {  	_ =	sfence.sel $0x180000  }
0xe3: {  	[bflag:$0x0] =	sbarrier.arrive $0xFFFF  }
0xe4: {  	_ =	strace $0x9000004A  }
0xe5: {  	s0 =	stileid.u32;
	[bflag:$0x2] =	sbarrier.arrive $0xFFFF  }
0xe6: {  	p0 =	sne.s32 s0, $0x0;
	s0 =	rddreg [dreg:$0x2]  }
0xe7: {  	s0 =	sadd.s32 @!p0 $0x100000, s0  }
0xe8: {  	[sflag:s0] =	ssyncadd.tile.s32 @!p0 $0x1;
	_ =	shalt  }
.Lfunc_end2:
_tile_overlayer_lowered:
.L_overlay_start_2:
0xe9: {  	(tag) =	ssettag $0x2  }
0xea: {  	s0 =	rddreg [dreg:$0x0];
	s2 =	stileid.u32  }
0xeb: {  	s1 =	rddreg [dreg:$0x1];
	p0 =	sne.s32 s2, $0x0  }
0xec: {  	s3 =	rddreg [dreg:$0x2];
	[bflag:$0x3] =	sbarrier.arrive $0xFFFF;
	s2 =	simm.s32 @!p0 $0x1C07  }
0xed: {  	[timem:s3], [sflag:s2] =	dma.local @!p0 [hbm:s0], s1  }
0xee: {  	s0 =	simm.s32 @!p0 $0x7  }
0xef: {  	_ =	swait.ge @!p0 [sflag:s0], s1  }
0xf0: {  	s1 =	ssub.s32 @!p0 $0x0, s1;
	[sflag:s0] =	ssyncset.done @!p0 $0x0  }
0xf1: {  	[sflag:s0] =	ssyncadd.s32 @!p0 s1  }
0xf2: {  	[bflag:$0x3] =	sbarrier.arrive $0xFFFF  }
0xf3: {  	_ =	shalt  }

// kernel: kernel.7.cloned.1.call-start
scs
__scs_entry_jumppad:
0x0: {  	(pc) =	sbr.rel $0x88, $3  }
0x1: {  	(tag) =	ssettag $0x0;
	lr =	simm.s32 $0x1  }
0x2: {  	[smem:$0x3F95] =	sst lr;
	_ =	strace $0xD0000000  }
0x3: {  	_ = 	snop  }
0x4: {  	_ = 	snop  }
0x5: {  	_ = 	snop  }
0x6: {  	_ = 	snop  }
0x7: {  	_ = 	snop  }
__scs_overlays_trampoline_lowered:
0x8: {  	[smem:$0x3FA4] =	sst s0  }
0x9: {  	[smem:$0x3FA5] =	sst s1  }
0xa: {  	[smem:$0x3FA6] =	sst s2  }
0xb: {  	[smem:$0x3FA7] =	sst s3  }
0xc: {  	[smem:$0x3FA8] =	sst s4  }
0xd: {  	[smem:$0x3FA9] =	sst s5  }
0xe: {  	[smem:$0x3FAA] =	sst s6  }
0xf: {  	[smem:$0x3FAB] =	sst s7  }
0x10: {  	[smem:$0x3FAC] =	sst s8  }
0x11: {  	[smem:$0x3FAD] =	sst s9;
	s0 =	simm.s32 @!p0 $0x0  }
0x12: {  	s1 =	sld [smem:$0x3F93];
	s0 =	simm.s32 @p0 $0x1  }
0x13: {  	[smem:$0x3FAE] =	sst s0;
	s0 =	simm.s32 @!p1 $0x0  }
0x14: {  	s2 =	sld [smem:$0x3F92];
	s0 =	simm.s32 @p1 $0x1  }
0x15: {  	[smem:$0x3FAF] =	sst s0;
	s0 =	simm.s32 @!p2 $0x0  }
0x16: {  	s3 =	sld [smem:$0x3FDB];
	s0 =	simm.s32 @p2 $0x1  }
0x17: {  	s4 =	simm.s32 $0x1BF5;
	[smem:$0x3FB1] =	sst s0  }
0x18: {  	s0 =	sld [smem:$0x3F94];
	_ =	swait.ge [sflag:s4], $0x0  }
0x19: {  	s7 =	sld [smem:$0x3F95]  }
0x1a: {  	s8 =	sadd.s32 $0xFFFFE003, lr  }
0x1b: {  	s9 =	sadd.s32 $0xFFFFFEF7, lr;
	s5 =	simm.s32 $0xFFFFFFFF;
	p2 =	slt.u32 s8, $0xFFFFF086  }
0x1c: {  	p1 =	slt.u32 s9, $0xF7A;
	s5 =	simm.s32 @!p2 $0x0  }
0x1d: {  	s5 =	simm.s32 @p1 $0x1;
	p0 =	seq.s32 s7, s2  }
0x1e: {  	s7 =	smul.u32 @!p0 $0xF7A, s2;
	p2 =	seq.s32 @!p0 s5, $0x0  }
0x1f: {  	s9 =	smul.u32 $0xF7A, s1;
	s8 =	simm.s32 @!p0 $0x1BF5;
	p2 =	por !p2, p0  }
0x20: {  	[sflag:s8] =	ssyncset.s32 @!p0 $0xFFFFF086;
	s6 =	sadd.s32 @!p0 s3, s7;
	s7 =	simm.s32 @!p0 $0x108  }
0x21: {  	s3 =	sadd.s32 s3, s9;
	s6 =	sadd.s32 @!p0 $0x88, s6;
	s7 =	simm.s32 @p2 $0x1082  }
0x22: {  	[simem:s7], [sflag:s8] =	dma.local @!p0 [hbm:s6], $0xF7A  }
0x23: {  	s9 =	sor.u32 $0xD0000000, s2;
	s6 =	simm.s32 $0x108;
	_ =	swait.ge @!p0 [sflag:s8], $0x0  }
0x24: {  	s3 =	sadd.s32 $0x88, s3;
	s6 =	simm.s32 @!p1 $0x1082;
	[sflag:s4] =	ssyncset.s32 $0xFFFFF086  }
0x25: {  	[simem:s6], [sflag:s4] =	dma.local [hbm:s3], $0xF7A  }
0x26: {  	[smem:$0x3F95] =	sst s1;
	(tag) =	ssettag s2;
	_ =	strace s9  }
0x27: {  	s1 =	sld [smem:$0x3FA5]  }
0x28: {  	s2 =	sld [smem:$0x3FA6]  }
0x29: {  	s4 =	sld [smem:$0x3FA8]  }
0x2a: {  	p0 =	seq.s32 s5, $0x0;
	s5 =	sld [smem:$0x3FA9]  }
0x2b: {  	s6 =	sld [smem:$0x3FAA]  }
0x2c: {  	s7 =	sld [smem:$0x3FAB]  }
0x2d: {  	s3 =	simm.s32 $0x108;
	s8 =	sld [smem:$0x3FAC]  }
0x2e: {  	s3 =	simm.s32 @!p0 $0x1082;
	s9 =	sld [smem:$0x3FAD]  }
0x2f: {  	lr =	sadd.s32 s0, s3;
	s0 =	sld [smem:$0x3FA4]  }
0x30: {  	s3 =	sld [smem:$0x3FA7]  }
0x31: {  	[smem:$0x3FB0] =	sst s10  }
0x32: {  	s10 =	sld [smem:$0x3FAE];
	_ =	sdelay $0x3  }
0x33: {  	p0 =	seq.s32 s10, $0x1;
	s10 =	sld [smem:$0x3FB0];
	_ =	sdelay $0x3  }
0x34: {  	[smem:$0x3FB0] =	sst s10  }
0x35: {  	s10 =	sld [smem:$0x3FAF];
	_ =	sdelay $0x3  }
0x36: {  	p1 =	seq.s32 s10, $0x1;
	s10 =	sld [smem:$0x3FB0];
	_ =	sdelay $0x3  }
0x37: {  	[smem:$0x3FB0] =	sst s10  }
0x38: {  	s10 =	sld [smem:$0x3FB1]  }
0x39: {  	_ = 	snop;
	(pc) =	sbr.ind lr, $3  }
0x3a: {  	_ = 	snop  }
0x3b: {  	_ = 	snop  }
0x3c: {  	p2 =	seq.s32 s10, $0x1;
	s10 =	sld [smem:$0x3FB0]  }
0x3d: {  	_ =	shalt  }
0x3e: {  	_ =	shalt  }
0x3f: {  	_ =	shalt  }
0x40: {  	_ =	shalt  }
0x41: {  	_ =	shalt  }
0x42: {  	_ =	shalt  }
0x43: {  	_ =	shalt  }
0x44: {  	_ =	shalt  }
0x45: {  	_ =	shalt  }
0x46: {  	_ =	shalt  }
0x47: {  	_ =	shalt  }
0x48: {  	_ =	shalt  }
0x49: {  	_ =	shalt  }
0x4a: {  	_ =	shalt  }
0x4b: {  	_ =	shalt  }
0x4c: {  	_ =	shalt  }
0x4d: {  	_ =	shalt  }
0x4e: {  	_ =	shalt  }
0x4f: {  	_ =	shalt  }
0x50: {  	_ =	shalt  }
0x51: {  	_ =	shalt  }
0x52: {  	_ =	shalt  }
0x53: {  	_ =	shalt  }
0x54: {  	_ =	shalt  }
0x55: {  	_ =	shalt  }
0x56: {  	_ =	shalt  }
0x57: {  	_ =	shalt  }
0x58: {  	_ =	shalt  }
0x59: {  	_ =	shalt  }
0x5a: {  	_ =	shalt  }
0x5b: {  	_ =	shalt  }
0x5c: {  	_ =	shalt  }
0x5d: {  	_ =	shalt  }
0x5e: {  	_ =	shalt  }
0x5f: {  	_ =	shalt  }
0x60: {  	_ =	shalt  }
0x61: {  	_ =	shalt  }
0x62: {  	_ =	shalt  }
0x63: {  	_ =	shalt  }
0x64: {  	_ =	shalt  }
0x65: {  	_ =	shalt  }
0x66: {  	_ =	shalt  }
0x67: {  	_ =	shalt  }
0x68: {  	_ =	shalt  }
0x69: {  	_ =	shalt  }
0x6a: {  	_ =	shalt  }
0x6b: {  	_ =	shalt  }
0x6c: {  	_ =	shalt  }
0x6d: {  	_ =	shalt  }
0x6e: {  	_ =	shalt  }
0x6f: {  	_ =	shalt  }
0x70: {  	_ =	shalt  }
0x71: {  	_ =	shalt  }
0x72: {  	_ =	shalt  }
0x73: {  	_ =	shalt  }
0x74: {  	_ =	shalt  }
0x75: {  	_ =	shalt  }
0x76: {  	_ =	shalt  }
0x77: {  	_ =	shalt  }
0x78: {  	_ =	shalt  }
0x79: {  	_ =	shalt  }
0x7a: {  	_ =	shalt  }
0x7b: {  	_ =	shalt  }
0x7c: {  	_ =	shalt  }
0x7d: {  	_ =	shalt  }
0x7e: {  	_ =	shalt  }
0x7f: {  	_ =	shalt  }
0x80: {  	_ =	shalt  }
0x81: {  	_ =	shalt  }
0x82: {  	_ =	shalt  }
0x83: {  	_ =	shalt  }
0x84: {  	_ =	shalt  }
0x85: {  	_ =	shalt  }
0x86: {  	_ =	shalt  }
0x87: {  	_ =	shalt  }
.Lfunc_end0:
.L_simem_size_0:
called_computation_lowered:
.L_overlay_start_0:
0x88: {  	s2 =	sld [smem:$0x3FD9]  }
0x89: {  	s3 =	sld [smem:$0x3FFE];
	_ =	sdelay $0x1  }
0x8a: {  	s1 =	srdreg.scid  }
0x8b: {  	s0 =	sand.u32 $0x1, s1  }
0x8c: {  	s16 =	sshll.u32 s0, $0xA;
	s2 =	sadd.s32 s3, s2  }
0x8d: {  	s2 =	sadd.s32 s2, s16  }
0x8e: {  	[smem:$0x3FBC] =	sst s2  }
0x8f: {  	_ = 	snop  }
0x90: {  	(tm) =	ssettm $0x1  }
0x91: {  	s17 =	sld [smem:$0x3FFB];
	_ =	sdelay $0x3  }
0x92: {  	_ =	strace s17  }
0x93: {  	s2 =	sld [smem:$0x3FFC];
	_ =	sdelay $0x3  }
0x94: {  	_ =	strace s2  }
0x95: {  	s2 =	sld [smem:$0x3FFD];
	_ =	sdelay $0x3  }
0x96: {  	_ =	strace s2  }
0x97: {  	_ =	strace $0x8FFFFFFF  }
0x98: {  	s18 =	sld [smem:$0x3FDB];
	_ =	sdelay $0x1  }
0x99: {  	s19 =	simm.s32 $_scs_section_size  }
0x9a: {  	s4 =	simm.s32 $_size__tile_overlayer_lowered;
	s5 =	simm.s32 $_tile_overlayer_lowered  }
0x9b: {  	s22 =	simm.s32 $0x1BFF;
	s21 =	sshll.u32 s5, $0x1;
	s2 =	sadd.s32 s19, s18  }
0x9c: {  	s6 =	simm.s32 $0x0;
	s20 =	sshll.u32 s4, $0x1;
	s4 =	sadd.s32 s21, s2  }
0x9d: {  	[timem:s6], [sflag:s22] =	dma.local [hbm:s4], s20  }
0x9e: {  	_ =	swait.ge [sflag:s22], s20  }
0x9f: {  	s3 =	ssub.s32 $0x0, s20;
	[sflag:s22] =	ssyncset.done $0x0  }
0xa0: {  	[sflag:s22] =	ssyncadd.s32 s3;
	_ =	sdelay $0x1  }
0xa1: {  	s23 =	simm.s32 $0x1B8B  }
0xa2: {  	_ =	swait.ge [sflag:s23], $0x1  }
0xa3: {  	[sflag:s23] =	ssyncset.done $0x0  }
0xa4: {  	s25 =	simm.s32 $0x1B8E;
	s24 =	sld [smem:$0x3FFE];
	[sflag:s23] =	ssyncadd.s32 $0xFFFFFFFF  }
0xa5: {  	s26 =	simm.s32 $execute0_lowered;
	[smem:$0x3FD2] =	sst s25  }
0xa6: {  	s4 =	sshll.u32 s26, $0x1;
	_ =	strace $0x80000046;
	[dreg:$0x1] =	wrdreg $0xFFFFFFFF  }
0xa7: {  	s28 =	simm.s32 $_size_execute0_lowered;
	s2 =	sadd.s32 s2, s4;
	[dreg:$0x0] =	wrdreg $0x0  }
0xa8: {  	s4 =	sshll.u32 s28, $0x1;
	[dreg:$0x2] =	wrdreg s2  }
0xa9: {  	[dreg:$0x3] =	wrdreg s4  }
0xaa: {  	[dreg:$0x4] =	wrdreg $0xC0  }
0xab: {  	_ =	task [dreg:s6], $0x5FFFF  }
0xac: {  	[dreg:$0x1] =	wrdreg $0xFFFFFFFF  }
0xad: {  	[dreg:$0x0] =	wrdreg $0x60  }
0xae: {  	[dreg:$0x2] =	wrdreg s24  }
0xaf: {  	[dreg:$0x3] =	wrdreg $0xCB200  }
0xb0: {  	[dreg:$0x4] =	wrdreg $0x169200  }
0xb1: {  	[dreg:$0x5] =	wrdreg $0x9  }
0xb2: {  	_ =	task.clear_ibuf [dreg:s6], $0x6FFFF;
	_ =	strace $0x90000046  }
0xb3: {  	s29 =	simm.s32 $0x9;
	_ =	strace $0x80000048  }
0xb4: {  	_ =	swait.ge [sflag:s29], $0x1  }
0xb5: {  	[sflag:s29] =	ssyncadd.s32 $0xFFFFFFFF  }
0xb6: {  	_ =	strace $0x90000048  }
0xb7: {  	_ =	sfence  }
0xb8: {  	s30 =	sld [smem:$0x0];
	_ =	sdelay $0x2  }
0xb9: {  	s31 =	sshll.u32 s1, $0xD;
	s1 =	sshrl.u32 s1, $0x2  }
0xba: {  	s3 =	sand.u32 $0x4000, s31;
	s1 =	sadd.s32 s1, s30  }
0xbb: {  	s0 =	sor.u32 s3, s0;
	s1 =	sshll.u32 s1, $0x11  }
0xbc: {  	s0 =	sor.u32 s1, s0  }
0xbd: {  	s0 =	sadd.s32 $0x8F2B, s0  }
0xbe: {  	[sflag:s0] =	ssyncadd.remote.s32 $0x1  }
0xbf: {  	_ =	sfence.sel $0xFFFF  }
0xc0: {  	[dreg:$0x0] =	wrdreg $0xFFFFFFFF;
	(pc) =	sbr.abs _section_cstart, $3  }
0xc1: {  	[dreg:$0x1] =	wrdreg $0xFFFFFFFF  }
0xc2: {  	_ =	task.clear_ibuf [dreg:s6], $0x2FFFF;
	_ =	strace $0x9FFFFFFF  }
0xc3: {  	(tm) =	ssettm $0x7FFFFFFF  }
tec
execute0_lowered:
.L_overlay_start_1:
0x0: {  	(tag) =	ssettag $0x1  }
0x1: {  	s0 =	srdreg.scid  }
0x2: {  	s1 =	rddreg [dreg:$0x0];
	s11 =	stileid.u32  }
0x3: {  	s2 =	rddreg [dreg:$0x1];
	s5 =	simm.s32 $0x0;
	s13 =	simm.s32 $0xD  }
0x4: {  	s18 =	simm.s32 $0x50;
	s19 =	simm.s32 $0x4E20;
	s20 =	simm.s32 $0x6220  }
0x5: {  	s29 =	simm.s32 $0xB220;
	s30 =	simm.s32 $0x1;
	s31 =	simm.s32 $0xC620  }
0x6: {  	s14 =	simm.s32 $0x4;
	s28 =	simm.s32 $0xB;
	s6 =	smul.u32 $0x9E00, s11  }
0x7: {  	s0 =	sand.u32 $0x1, s0;
	[smem:$0x7FF] =	sst s5;
	s8 =	smul.u32 $0x2780, s11  }
0x8: {  	s5 =	sadd.s32 $0x15E00, s1;
	s10 =	sadd.s32 $0x29800, s1;
	s21 =	sadd.s32 $0x2AC00, s1  }
0x9: {  	s26 =	sshll.u32 s11, $0x6;
	s3 =	sshll.u32 s0, $0x4;
	s7 =	smul.u32 $0x9E000, s0  }
0xa: {  	s9 =	smul.u32 $0x27800, s0;
	s4 =	sor.u32 s11, s3;
	s3 =	rddreg [dreg:$0x2]  }
0xb: {  	s0 =	ssub.s32 $0x2, s0;
	_ =	strace $0x80000047;
	[dreg:$0x4] =	wrdreg s10  }
0xc: {  	s15 =	sor.u32 $0x1C0D, s26;
	s26 =	simm.s32 $0x9E20;
	[dreg:$0x5] =	wrdreg s21  }
0xd: {  	s22 =	sshrl.u32 s0, $0x1;
	s24 =	sadd.s32 s6, s2;
	s21 =	simm.s32 $0x5  }
0xe: {  	s11 =	simm.s32 $0xA;
	s4 =	smul.u32 $0x2710, s4;
	s7 =	sadd.s32 s6, s7  }
0xf: {  	s9 =	sadd.s32 s8, s9;
	s0 =	ssub.s32 s0, s22;
	s25 =	sadd.s32 s8, s3  }
0x10: {  	s16 =	sshrl.u32 s24, $0x3;
	s22 =	simm.s32 $0x7620;
	s24 =	simm.s32 $0x8A20  }
0x11: {  	s6 =	simm.s32 $0x0;
	s7 =	sshrl.u32 s7, $0x3;
	s9 =	sshrl.u32 s9, $0x3  }
0x12: {  	s0 =	smax.u32 s0, $0x1;
	s10 =	sshrl.u32 s25, $0x3;
	[dreg:$0xb] =	wrdreg s16  }
0x13: {  	s4 =	sshrl.u32 s4, $0x3;
	s7 =	sadd.s32 s7, s1;
	[dreg:$0xa] =	wrdreg s0  }
0x14: {  	[dreg:$0xc] =	wrdreg s10;
	s4 =	sadd.s32 s4, s1;
	s7 =	sadd.s32 $0x35000, s7  }
0x15: {  	s25 =	simm.s32 $0xC;
	s23 =	sadd.s32 $0x2400, s4;
	[dreg:$0x8] =	wrdreg s7  }
0x16: {  	s1 =	sadd.s32 s9, s1;
	s4 =	sadd.s32 $0xC040, s4;
	[dreg:$0x6] =	wrdreg s23  }
0x17: {  	s0 =	simm.s32 $0x3;
	s1 =	sadd.s32 $0x2B200, s1;
	[dreg:$0x7] =	wrdreg s4  }
0x18: {  	s9 =	simm.s32 $0x9;
	s7 =	simm.s32 $0x8;
	[dreg:$0x9] =	wrdreg s1  }
0x19: {  	v0 =	vimm.f32 $1.000000000e+00;
	s1 =	simm.s32 $0x2;
	s23 =	simm.s32 $0x6;
	s4 =	simm.s32 $0x7  }
.LBB2_1:
0x1a: {  	s8 =	simm.s32 $0x0;
	s12 =	rddreg [dreg:$0x6]  }
0x1b: {  	[tilespmem:s8], [sflag:$0xD] =	stream.linear.gather [hbm4b:s12+s8], $0x2710, $0x38;
	[tilespmem:$0x190A0] =	vst v63  }
0x1c: {  	_ =	swait.ge [sflag:s13], $0x2710  }
0x1d: {  	s17 =	smov.u32 s10;
	[sflag:s13] =	ssyncset.done $0x0  }
0x1e: {  	s12 =	simm.s32 $0x2710;
	s10 =	rddreg [dreg:$0x7];
	[sflag:s13] =	ssyncadd.s32 $0xFFFFD8F0  }
0x1f: {  	[tilespmem:s12], [sflag:$0xD] =	stream.linear.gather [hbm4b:s10+s8], $0x2710, $0x38;
	[tilespmem:$0x190A0] =	vst v63  }
0x20: {  	_ =	swait.ge [sflag:s13], $0x2710  }
0x21: {  	[sflag:s13] =	ssyncset.done $0x0  }
0x22: {  	s12 =	rddreg [dreg:$0x4];
	[sflag:s13] =	ssyncadd.s32 $0xFFFFD8F0  }
0x23: {  	[spmem:s16], [sflag:s15] =	dma.local [hbm:s12], $0x13C0  }
0x24: {  	_ =	swait.ge [sflag:s13], $0x13C0  }
0x25: {  	[sflag:s13] =	ssyncset.done $0x0  }
0x26: {  	s16 =	rddreg [dreg:$0x5];
	[sflag:s13] =	ssyncadd.s32 $0xFFFFEC40  }
0x27: {  	[spmem:s17], [sflag:s15] =	dma.local [hbm:s16], $0x4F0  }
0x28: {  	_ =	swait.ge [sflag:s13], $0x4F0  }
0x29: {  	[sflag:s13] =	ssyncset.done $0x0  }
0x2a: {  	s8 =	simm.s32 $0x40;
	s10 =	simm.s32 $0x0;
	[sflag:s13] =	ssyncadd.s32 $0xFFFFFB10  }
.LBB2_2:
0x2b: {  	p0 =	sne.s32 s8, $0x13C0;
	[tilespmem:s10+$0xC620] =	vst v0;
	s10 =	smov.u32 s8;
	s8 =	sadd.s32 $0x40, s8  }
.Ltmp0:
0x2c: {  	(pc) =	sbr.rel @p0 .LBB2_2-.Ltmp0, $2  }
0x2d: {  	_ =	sdelay $0x2  }
0x2e: {  	s10 =	sshra.s32 s10, $0x2  }
0x2f: {  	[tilespmem:s10+$0xC620] =	vst v0  }
0x30: {  	s8 =	simm.s32 $0x0;
	[bflag:$0x0] =	sbarrier.arrive $0xFFFF  }
0x31: {  	[tilespmem:s19], [sflag:$0x1] =	stream.indirect.gather [hbm4b:s5+s18], $0x40, s8, s18, $0xb8;
	[tilespmem:$0x190A0] =	vst v63  }
0x32: {  	_ = 	snop  }
0x33: {  	[tilespmem:s20], [sflag:$0x2] =	stream.indirect.gather [hbm4b:s5+s18], $0x40, s18, s18, $0xb8;
	[tilespmem:$0x190A0] =	vst v63  }
0x34: {  	s17 =	simm.s32 $0xA0  }
0x35: {  	[tilespmem:s22], [sflag:$0x3] =	stream.indirect.gather [hbm4b:s5+s18], $0x40, s17, s18, $0xb8;
	[tilespmem:$0x190A0] =	vst v63  }
0x36: {  	s12 =	simm.s32 $0xF0  }
0x37: {  	[tilespmem:s24], [sflag:$0x4] =	stream.indirect.gather [hbm4b:s5+s18], $0x40, s12, s18, $0xb8;
	[tilespmem:$0x190A0] =	vst v63  }
.Ltmp1:
0x38: {  	_ = 	snop;
	(pc) =	sbr.rel .LBB2_4-.Ltmp1, $4  }
0x39: {  	s16 =	simm.s32 $0x140  }
0x3a: {  	[tilespmem:s26], [sflag:$0x5] =	stream.indirect.gather [hbm4b:s5+s18], $0x40, s16, s18, $0xb8;
	[tilespmem:$0x190A0] =	vst v63  }
0x3b: {  	s10 =	simm.s32 $0x13;
	s17 =	simm.s32 $0x190  }
0x3c: {  	[tilespmem:s29], [sflag:$0x6] =	stream.indirect.gather [hbm4b:s5+s18], $0x40, s17, s18, $0xb8;
	[tilespmem:$0x190A0] =	vst v63  }
.LBB2_5:
0x3d: {  	[spmem:s3] =	stream.indirect.scatter.add.f32 [tilespmem:s31], [sflag:$0xC], $0x10, s16, s18, $0xb8;
	[tilespmem:$0x190A0] =	vst v63  }
.LBB2_7:
0x3e: {  	s12 =	sadd.s32 $0x370, s12;
	s10 =	sadd.s32 $0xFFFFFFFF, s10;
	s8 =	sadd.s32 $0x780, s8  }
0x3f: {  	[tilespmem:s29], [sflag:$0x6] =	stream.indirect.gather [hbm4b:s5+s18], $0x40, s12, s18, $0xb8;
	[tilespmem:$0x190A0] =	vst v63  }
.LBB2_4:
0x40: {  	_ =	swait.ge [sflag:s30], $0x1400  }
0x41: {  	s12 =	sshra.s32 s8, $0x2;
	[sflag:s30] =	ssyncset.done $0x0  }
0x42: {  	s16 =	sadd.s32 $0x2710, s12;
	[sflag:s30] =	ssyncadd.s32 $0xFFFFEC00  }
0x43: {  	[spmem:s2] =	stream.indirect.scatter.add.f32 [tilespmem:s19], [sflag:$0xD], $0x40, s16, s18, $0xb8;
	[tilespmem:$0x190A0] =	vst v63  }
0x44: {  	_ =	swait.ge [sflag:s13], $0x1400  }
0x45: {  	p0 =	seq.s32 s10, $0x13;
	[sflag:s13] =	ssyncset.done $0x0  }
0x46: {  	s17 =	simm.s32 @!p0 $0x7;
	[sflag:s13] =	ssyncadd.s32 $0xFFFFEC00  }
0x47: {  	_ =	swait.ge @!p0 [sflag:s17], $0x500  }
0x48: {  	[sflag:s17] =	ssyncset.done @!p0 $0x0  }
0x49: {  	[sflag:s17] =	ssyncadd.s32 @!p0 $0xFFFFFB00  }
0x4a: {  	[spmem:s3] =	stream.indirect.scatter.add.f32 [tilespmem:s31], [sflag:$0x7], $0x10, s16, s18, $0xb8;
	[tilespmem:$0x190A0] =	vst v63  }
0x4b: {  	s17 =	sadd.s32 $0x1E0, s12  }
0x4c: {  	[tilespmem:s19], [sflag:$0x1] =	stream.indirect.gather [hbm4b:s5+s18], $0x40, s17, s18, $0xb8;
	[tilespmem:$0x190A0] =	vst v63  }
0x4d: {  	_ =	swait.ge [sflag:s1], $0x1400  }
0x4e: {  	[sflag:s1] =	ssyncset.done $0x0  }
0x4f: {  	s16 =	sadd.s32 $0x2760, s12;
	[sflag:s1] =	ssyncadd.s32 $0xFFFFEC00  }
0x50: {  	[spmem:s2] =	stream.indirect.scatter.add.f32 [tilespmem:s20], [sflag:$0xD], $0x40, s16, s18, $0xb8;
	[tilespmem:$0x190A0] =	vst v63  }
0x51: {  	_ =	swait.ge [sflag:s13], $0x1400  }
0x52: {  	[sflag:s13] =	ssyncset.done $0x0  }
0x53: {  	s17 =	simm.s32 @!p0 $0x8;
	[sflag:s13] =	ssyncadd.s32 $0xFFFFEC00  }
0x54: {  	_ =	swait.ge @!p0 [sflag:s17], $0x500  }
0x55: {  	[sflag:s17] =	ssyncset.done @!p0 $0x0  }
0x56: {  	[sflag:s17] =	ssyncadd.s32 @!p0 $0xFFFFFB00  }
0x57: {  	[spmem:s3] =	stream.indirect.scatter.add.f32 [tilespmem:s31], [sflag:$0x8], $0x10, s16, s18, $0xb8;
	[tilespmem:$0x190A0] =	vst v63  }
0x58: {  	s17 =	sadd.s32 $0x230, s12  }
0x59: {  	[tilespmem:s20], [sflag:$0x2] =	stream.indirect.gather [hbm4b:s5+s18], $0x40, s17, s18, $0xb8;
	[tilespmem:$0x190A0] =	vst v63  }
0x5a: {  	_ =	swait.ge [sflag:s0], $0x1400  }
0x5b: {  	[sflag:s0] =	ssyncset.done $0x0  }
0x5c: {  	s16 =	sadd.s32 $0x27B0, s12;
	[sflag:s0] =	ssyncadd.s32 $0xFFFFEC00  }
0x5d: {  	[spmem:s2] =	stream.indirect.scatter.add.f32 [tilespmem:s22], [sflag:$0xD], $0x40, s16, s18, $0xb8;
	[tilespmem:$0x190A0] =	vst v63  }
0x5e: {  	_ =	swait.ge [sflag:s13], $0x1400  }
0x5f: {  	[sflag:s13] =	ssyncset.done $0x0  }
0x60: {  	s17 =	simm.s32 @!p0 $0x9;
	[sflag:s13] =	ssyncadd.s32 $0xFFFFEC00  }
0x61: {  	_ =	swait.ge @!p0 [sflag:s17], $0x500  }
0x62: {  	[sflag:s17] =	ssyncset.done @!p0 $0x0  }
0x63: {  	[sflag:s17] =	ssyncadd.s32 @!p0 $0xFFFFFB00  }
0x64: {  	[spmem:s3] =	stream.indirect.scatter.add.f32 [tilespmem:s31], [sflag:$0x9], $0x10, s16, s18, $0xb8;
	[tilespmem:$0x190A0] =	vst v63  }
0x65: {  	s17 =	sadd.s32 $0x280, s12  }
0x66: {  	[tilespmem:s22], [sflag:$0x3] =	stream.indirect.gather [hbm4b:s5+s18], $0x40, s17, s18, $0xb8;
	[tilespmem:$0x190A0] =	vst v63  }
0x67: {  	_ =	swait.ge [sflag:s14], $0x1400  }
0x68: {  	[sflag:s14] =	ssyncset.done $0x0  }
0x69: {  	s16 =	sadd.s32 $0x2800, s12;
	[sflag:s14] =	ssyncadd.s32 $0xFFFFEC00  }
0x6a: {  	[spmem:s2] =	stream.indirect.scatter.add.f32 [tilespmem:s24], [sflag:$0xD], $0x40, s16, s18, $0xb8;
	[tilespmem:$0x190A0] =	vst v63  }
0x6b: {  	_ =	swait.ge [sflag:s13], $0x1400  }
0x6c: {  	[sflag:s13] =	ssyncset.done $0x0  }
0x6d: {  	s17 =	simm.s32 @!p0 $0xA;
	[sflag:s13] =	ssyncadd.s32 $0xFFFFEC00  }
0x6e: {  	_ =	swait.ge @!p0 [sflag:s17], $0x500  }
0x6f: {  	[sflag:s17] =	ssyncset.done @!p0 $0x0  }
0x70: {  	[sflag:s17] =	ssyncadd.s32 @!p0 $0xFFFFFB00  }
0x71: {  	[spmem:s3] =	stream.indirect.scatter.add.f32 [tilespmem:s31], [sflag:$0xA], $0x10, s16, s18, $0xb8;
	[tilespmem:$0x190A0] =	vst v63  }
0x72: {  	s17 =	sadd.s32 $0x2D0, s12  }
0x73: {  	[tilespmem:s24], [sflag:$0x4] =	stream.indirect.gather [hbm4b:s5+s18], $0x40, s17, s18, $0xb8;
	[tilespmem:$0x190A0] =	vst v63  }
0x74: {  	_ =	swait.ge [sflag:s21], $0x1400  }
0x75: {  	[sflag:s21] =	ssyncset.done $0x0  }
0x76: {  	s16 =	sadd.s32 $0x2850, s12;
	[sflag:s21] =	ssyncadd.s32 $0xFFFFEC00  }
0x77: {  	[spmem:s2] =	stream.indirect.scatter.add.f32 [tilespmem:s26], [sflag:$0xD], $0x40, s16, s18, $0xb8;
	[tilespmem:$0x190A0] =	vst v63  }
0x78: {  	_ =	swait.ge [sflag:s13], $0x1400  }
0x79: {  	[sflag:s13] =	ssyncset.done $0x0  }
0x7a: {  	s17 =	simm.s32 @!p0 $0xB;
	[sflag:s13] =	ssyncadd.s32 $0xFFFFEC00  }
0x7b: {  	_ =	swait.ge @!p0 [sflag:s17], $0x500  }
0x7c: {  	[sflag:s17] =	ssyncset.done @!p0 $0x0  }
0x7d: {  	[sflag:s17] =	ssyncadd.s32 @!p0 $0xFFFFFB00  }
0x7e: {  	[spmem:s3] =	stream.indirect.scatter.add.f32 [tilespmem:s31], [sflag:$0xB], $0x10, s16, s18, $0xb8;
	[tilespmem:$0x190A0] =	vst v63  }
0x7f: {  	s17 =	sadd.s32 $0x320, s12  }
0x80: {  	[tilespmem:s26], [sflag:$0x5] =	stream.indirect.gather [hbm4b:s5+s18], $0x40, s17, s18, $0xb8;
	[tilespmem:$0x190A0] =	vst v63  }
0x81: {  	_ =	swait.ge [sflag:s23], $0x1400  }
0x82: {  	p0 =	sne.s32 s10, $0x13;
	[sflag:s23] =	ssyncset.done $0x0  }
.Ltmp2:
0x83: {  	s16 =	sadd.s32 $0x28A0, s12;
	[sflag:s23] =	ssyncadd.s32 $0xFFFFEC00;
	(pc) =	sbr.rel @!p0 .LBB2_5-.Ltmp2, $4  }
0x84: {  	[spmem:s2] =	stream.indirect.scatter.add.f32 [tilespmem:s29], [sflag:$0xD], $0x40, s16, s18, $0xb8;
	[tilespmem:$0x190A0] =	vst v63  }
0x85: {  	_ =	swait.ge [sflag:s13], $0x1400  }
0x86: {  	[sflag:s13] =	ssyncset.done $0x0  }
0x87: {  	[sflag:s13] =	ssyncadd.s32 $0xFFFFEC00  }
0x88: {  	p0 =	seq.s32 s10, $0x0  }
.Ltmp3:
0x89: {  	_ = 	snop;
	(pc) =	sbr.rel @!p0 .LBB2_7-.Ltmp3, $4  }
0x8a: {  	_ =	swait.ge [sflag:s25], $0x500  }
0x8b: {  	[sflag:s25] =	ssyncset.done $0x0  }
0x8c: {  	[sflag:s25] =	ssyncadd.s32 $0xFFFFFB00  }
0x8d: {  	[spmem:s3] =	stream.indirect.scatter.add.f32 [tilespmem:s31], [sflag:$0xC], $0x10, s16, s18, $0xb8;
	[tilespmem:$0x190A0] =	vst v63  }
0x8e: {  	_ =	swait.ge [sflag:s30], $0x1400  }
0x8f: {  	[sflag:s30] =	ssyncset.done $0x0  }
0x90: {  	s8 =	simm.s32 $0x4C90;
	[sflag:s30] =	ssyncadd.s32 $0xFFFFEC00  }
0x91: {  	[spmem:s2] =	stream.indirect.scatter.add.f32 [tilespmem:s19], [sflag:$0xD], $0x40, s8, s18, $0xb8;
	[tilespmem:$0x190A0] =	vst v63  }
0x92: {  	_ =	swait.ge [sflag:s13], $0x1400  }
0x93: {  	[sflag:s13] =	ssyncset.done $0x0  }
0x94: {  	[sflag:s13] =	ssyncadd.s32 $0xFFFFEC00  }
0x95: {  	_ =	swait.ge [sflag:s4], $0x500  }
0x96: {  	[sflag:s4] =	ssyncset.done $0x0  }
0x97: {  	[sflag:s4] =	ssyncadd.s32 $0xFFFFFB00  }
0x98: {  	[spmem:s3] =	stream.indirect.scatter.add.f32 [tilespmem:s31], [sflag:$0x7], $0x10, s8, s18, $0xb8;
	[tilespmem:$0x190A0] =	vst v63  }
0x99: {  	_ =	swait.ge [sflag:s1], $0x1400  }
0x9a: {  	[sflag:s1] =	ssyncset.done $0x0  }
0x9b: {  	s10 =	simm.s32 $0x4CE0;
	[sflag:s1] =	ssyncadd.s32 $0xFFFFEC00  }
0x9c: {  	[spmem:s2] =	stream.indirect.scatter.add.f32 [tilespmem:s20], [sflag:$0xD], $0x40, s10, s18, $0xb8;
	[tilespmem:$0x190A0] =	vst v63  }
0x9d: {  	_ =	swait.ge [sflag:s13], $0x1400  }
0x9e: {  	[sflag:s13] =	ssyncset.done $0x0  }
0x9f: {  	[sflag:s13] =	ssyncadd.s32 $0xFFFFEC00  }
0xa0: {  	_ =	swait.ge [sflag:s7], $0x500  }
0xa1: {  	[sflag:s7] =	ssyncset.done $0x0  }
0xa2: {  	[sflag:s7] =	ssyncadd.s32 $0xFFFFFB00  }
0xa3: {  	[spmem:s3] =	stream.indirect.scatter.add.f32 [tilespmem:s31], [sflag:$0x8], $0x10, s10, s18, $0xb8;
	[tilespmem:$0x190A0] =	vst v63  }
0xa4: {  	_ =	swait.ge [sflag:s0], $0x1400  }
0xa5: {  	[sflag:s0] =	ssyncset.done $0x0  }
0xa6: {  	s12 =	simm.s32 $0x4D30;
	[sflag:s0] =	ssyncadd.s32 $0xFFFFEC00  }
0xa7: {  	[spmem:s2] =	stream.indirect.scatter.add.f32 [tilespmem:s22], [sflag:$0xD], $0x40, s12, s18, $0xb8;
	[tilespmem:$0x190A0] =	vst v63  }
0xa8: {  	_ =	swait.ge [sflag:s13], $0x1400  }
0xa9: {  	[sflag:s13] =	ssyncset.done $0x0  }
0xaa: {  	[sflag:s13] =	ssyncadd.s32 $0xFFFFEC00  }
0xab: {  	_ =	swait.ge [sflag:s9], $0x500  }
0xac: {  	[sflag:s9] =	ssyncset.done $0x0  }
0xad: {  	[sflag:s9] =	ssyncadd.s32 $0xFFFFFB00  }
0xae: {  	[spmem:s3] =	stream.indirect.scatter.add.f32 [tilespmem:s31], [sflag:$0x9], $0x10, s12, s18, $0xb8;
	[tilespmem:$0x190A0] =	vst v63  }
0xaf: {  	_ =	swait.ge [sflag:s14], $0x1400  }
0xb0: {  	[sflag:s14] =	ssyncset.done $0x0  }
0xb1: {  	s16 =	simm.s32 $0x4D80;
	[sflag:s14] =	ssyncadd.s32 $0xFFFFEC00  }
0xb2: {  	[spmem:s2] =	stream.indirect.scatter.add.f32 [tilespmem:s24], [sflag:$0xD], $0x40, s16, s18, $0xb8;
	[tilespmem:$0x190A0] =	vst v63  }
0xb3: {  	_ =	swait.ge [sflag:s13], $0x1400  }
0xb4: {  	[sflag:s13] =	ssyncset.done $0x0  }
0xb5: {  	[sflag:s13] =	ssyncadd.s32 $0xFFFFEC00  }
0xb6: {  	_ =	swait.ge [sflag:s11], $0x500  }
0xb7: {  	[sflag:s11] =	ssyncset.done $0x0  }
0xb8: {  	[sflag:s11] =	ssyncadd.s32 $0xFFFFFB00  }
0xb9: {  	[spmem:s3] =	stream.indirect.scatter.add.f32 [tilespmem:s31], [sflag:$0xA], $0x10, s16, s18, $0xb8;
	[tilespmem:$0x190A0] =	vst v63  }
0xba: {  	_ =	swait.ge [sflag:s21], $0x1400  }
0xbb: {  	[sflag:s21] =	ssyncset.done $0x0  }
0xbc: {  	s17 =	simm.s32 $0x4DD0;
	[sflag:s21] =	ssyncadd.s32 $0xFFFFEC00  }
0xbd: {  	[spmem:s2] =	stream.indirect.scatter.add.f32 [tilespmem:s26], [sflag:$0xD], $0x40, s17, s18, $0xb8;
	[tilespmem:$0x190A0] =	vst v63  }
0xbe: {  	_ =	swait.ge [sflag:s13], $0x1400  }
0xbf: {  	[sflag:s13] =	ssyncset.done $0x0  }
0xc0: {  	[sflag:s13] =	ssyncadd.s32 $0xFFFFEC00  }
0xc1: {  	_ =	swait.ge [sflag:s28], $0x500  }
0xc2: {  	[sflag:s28] =	ssyncset.done $0x0  }
0xc3: {  	[sflag:s28] =	ssyncadd.s32 $0xFFFFFB00  }
0xc4: {  	[spmem:s3] =	stream.indirect.scatter.add.f32 [tilespmem:s31], [sflag:$0xB], $0x10, s17, s18, $0xb8;
	[tilespmem:$0x190A0] =	vst v63  }
0xc5: {  	_ =	swait.ge [sflag:s4], $0x500  }
0xc6: {  	[sflag:s4] =	ssyncset.done $0x0  }
0xc7: {  	[sflag:s4] =	ssyncadd.s32 $0xFFFFFB00  }
0xc8: {  	_ =	swait.ge [sflag:s7], $0x500  }
0xc9: {  	[sflag:s7] =	ssyncset.done $0x0  }
0xca: {  	[sflag:s7] =	ssyncadd.s32 $0xFFFFFB00  }
0xcb: {  	_ =	swait.ge [sflag:s9], $0x500  }
0xcc: {  	[sflag:s9] =	ssyncset.done $0x0  }
0xcd: {  	[sflag:s9] =	ssyncadd.s32 $0xFFFFFB00  }
0xce: {  	_ =	swait.ge [sflag:s11], $0x500  }
0xcf: {  	[sflag:s11] =	ssyncset.done $0x0  }
0xd0: {  	[sflag:s11] =	ssyncadd.s32 $0xFFFFFB00  }
0xd1: {  	_ =	swait.ge [sflag:s28], $0x500  }
0xd2: {  	[sflag:s28] =	ssyncset.done $0x0  }
0xd3: {  	[sflag:s28] =	ssyncadd.s32 $0xFFFFFB00  }
0xd4: {  	_ =	swait.ge [sflag:s25], $0x500  }
0xd5: {  	[sflag:s25] =	ssyncset.done $0x0  }
0xd6: {  	[sflag:s25] =	ssyncadd.s32 $0xFFFFFB00  }
0xd7: {  	[bflag:$0x0] =	sbarrier.arrive $0xFFFF  }
0xd8: {  	s10 =	rddreg [dreg:$0x8]  }
0xd9: {  	s16 =	rddreg [dreg:$0xb]  }
0xda: {  	[hbm:s10], [sflag:s15] =	dma.local [spmem:s16], $0x13C0  }
0xdb: {  	_ =	swait.ge [sflag:s13], $0x13C0  }
0xdc: {  	[sflag:s13] =	ssyncset.done $0x0;
	s12 =	rddreg [dreg:$0x9]  }
0xdd: {  	s10 =	rddreg [dreg:$0xc];
	[sflag:s13] =	ssyncadd.s32 $0xFFFFEC40  }
0xde: {  	[hbm:s12], [sflag:s15] =	dma.local [spmem:s10], $0x4F0  }
0xdf: {  	_ =	swait.ge [sflag:s13], $0x4F0  }
0xe0: {  	s6 =	sadd.s32 $0x1, s6;
	s17 =	rddreg [dreg:$0xa]  }
0xe1: {  	p0 =	sne.s32 s6, s17  }
.Ltmp4:
0xe2: {  	_ = 	snop;
	(pc) =	sbr.rel @p0 .LBB2_1-.Ltmp4, $3  }
0xe3: {  	_ =	sdelay $0x1  }
0xe4: {  	[sflag:s13] =	ssyncset.done $0x0  }
0xe5: {  	[sflag:s13] =	ssyncadd.s32 $0xFFFFFB10  }
0xe6: {  	_ =	sfence.sel $0x180000  }
0xe7: {  	[bflag:$0x0] =	sbarrier.arrive $0xFFFF  }
0xe8: {  	_ =	strace $0x90000047  }
0xe9: {  	s0 =	stileid.u32;
	[bflag:$0x2] =	sbarrier.arrive $0xFFFF  }
0xea: {  	p0 =	sne.s32 s0, $0x0;
	s0 =	rddreg [dreg:$0x3]  }
0xeb: {  	s0 =	sadd.s32 @!p0 $0x100000, s0  }
0xec: {  	[sflag:s0] =	ssyncadd.tile.s32 @!p0 $0x1;
	_ =	shalt  }
.Lfunc_end2:
_tile_overlayer_lowered:
.L_overlay_start_2:
0xed: {  	(tag) =	ssettag $0x2  }
0xee: {  	s0 =	rddreg [dreg:$0x0];
	s2 =	stileid.u32  }
0xef: {  	s1 =	rddreg [dreg:$0x1];
	p0 =	sne.s32 s2, $0x0  }
0xf0: {  	s3 =	rddreg [dreg:$0x2];
	[bflag:$0x3] =	sbarrier.arrive $0xFFFF;
	s2 =	simm.s32 @!p0 $0x1C0D  }
0xf1: {  	[timem:s3], [sflag:s2] =	dma.local @!p0 [hbm:s0], s1  }
0xf2: {  	s0 =	simm.s32 @!p0 $0xD  }
0xf3: {  	_ =	swait.ge @!p0 [sflag:s0], s1  }
0xf4: {  	s1 =	ssub.s32 @!p0 $0x0, s1;
	[sflag:s0] =	ssyncset.done @!p0 $0x0  }
0xf5: {  	[sflag:s0] =	ssyncadd.s32 @!p0 s1  }
0xf6: {  	[bflag:$0x3] =	sbarrier.arrive $0xFFFF  }
0xf7: {  	_ =	shalt  }

</sc_bundles>
